<compile_context>
chip_gen: v7x
topology: tpu7x:2x2x1
jax: 0.10.2.dev20260603
libtpu: 0.0.44.dev20260713+nightly
codegen_flags: <defaults>
</compile_context>

<pallas_src>
import functools

import jax
import jax.numpy as jnp
from jax import lax
from jax.experimental import pallas as pl
from jax.experimental.pallas import tpu as pltpu
from jax.experimental.pallas import tpu_sc as plsc

L = 16
UNROLL = 8
ROWS = 2
NBUF = 3


def _sc_pe_add(B, S_sc, D, s_off):
    NC, NS = 2, 16
    NW = NC * NS
    sw = S_sc // NW
    n_chunks = sw // ROWS
    PEEL = 2
    K = (n_chunks - PEEL) // NBUF
    assert PEEL + K * NBUF == n_chunks

    mesh = plsc.VectorSubcoreMesh(core_axis_name="c", subcore_axis_name="s")

    @functools.partial(
        pl.kernel,
        out_type=jax.ShapeDtypeStruct((B, S_sc, D), jnp.float32),
        mesh=mesh,
        scratch_types=(
            [pltpu.VMEM((B, ROWS, D), jnp.float32) for _ in range(NBUF)]
            + [pltpu.VMEM((ROWS, D), jnp.float32) for _ in range(NBUF)]
            + [pltpu.SemaphoreType.DMA for _ in range(3 * NBUF)]
        ),
    )
    def body(x_hbm, pe_hbm, out_hbm, *scratch):
        xa = scratch[0:NBUF]
        pe_v = scratch[NBUF:2 * NBUF]
        sem_ld = scratch[2 * NBUF:3 * NBUF]
        sem_pe = scratch[3 * NBUF:4 * NBUF]
        sem_st = scratch[4 * NBUF:5 * NBUF]

        wid = lax.axis_index("s") * NC + lax.axis_index("c")
        base = wid * sw

        def issue_loads(j, sl):
            sg = s_off + sl
            pltpu.async_copy(pe_hbm.at[pl.ds(sg, ROWS)], pe_v[j], sem_pe[j])
            pltpu.async_copy(x_hbm.at[:, pl.ds(sg, ROWS)], xa[j], sem_ld[j])

        def run_chunk(j, jprev, sl, drain_prev, prefetch, k=None):
            sg = s_off + sl
            pltpu.make_async_copy(
                pe_hbm.at[pl.ds(sg, ROWS)], pe_v[j], sem_pe[j]
            ).wait()
            pltpu.make_async_copy(
                x_hbm.at[:, pl.ds(sg, ROWS)], xa[j], sem_ld[j]
            ).wait()

            @plsc.parallel_loop(0, D // L, unroll=UNROLL)
            def cbody(i):
                off = i * L
                for r in range(ROWS):
                    p = pe_v[j][r, pl.ds(off, L)]
                    for b in range(B):
                        xa[j][b, r, pl.ds(off, L)] = (
                            xa[j][b, r, pl.ds(off, L)] + p
                        )

            pltpu.async_copy(xa[j], out_hbm.at[:, pl.ds(sl, ROWS)], sem_st[j])

            if drain_prev:
                pltpu.make_async_copy(
                    xa[jprev], out_hbm.at[:, pl.ds(sl, ROWS)], sem_st[jprev]
                ).wait()

            if prefetch == "always":
                issue_loads(jprev, sl + 2 * ROWS)
            elif prefetch == "guarded":
                @pl.when(k < K - 1)
                def _():
                    issue_loads(jprev, sl + 2 * ROWS)

        issue_loads(0, base)
        issue_loads(1, base + ROWS)
        run_chunk(0, NBUF - 1, base, drain_prev=False, prefetch="always")
        run_chunk(1, 0, base + ROWS, drain_prev=True, prefetch="always")

        def step(k, carry):
            for m in range(NBUF):
                c = PEEL + NBUF * k + m
                j = (PEEL + m) % NBUF
                jprev = (j - 1) % NBUF
                sl = base + c * ROWS
                guard = "always" if m == 0 else "guarded"
                run_chunk(j, jprev, sl, drain_prev=True, prefetch=guard, k=k)
            return carry

        lax.fori_loop(0, K, step, 0)

        jlast = (n_chunks - 1) % NBUF
        pltpu.make_async_copy(
            xa[jlast], out_hbm.at[:, pl.ds(base, ROWS)], sem_st[jlast]
        ).wait()

    return body


def kernel(x, pe_table):
    B, S, D = x.shape
    return _sc_pe_add(B, S, D, 0)(x, pe_table)

# --- scband reference (transcript-rebuilt; emitter-appended) ---
"""Pipeline reference for scband-learned-pe-86818468922107 (READ-ONLY COPY).

The authoritative reference and input builder live on the scoring server;
editing this copy changes nothing except your own understanding.
"""

import jax, jax.numpy as jnp
import numpy as np

D_MODEL = 4096
MAX_LEN = 2048
BATCH = 4
SEQ_LEN = 2048


def setup_inputs(seed: int = 0) -> dict:
    key = jax.random.key(seed)
    k_x, k_pe = jax.random.split(key)
    x = jax.random.normal(k_x, (BATCH, SEQ_LEN, D_MODEL), dtype=jnp.float32)
    # nn.Embedding default init: N(0, 1)
    pe_table = jax.random.normal(k_pe, (MAX_LEN, D_MODEL), dtype=jnp.float32)
    return {"x": x, "pe_table": pe_table}


def reference(x, pe_table):
    # pos = torch.arange(x.size(1)); x + self.pe(pos)
    pos = jnp.arange(x.shape[1])
    pe = jnp.take(pe_table, pos, axis=0)  # [S, D]
    return x + pe[None, :, :]

if __name__ == "__main__":
    import jax
    _d = setup_inputs()
    print(jax.jit(kernel)(*tuple(_d.values())))

</pallas_src>

<mosaic_0001>
#map = affine_map<(d0, d1) -> (0, 0, 0)>
#map1 = affine_map<(d0, d1) -> (0, 0)>
module attributes {stable_mosaic.version = 14 : i64} {
  func.func @body(%arg0: i32, %arg1: i32, %arg2: memref<4x2048x4096xf32, #tpu.memory_space<hbm>>, %arg3: memref<2048x4096xf32, #tpu.memory_space<hbm>>, %arg4: memref<4x2048x4096xf32, #tpu.memory_space<hbm>>, %arg5: memref<4x2x4096xf32, #tpu.memory_space<vmem>>, %arg6: memref<4x2x4096xf32, #tpu.memory_space<vmem>>, %arg7: memref<4x2x4096xf32, #tpu.memory_space<vmem>>, %arg8: memref<2x4096xf32, #tpu.memory_space<vmem>>, %arg9: memref<2x4096xf32, #tpu.memory_space<vmem>>, %arg10: memref<2x4096xf32, #tpu.memory_space<vmem>>, %arg11: memref<!tpu.dma_semaphore, #tpu.memory_space<semaphore_mem>>, %arg12: memref<!tpu.dma_semaphore, #tpu.memory_space<semaphore_mem>>, %arg13: memref<!tpu.dma_semaphore, #tpu.memory_space<semaphore_mem>>, %arg14: memref<!tpu.dma_semaphore, #tpu.memory_space<semaphore_mem>>, %arg15: memref<!tpu.dma_semaphore, #tpu.memory_space<semaphore_mem>>, %arg16: memref<!tpu.dma_semaphore, #tpu.memory_space<semaphore_mem>>, %arg17: memref<!tpu.dma_semaphore, #tpu.memory_space<semaphore_mem>>, %arg18: memref<!tpu.dma_semaphore, #tpu.memory_space<semaphore_mem>>, %arg19: memref<!tpu.dma_semaphore, #tpu.memory_space<semaphore_mem>>) attributes {dimension_semantics = [#tpu.dimension_semantics<core_parallel>, #tpu.dimension_semantics<subcore_parallel>], iteration_bounds = array<i64: 2, 16>, scalar_prefetch = 0 : i64, scratch_operands = 15 : i64, tpu.core_type = #tpu.core_type<sc_vector_subcore>, window_params = [{transform_indices = #map}, {transform_indices = #map1}, {transform_indices = #map}]} {
    %mul3A = arith.constant 2 : i32
    %mul3A_0 = arith.muli %arg1, %mul3A : i32
    %add3A = arith.addi %mul3A_0, %arg0 : i32
    %mul3A_1 = arith.constant 64 : i32
    %mul3A_2 = arith.muli %add3A, %mul3A_1 : i32
    %add3A_3 = arith.constant 0 : i32
    %add3A_4 = arith.addi %add3A_3, %mul3A_2 : i32
    %dma_start3A = arith.constant 0 : i32
    %dma_start3A_5 = tpu.memref_slice %arg3[%add3A_4, %dma_start3A] : memref<2048x4096xf32, #tpu.memory_space<hbm>> -> memref<2x4096xf32, #tpu.memory_space<hbm>>
    %dma_start3A_6 = arith.constant 0 : i32
    %dma_start3A_7 = tpu.memref_slice %arg3[%add3A_4, %dma_start3A_6] : memref<2048x4096xf32, #tpu.memory_space<hbm>> -> memref<2x4096xf32, #tpu.memory_space<hbm>>
    tpu.enqueue_dma source(%dma_start3A_7 : memref<2x4096xf32, #tpu.memory_space<hbm>>) target(%arg8 : memref<2x4096xf32, #tpu.memory_space<vmem>>) target_semaphore(%arg14 : memref<!tpu.dma_semaphore, #tpu.memory_space<semaphore_mem>>)
    %dma_start3A_8 = arith.constant 0 : i32
    %dma_start3A_9 = arith.constant 0 : i32
    %dma_start3A_10 = tpu.memref_slice %arg2[%dma_start3A_8, %add3A_4, %dma_start3A_9] : memref<4x2048x4096xf32, #tpu.memory_space<hbm>> -> memref<4x2x4096xf32, #tpu.memory_space<hbm>>
    %dma_start3A_11 = arith.constant 0 : i32
    %dma_start3A_12 = arith.constant 0 : i32
    %dma_start3A_13 = tpu.memref_slice %arg2[%dma_start3A_11, %add3A_4, %dma_start3A_12] : memref<4x2048x4096xf32, #tpu.memory_space<hbm>> -> memref<4x2x4096xf32, #tpu.memory_space<hbm>>
    tpu.enqueue_dma source(%dma_start3A_13 : memref<4x2x4096xf32, #tpu.memory_space<hbm>>) target(%arg5 : memref<4x2x4096xf32, #tpu.memory_space<vmem>>) target_semaphore(%arg11 : memref<!tpu.dma_semaphore, #tpu.memory_space<semaphore_mem>>)
    %add3A_14 = arith.constant 2 : i32
    %add3A_15 = arith.addi %mul3A_2, %add3A_14 : i32
    %add3A_16 = arith.constant 0 : i32
    %add3A_17 = arith.addi %add3A_16, %add3A_15 : i32
    %dma_start3A_18 = arith.constant 0 : i32
    %dma_start3A_19 = tpu.memref_slice %arg3[%add3A_17, %dma_start3A_18] : memref<2048x4096xf32, #tpu.memory_space<hbm>> -> memref<2x4096xf32, #tpu.memory_space<hbm>>
    %dma_start3A_20 = arith.constant 0 : i32
    %dma_start3A_21 = tpu.memref_slice %arg3[%add3A_17, %dma_start3A_20] : memref<2048x4096xf32, #tpu.memory_space<hbm>> -> memref<2x4096xf32, #tpu.memory_space<hbm>>
    tpu.enqueue_dma source(%dma_start3A_21 : memref<2x4096xf32, #tpu.memory_space<hbm>>) target(%arg9 : memref<2x4096xf32, #tpu.memory_space<vmem>>) target_semaphore(%arg15 : memref<!tpu.dma_semaphore, #tpu.memory_space<semaphore_mem>>)
    %dma_start3A_22 = arith.constant 0 : i32
    %dma_start3A_23 = arith.constant 0 : i32
    %dma_start3A_24 = tpu.memref_slice %arg2[%dma_start3A_22, %add3A_17, %dma_start3A_23] : memref<4x2048x4096xf32, #tpu.memory_space<hbm>> -> memref<4x2x4096xf32, #tpu.memory_space<hbm>>
    %dma_start3A_25 = arith.constant 0 : i32
    %dma_start3A_26 = arith.constant 0 : i32
    %dma_start3A_27 = tpu.memref_slice %arg2[%dma_start3A_25, %add3A_17, %dma_start3A_26] : memref<4x2048x4096xf32, #tpu.memory_space<hbm>> -> memref<4x2x4096xf32, #tpu.memory_space<hbm>>
    tpu.enqueue_dma source(%dma_start3A_27 : memref<4x2x4096xf32, #tpu.memory_space<hbm>>) target(%arg6 : memref<4x2x4096xf32, #tpu.memory_space<vmem>>) target_semaphore(%arg12 : memref<!tpu.dma_semaphore, #tpu.memory_space<semaphore_mem>>)
    %add3A_28 = arith.constant 0 : i32
    %add3A_29 = arith.addi %add3A_28, %mul3A_2 : i32
    %dma_wait3A = arith.constant 0 : i32
    %dma_wait3A_30 = tpu.memref_slice %arg3[%add3A_29, %dma_wait3A] : memref<2048x4096xf32, #tpu.memory_space<hbm>> -> memref<2x4096xf32, #tpu.memory_space<hbm>>
    %dma_wait3A_31 = arith.constant 0 : i32
    %dma_wait3A_32 = tpu.memref_slice %arg3[%add3A_29, %dma_wait3A_31] : memref<2048x4096xf32, #tpu.memory_space<hbm>> -> memref<2x4096xf32, #tpu.memory_space<hbm>>
    tpu.wait_dma2 semaphore(%arg14 : memref<!tpu.dma_semaphore, #tpu.memory_space<semaphore_mem>>) src(%dma_wait3A_32 : memref<2x4096xf32, #tpu.memory_space<hbm>>) dst(%arg8 : memref<2x4096xf32, #tpu.memory_space<vmem>>)
    %dma_wait3A_33 = arith.constant 0 : i32
    %dma_wait3A_34 = arith.constant 0 : i32
    %dma_wait3A_35 = tpu.memref_slice %arg2[%dma_wait3A_33, %add3A_29, %dma_wait3A_34] : memref<4x2048x4096xf32, #tpu.memory_space<hbm>> -> memref<4x2x4096xf32, #tpu.memory_space<hbm>>
    %dma_wait3A_36 = arith.constant 0 : i32
    %dma_wait3A_37 = arith.constant 0 : i32
    %dma_wait3A_38 = tpu.memref_slice %arg2[%dma_wait3A_36, %add3A_29, %dma_wait3A_37] : memref<4x2048x4096xf32, #tpu.memory_space<hbm>> -> memref<4x2x4096xf32, #tpu.memory_space<hbm>>
    tpu.wait_dma2 semaphore(%arg11 : memref<!tpu.dma_semaphore, #tpu.memory_space<semaphore_mem>>) src(%dma_wait3A_38 : memref<4x2x4096xf32, #tpu.memory_space<hbm>>) dst(%arg5 : memref<4x2x4096xf32, #tpu.memory_space<vmem>>)
    %parallel_loop3A = arith.constant 0 : i32
    %parallel_loop3A_39 = arith.constant 256 : i32
    %parallel_loop3A_40 = arith.constant 1 : i32
    scf.for %parallel_loop3A_115 = %parallel_loop3A to %parallel_loop3A_39 step %parallel_loop3A_40  : i32 {
      %parallel_loop3A_116 = arith.constant 16 : i32
      %parallel_loop3A_117 = arith.muli %parallel_loop3A_115, %parallel_loop3A_116 : i32
      %parallel_loop3A_118 = arith.constant 0 : i32
      %parallel_loop3A_119 = arith.index_cast %parallel_loop3A_118 : i32 to index
      %parallel_loop3A_120 = arith.index_cast %parallel_loop3A_117 : i32 to index
      %parallel_loop3A_121 = tpu.vector_load %arg8[%parallel_loop3A_119, %parallel_loop3A_120] {strides = array<i32>} : memref<2x4096xf32, #tpu.memory_space<vmem>>, vector<1x16xf32>,
      %parallel_loop3A_122 = vector.shape_cast %parallel_loop3A_121 : vector<1x16xf32> to vector<16xf32>
      %parallel_loop3A_123 = arith.constant 0 : i32
      %parallel_loop3A_124 = arith.constant 0 : i32
      %parallel_loop3A_125 = arith.index_cast %parallel_loop3A_123 : i32 to index
      %parallel_loop3A_126 = arith.index_cast %parallel_loop3A_124 : i32 to index
      %parallel_loop3A_127 = arith.index_cast %parallel_loop3A_117 : i32 to index
      %parallel_loop3A_128 = tpu.vector_load %arg5[%parallel_loop3A_125, %parallel_loop3A_126, %parallel_loop3A_127] {strides = array<i32>} : memref<4x2x4096xf32, #tpu.memory_space<vmem>>, vector<1x1x16xf32>,
      %parallel_loop3A_129 = vector.shape_cast %parallel_loop3A_128 : vector<1x1x16xf32> to vector<16xf32>
      %parallel_loop3A_130 = arith.addf %parallel_loop3A_129, %parallel_loop3A_122 : vector<16xf32>
      %parallel_loop3A_131 = arith.constant 0 : i32
      %parallel_loop3A_132 = arith.constant 0 : i32
      %parallel_loop3A_133 = arith.index_cast %parallel_loop3A_131 : i32 to index
      %parallel_loop3A_134 = arith.index_cast %parallel_loop3A_132 : i32 to index
      %parallel_loop3A_135 = arith.index_cast %parallel_loop3A_117 : i32 to index
      %parallel_loop3A_136 = tpu.vector_load %arg5[%parallel_loop3A_133, %parallel_loop3A_134, %parallel_loop3A_135] {strides = array<i32>} : memref<4x2x4096xf32, #tpu.memory_space<vmem>>, vector<1x1x16xf32>,
      %parallel_loop3A_137 = vector.shape_cast %parallel_loop3A_136 : vector<1x1x16xf32> to vector<16xf32>
      %parallel_loop3A_138 = vector.shape_cast %parallel_loop3A_130 : vector<16xf32> to vector<1x1x16xf32>
      tpu.vector_store %arg5[%parallel_loop3A_133, %parallel_loop3A_134, %parallel_loop3A_135], %parallel_loop3A_138 {strides = array<i32>} : memref<4x2x4096xf32, #tpu.memory_space<vmem>>, vector<1x1x16xf32>,
      %parallel_loop3A_139 = arith.constant 1 : i32
      %parallel_loop3A_140 = arith.constant 0 : i32
      %parallel_loop3A_141 = arith.index_cast %parallel_loop3A_139 : i32 to index
      %parallel_loop3A_142 = arith.index_cast %parallel_loop3A_140 : i32 to index
      %parallel_loop3A_143 = arith.index_cast %parallel_loop3A_117 : i32 to index
      %parallel_loop3A_144 = tpu.vector_load %arg5[%parallel_loop3A_141, %parallel_loop3A_142, %parallel_loop3A_143] {strides = array<i32>} : memref<4x2x4096xf32, #tpu.memory_space<vmem>>, vector<1x1x16xf32>,
      %parallel_loop3A_145 = vector.shape_cast %parallel_loop3A_144 : vector<1x1x16xf32> to vector<16xf32>
      %parallel_loop3A_146 = arith.addf %parallel_loop3A_145, %parallel_loop3A_122 : vector<16xf32>
      %parallel_loop3A_147 = arith.constant 1 : i32
      %parallel_loop3A_148 = arith.constant 0 : i32
      %parallel_loop3A_149 = arith.index_cast %parallel_loop3A_147 : i32 to index
      %parallel_loop3A_150 = arith.index_cast %parallel_loop3A_148 : i32 to index
      %parallel_loop3A_151 = arith.index_cast %parallel_loop3A_117 : i32 to index
      %parallel_loop3A_152 = tpu.vector_load %arg5[%parallel_loop3A_149, %parallel_loop3A_150, %parallel_loop3A_151] {strides = array<i32>} : memref<4x2x4096xf32, #tpu.memory_space<vmem>>, vector<1x1x16xf32>,
      %parallel_loop3A_153 = vector.shape_cast %parallel_loop3A_152 : vector<1x1x16xf32> to vector<16xf32>
      %parallel_loop3A_154 = vector.shape_cast %parallel_loop3A_146 : vector<16xf32> to vector<1x1x16xf32>
      tpu.vector_store %arg5[%parallel_loop3A_149, %parallel_loop3A_150, %parallel_loop3A_151], %parallel_loop3A_154 {strides = array<i32>} : memref<4x2x4096xf32, #tpu.memory_space<vmem>>, vector<1x1x16xf32>,
      %parallel_loop3A_155 = arith.constant 2 : i32
      %parallel_loop3A_156 = arith.constant 0 : i32
      %parallel_loop3A_157 = arith.index_cast %parallel_loop3A_155 : i32 to index
      %parallel_loop3A_158 = arith.index_cast %parallel_loop3A_156 : i32 to index
      %parallel_loop3A_159 = arith.index_cast %parallel_loop3A_117 : i32 to index
      %parallel_loop3A_160 = tpu.vector_load %arg5[%parallel_loop3A_157, %parallel_loop3A_158, %parallel_loop3A_159] {strides = array<i32>} : memref<4x2x4096xf32, #tpu.memory_space<vmem>>, vector<1x1x16xf32>,
      %parallel_loop3A_161 = vector.shape_cast %parallel_loop3A_160 : vector<1x1x16xf32> to vector<16xf32>
      %parallel_loop3A_162 = arith.addf %parallel_loop3A_161, %parallel_loop3A_122 : vector<16xf32>
      %parallel_loop3A_163 = arith.constant 2 : i32
      %parallel_loop3A_164 = arith.constant 0 : i32
      %parallel_loop3A_165 = arith.index_cast %parallel_loop3A_163 : i32 to index
      %parallel_loop3A_166 = arith.index_cast %parallel_loop3A_164 : i32 to index
      %parallel_loop3A_167 = arith.index_cast %parallel_loop3A_117 : i32 to index
      %parallel_loop3A_168 = tpu.vector_load %arg5[%parallel_loop3A_165, %parallel_loop3A_166, %parallel_loop3A_167] {strides = array<i32>} : memref<4x2x4096xf32, #tpu.memory_space<vmem>>, vector<1x1x16xf32>,
      %parallel_loop3A_169 = vector.shape_cast %parallel_loop3A_168 : vector<1x1x16xf32> to vector<16xf32>
      %parallel_loop3A_170 = vector.shape_cast %parallel_loop3A_162 : vector<16xf32> to vector<1x1x16xf32>
      tpu.vector_store %arg5[%parallel_loop3A_165, %parallel_loop3A_166, %parallel_loop3A_167], %parallel_loop3A_170 {strides = array<i32>} : memref<4x2x4096xf32, #tpu.memory_space<vmem>>, vector<1x1x16xf32>,
      %parallel_loop3A_171 = arith.constant 3 : i32
      %parallel_loop3A_172 = arith.constant 0 : i32
      %parallel_loop3A_173 = arith.index_cast %parallel_loop3A_171 : i32 to index
      %parallel_loop3A_174 = arith.index_cast %parallel_loop3A_172 : i32 to index
      %parallel_loop3A_175 = arith.index_cast %parallel_loop3A_117 : i32 to index
      %parallel_loop3A_176 = tpu.vector_load %arg5[%parallel_loop3A_173, %parallel_loop3A_174, %parallel_loop3A_175] {strides = array<i32>} : memref<4x2x4096xf32, #tpu.memory_space<vmem>>, vector<1x1x16xf32>,
      %parallel_loop3A_177 = vector.shape_cast %parallel_loop3A_176 : vector<1x1x16xf32> to vector<16xf32>
      %parallel_loop3A_178 = arith.addf %parallel_loop3A_177, %parallel_loop3A_122 : vector<16xf32>
      %parallel_loop3A_179 = arith.constant 3 : i32
      %parallel_loop3A_180 = arith.constant 0 : i32
      %parallel_loop3A_181 = arith.index_cast %parallel_loop3A_179 : i32 to index
      %parallel_loop3A_182 = arith.index_cast %parallel_loop3A_180 : i32 to index
      %parallel_loop3A_183 = arith.index_cast %parallel_loop3A_117 : i32 to index
      %parallel_loop3A_184 = tpu.vector_load %arg5[%parallel_loop3A_181, %parallel_loop3A_182, %parallel_loop3A_183] {strides = array<i32>} : memref<4x2x4096xf32, #tpu.memory_space<vmem>>, vector<1x1x16xf32>,
      %parallel_loop3A_185 = vector.shape_cast %parallel_loop3A_184 : vector<1x1x16xf32> to vector<16xf32>
      %parallel_loop3A_186 = vector.shape_cast %parallel_loop3A_178 : vector<16xf32> to vector<1x1x16xf32>
      tpu.vector_store %arg5[%parallel_loop3A_181, %parallel_loop3A_182, %parallel_loop3A_183], %parallel_loop3A_186 {strides = array<i32>} : memref<4x2x4096xf32, #tpu.memory_space<vmem>>, vector<1x1x16xf32>,
      %parallel_loop3A_187 = arith.constant 1 : i32
      %parallel_loop3A_188 = arith.index_cast %parallel_loop3A_187 : i32 to index
      %parallel_loop3A_189 = arith.index_cast %parallel_loop3A_117 : i32 to index
      %parallel_loop3A_190 = tpu.vector_load %arg8[%parallel_loop3A_188, %parallel_loop3A_189] {strides = array<i32>} : memref<2x4096xf32, #tpu.memory_space<vmem>>, vector<1x16xf32>,
      %parallel_loop3A_191 = vector.shape_cast %parallel_loop3A_190 : vector<1x16xf32> to vector<16xf32>
      %parallel_loop3A_192 = arith.constant 0 : i32
      %parallel_loop3A_193 = arith.constant 1 : i32
      %parallel_loop3A_194 = arith.index_cast %parallel_loop3A_192 : i32 to index
      %parallel_loop3A_195 = arith.index_cast %parallel_loop3A_193 : i32 to index
      %parallel_loop3A_196 = arith.index_cast %parallel_loop3A_117 : i32 to index
      %parallel_loop3A_197 = tpu.vector_load %arg5[%parallel_loop3A_194, %parallel_loop3A_195, %parallel_loop3A_196] {strides = array<i32>} : memref<4x2x4096xf32, #tpu.memory_space<vmem>>, vector<1x1x16xf32>,
      %parallel_loop3A_198 = vector.shape_cast %parallel_loop3A_197 : vector<1x1x16xf32> to vector<16xf32>
      %parallel_loop3A_199 = arith.addf %parallel_loop3A_198, %parallel_loop3A_191 : vector<16xf32>
      %parallel_loop3A_200 = arith.constant 0 : i32
      %parallel_loop3A_201 = arith.constant 1 : i32
      %parallel_loop3A_202 = arith.index_cast %parallel_loop3A_200 : i32 to index
      %parallel_loop3A_203 = arith.index_cast %parallel_loop3A_201 : i32 to index
      %parallel_loop3A_204 = arith.index_cast %parallel_loop3A_117 : i32 to index
      %parallel_loop3A_205 = tpu.vector_load %arg5[%parallel_loop3A_202, %parallel_loop3A_203, %parallel_loop3A_204] {strides = array<i32>} : memref<4x2x4096xf32, #tpu.memory_space<vmem>>, vector<1x1x16xf32>,
      %parallel_loop3A_206 = vector.shape_cast %parallel_loop3A_205 : vector<1x1x16xf32> to vector<16xf32>
      %parallel_loop3A_207 = vector.shape_cast %parallel_loop3A_199 : vector<16xf32> to vector<1x1x16xf32>
      tpu.vector_store %arg5[%parallel_loop3A_202, %parallel_loop3A_203, %parallel_loop3A_204], %parallel_loop3A_207 {strides = array<i32>} : memref<4x2x4096xf32, #tpu.memory_space<vmem>>, vector<1x1x16xf32>,
      %parallel_loop3A_208 = arith.constant 1 : i32
      %parallel_loop3A_209 = arith.constant 1 : i32
      %parallel_loop3A_210 = arith.index_cast %parallel_loop3A_208 : i32 to index
      %parallel_loop3A_211 = arith.index_cast %parallel_loop3A_209 : i32 to index
      %parallel_loop3A_212 = arith.index_cast %parallel_loop3A_117 : i32 to index
      %parallel_loop3A_213 = tpu.vector_load %arg5[%parallel_loop3A_210, %parallel_loop3A_211, %parallel_loop3A_212] {strides = array<i32>} : memref<4x2x4096xf32, #tpu.memory_space<vmem>>, vector<1x1x16xf32>,
      %parallel_loop3A_214 = vector.shape_cast %parallel_loop3A_213 : vector<1x1x16xf32> to vector<16xf32>
      %parallel_loop3A_215 = arith.addf %parallel_loop3A_214, %parallel_loop3A_191 : vector<16xf32>
      %parallel_loop3A_216 = arith.constant 1 : i32
      %parallel_loop3A_217 = arith.constant 1 : i32
      %parallel_loop3A_218 = arith.index_cast %parallel_loop3A_216 : i32 to index
      %parallel_loop3A_219 = arith.index_cast %parallel_loop3A_217 : i32 to index
      %parallel_loop3A_220 = arith.index_cast %parallel_loop3A_117 : i32 to index
      %parallel_loop3A_221 = tpu.vector_load %arg5[%parallel_loop3A_218, %parallel_loop3A_219, %parallel_loop3A_220] {strides = array<i32>} : memref<4x2x4096xf32, #tpu.memory_space<vmem>>, vector<1x1x16xf32>,
      %parallel_loop3A_222 = vector.shape_cast %parallel_loop3A_221 : vector<1x1x16xf32> to vector<16xf32>
      %parallel_loop3A_223 = vector.shape_cast %parallel_loop3A_215 : vector<16xf32> to vector<1x1x16xf32>
      tpu.vector_store %arg5[%parallel_loop3A_218, %parallel_loop3A_219, %parallel_loop3A_220], %parallel_loop3A_223 {strides = array<i32>} : memref<4x2x4096xf32, #tpu.memory_space<vmem>>, vector<1x1x16xf32>,
      %parallel_loop3A_224 = arith.constant 2 : i32
      %parallel_loop3A_225 = arith.constant 1 : i32
      %parallel_loop3A_226 = arith.index_cast %parallel_loop3A_224 : i32 to index
      %parallel_loop3A_227 = arith.index_cast %parallel_loop3A_225 : i32 to index
      %parallel_loop3A_228 = arith.index_cast %parallel_loop3A_117 : i32 to index
      %parallel_loop3A_229 = tpu.vector_load %arg5[%parallel_loop3A_226, %parallel_loop3A_227, %parallel_loop3A_228] {strides = array<i32>} : memref<4x2x4096xf32, #tpu.memory_space<vmem>>, vector<1x1x16xf32>,
      %parallel_loop3A_230 = vector.shape_cast %parallel_loop3A_229 : vector<1x1x16xf32> to vector<16xf32>
      %parallel_loop3A_231 = arith.addf %parallel_loop3A_230, %parallel_loop3A_191 : vector<16xf32>
      %parallel_loop3A_232 = arith.constant 2 : i32
      %parallel_loop3A_233 = arith.constant 1 : i32
      %parallel_loop3A_234 = arith.index_cast %parallel_loop3A_232 : i32 to index
      %parallel_loop3A_235 = arith.index_cast %parallel_loop3A_233 : i32 to index
      %parallel_loop3A_236 = arith.index_cast %parallel_loop3A_117 : i32 to index
      %parallel_loop3A_237 = tpu.vector_load %arg5[%parallel_loop3A_234, %parallel_loop3A_235, %parallel_loop3A_236] {strides = array<i32>} : memref<4x2x4096xf32, #tpu.memory_space<vmem>>, vector<1x1x16xf32>,
      %parallel_loop3A_238 = vector.shape_cast %parallel_loop3A_237 : vector<1x1x16xf32> to vector<16xf32>
      %parallel_loop3A_239 = vector.shape_cast %parallel_loop3A_231 : vector<16xf32> to vector<1x1x16xf32>
      tpu.vector_store %arg5[%parallel_loop3A_234, %parallel_loop3A_235, %parallel_loop3A_236], %parallel_loop3A_239 {strides = array<i32>} : memref<4x2x4096xf32, #tpu.memory_space<vmem>>, vector<1x1x16xf32>,
      %parallel_loop3A_240 = arith.constant 3 : i32
      %parallel_loop3A_241 = arith.constant 1 : i32
      %parallel_loop3A_242 = arith.index_cast %parallel_loop3A_240 : i32 to index
      %parallel_loop3A_243 = arith.index_cast %parallel_loop3A_241 : i32 to index
      %parallel_loop3A_244 = arith.index_cast %parallel_loop3A_117 : i32 to index
      %parallel_loop3A_245 = tpu.vector_load %arg5[%parallel_loop3A_242, %parallel_loop3A_243, %parallel_loop3A_244] {strides = array<i32>} : memref<4x2x4096xf32, #tpu.memory_space<vmem>>, vector<1x1x16xf32>,
      %parallel_loop3A_246 = vector.shape_cast %parallel_loop3A_245 : vector<1x1x16xf32> to vector<16xf32>
      %parallel_loop3A_247 = arith.addf %parallel_loop3A_246, %parallel_loop3A_191 : vector<16xf32>
      %parallel_loop3A_248 = arith.constant 3 : i32
      %parallel_loop3A_249 = arith.constant 1 : i32
      %parallel_loop3A_250 = arith.index_cast %parallel_loop3A_248 : i32 to index
      %parallel_loop3A_251 = arith.index_cast %parallel_loop3A_249 : i32 to index
      %parallel_loop3A_252 = arith.index_cast %parallel_loop3A_117 : i32 to index
      %parallel_loop3A_253 = tpu.vector_load %arg5[%parallel_loop3A_250, %parallel_loop3A_251, %parallel_loop3A_252] {strides = array<i32>} : memref<4x2x4096xf32, #tpu.memory_space<vmem>>, vector<1x1x16xf32>,
      %parallel_loop3A_254 = vector.shape_cast %parallel_loop3A_253 : vector<1x1x16xf32> to vector<16xf32>
      %parallel_loop3A_255 = vector.shape_cast %parallel_loop3A_247 : vector<16xf32> to vector<1x1x16xf32>
      tpu.vector_store %arg5[%parallel_loop3A_250, %parallel_loop3A_251, %parallel_loop3A_252], %parallel_loop3A_255 {strides = array<i32>} : memref<4x2x4096xf32, #tpu.memory_space<vmem>>, vector<1x1x16xf32>,
    } {sc.loop_unroll_factor = 8 : i64, sc.parallel_access}
    %dma_start3A_41 = arith.constant 0 : i32
    %dma_start3A_42 = arith.constant 0 : i32
    %dma_start3A_43 = tpu.memref_slice %arg4[%dma_start3A_41, %mul3A_2, %dma_start3A_42] : memref<4x2048x4096xf32, #tpu.memory_space<hbm>> -> memref<4x2x4096xf32, #tpu.memory_space<hbm>>
    %dma_start3A_44 = arith.constant 0 : i32
    %dma_start3A_45 = arith.constant 0 : i32
    %dma_start3A_46 = tpu.memref_slice %arg4[%dma_start3A_44, %mul3A_2, %dma_start3A_45] : memref<4x2048x4096xf32, #tpu.memory_space<hbm>> -> memref<4x2x4096xf32, #tpu.memory_space<hbm>>
    tpu.enqueue_dma source(%arg5 : memref<4x2x4096xf32, #tpu.memory_space<vmem>>) target(%dma_start3A_46 : memref<4x2x4096xf32, #tpu.memory_space<hbm>>) target_semaphore(%arg17 : memref<!tpu.dma_semaphore, #tpu.memory_space<semaphore_mem>>)
    %add3A_47 = arith.constant 4 : i32
    %add3A_48 = arith.addi %mul3A_2, %add3A_47 : i32
    %add3A_49 = arith.constant 0 : i32
    %add3A_50 = arith.addi %add3A_49, %add3A_48 : i32
    %dma_start3A_51 = arith.constant 0 : i32
    %dma_start3A_52 = tpu.memref_slice %arg3[%add3A_50, %dma_start3A_51] : memref<2048x4096xf32, #tpu.memory_space<hbm>> -> memref<2x4096xf32, #tpu.memory_space<hbm>>
    %dma_start3A_53 = arith.constant 0 : i32
    %dma_start3A_54 = tpu.memref_slice %arg3[%add3A_50, %dma_start3A_53] : memref<2048x4096xf32, #tpu.memory_space<hbm>> -> memref<2x4096xf32, #tpu.memory_space<hbm>>
    tpu.enqueue_dma source(%dma_start3A_54 : memref<2x4096xf32, #tpu.memory_space<hbm>>) target(%arg10 : memref<2x4096xf32, #tpu.memory_space<vmem>>) target_semaphore(%arg16 : memref<!tpu.dma_semaphore, #tpu.memory_space<semaphore_mem>>)
    %dma_start3A_55 = arith.constant 0 : i32
    %dma_start3A_56 = arith.constant 0 : i32
    %dma_start3A_57 = tpu.memref_slice %arg2[%dma_start3A_55, %add3A_50, %dma_start3A_56] : memref<4x2048x4096xf32, #tpu.memory_space<hbm>> -> memref<4x2x4096xf32, #tpu.memory_space<hbm>>
    %dma_start3A_58 = arith.constant 0 : i32
    %dma_start3A_59 = arith.constant 0 : i32
    %dma_start3A_60 = tpu.memref_slice %arg2[%dma_start3A_58, %add3A_50, %dma_start3A_59] : memref<4x2048x4096xf32, #tpu.memory_space<hbm>> -> memref<4x2x4096xf32, #tpu.memory_space<hbm>>
    tpu.enqueue_dma source(%dma_start3A_60 : memref<4x2x4096xf32, #tpu.memory_space<hbm>>) target(%arg7 : memref<4x2x4096xf32, #tpu.memory_space<vmem>>) target_semaphore(%arg13 : memref<!tpu.dma_semaphore, #tpu.memory_space<semaphore_mem>>)
    %add3A_61 = arith.constant 2 : i32
    %add3A_62 = arith.addi %mul3A_2, %add3A_61 : i32
    %add3A_63 = arith.constant 0 : i32
    %add3A_64 = arith.addi %add3A_63, %add3A_62 : i32
    %dma_wait3A_65 = arith.constant 0 : i32
    %dma_wait3A_66 = tpu.memref_slice %arg3[%add3A_64, %dma_wait3A_65] : memref<2048x4096xf32, #tpu.memory_space<hbm>> -> memref<2x4096xf32, #tpu.memory_space<hbm>>
    %dma_wait3A_67 = arith.constant 0 : i32
    %dma_wait3A_68 = tpu.memref_slice %arg3[%add3A_64, %dma_wait3A_67] : memref<2048x4096xf32, #tpu.memory_space<hbm>> -> memref<2x4096xf32, #tpu.memory_space<hbm>>
    tpu.wait_dma2 semaphore(%arg15 : memref<!tpu.dma_semaphore, #tpu.memory_space<semaphore_mem>>) src(%dma_wait3A_68 : memref<2x4096xf32, #tpu.memory_space<hbm>>) dst(%arg9 : memref<2x4096xf32, #tpu.memory_space<vmem>>)
    %dma_wait3A_69 = arith.constant 0 : i32
    %dma_wait3A_70 = arith.constant 0 : i32
    %dma_wait3A_71 = tpu.memref_slice %arg2[%dma_wait3A_69, %add3A_64, %dma_wait3A_70] : memref<4x2048x4096xf32, #tpu.memory_space<hbm>> -> memref<4x2x4096xf32, #tpu.memory_space<hbm>>
    %dma_wait3A_72 = arith.constant 0 : i32
    %dma_wait3A_73 = arith.constant 0 : i32
    %dma_wait3A_74 = tpu.memref_slice %arg2[%dma_wait3A_72, %add3A_64, %dma_wait3A_73] : memref<4x2048x4096xf32, #tpu.memory_space<hbm>> -> memref<4x2x4096xf32, #tpu.memory_space<hbm>>
    tpu.wait_dma2 semaphore(%arg12 : memref<!tpu.dma_semaphore, #tpu.memory_space<semaphore_mem>>) src(%dma_wait3A_74 : memref<4x2x4096xf32, #tpu.memory_space<hbm>>) dst(%arg6 : memref<4x2x4096xf32, #tpu.memory_space<vmem>>)
    %parallel_loop3A_75 = arith.constant 0 : i32
    %parallel_loop3A_76 = arith.constant 256 : i32
    %parallel_loop3A_77 = arith.constant 1 : i32
    scf.for %parallel_loop3A_115 = %parallel_loop3A_75 to %parallel_loop3A_76 step %parallel_loop3A_77  : i32 {
      %parallel_loop3A_116 = arith.constant 16 : i32
      %parallel_loop3A_117 = arith.muli %parallel_loop3A_115, %parallel_loop3A_116 : i32
      %parallel_loop3A_118 = arith.constant 0 : i32
      %parallel_loop3A_119 = arith.index_cast %parallel_loop3A_118 : i32 to index
      %parallel_loop3A_120 = arith.index_cast %parallel_loop3A_117 : i32 to index
      %parallel_loop3A_121 = tpu.vector_load %arg9[%parallel_loop3A_119, %parallel_loop3A_120] {strides = array<i32>} : memref<2x4096xf32, #tpu.memory_space<vmem>>, vector<1x16xf32>,
      %parallel_loop3A_122 = vector.shape_cast %parallel_loop3A_121 : vector<1x16xf32> to vector<16xf32>
      %parallel_loop3A_123 = arith.constant 0 : i32
      %parallel_loop3A_124 = arith.constant 0 : i32
      %parallel_loop3A_125 = arith.index_cast %parallel_loop3A_123 : i32 to index
      %parallel_loop3A_126 = arith.index_cast %parallel_loop3A_124 : i32 to index
      %parallel_loop3A_127 = arith.index_cast %parallel_loop3A_117 : i32 to index
      %parallel_loop3A_128 = tpu.vector_load %arg6[%parallel_loop3A_125, %parallel_loop3A_126, %parallel_loop3A_127] {strides = array<i32>} : memref<4x2x4096xf32, #tpu.memory_space<vmem>>, vector<1x1x16xf32>,
      %parallel_loop3A_129 = vector.shape_cast %parallel_loop3A_128 : vector<1x1x16xf32> to vector<16xf32>
      %parallel_loop3A_130 = arith.addf %parallel_loop3A_129, %parallel_loop3A_122 : vector<16xf32>
      %parallel_loop3A_131 = arith.constant 0 : i32
      %parallel_loop3A_132 = arith.constant 0 : i32
      %parallel_loop3A_133 = arith.index_cast %parallel_loop3A_131 : i32 to index
      %parallel_loop3A_134 = arith.index_cast %parallel_loop3A_132 : i32 to index
      %parallel_loop3A_135 = arith.index_cast %parallel_loop3A_117 : i32 to index
      %parallel_loop3A_136 = tpu.vector_load %arg6[%parallel_loop3A_133, %parallel_loop3A_134, %parallel_loop3A_135] {strides = array<i32>} : memref<4x2x4096xf32, #tpu.memory_space<vmem>>, vector<1x1x16xf32>,
      %parallel_loop3A_137 = vector.shape_cast %parallel_loop3A_136 : vector<1x1x16xf32> to vector<16xf32>
      %parallel_loop3A_138 = vector.shape_cast %parallel_loop3A_130 : vector<16xf32> to vector<1x1x16xf32>
      tpu.vector_store %arg6[%parallel_loop3A_133, %parallel_loop3A_134, %parallel_loop3A_135], %parallel_loop3A_138 {strides = array<i32>} : memref<4x2x4096xf32, #tpu.memory_space<vmem>>, vector<1x1x16xf32>,
      %parallel_loop3A_139 = arith.constant 1 : i32
      %parallel_loop3A_140 = arith.constant 0 : i32
      %parallel_loop3A_141 = arith.index_cast %parallel_loop3A_139 : i32 to index
      %parallel_loop3A_142 = arith.index_cast %parallel_loop3A_140 : i32 to index
      %parallel_loop3A_143 = arith.index_cast %parallel_loop3A_117 : i32 to index
      %parallel_loop3A_144 = tpu.vector_load %arg6[%parallel_loop3A_141, %parallel_loop3A_142, %parallel_loop3A_143] {strides = array<i32>} : memref<4x2x4096xf32, #tpu.memory_space<vmem>>, vector<1x1x16xf32>,
      %parallel_loop3A_145 = vector.shape_cast %parallel_loop3A_144 : vector<1x1x16xf32> to vector<16xf32>
      %parallel_loop3A_146 = arith.addf %parallel_loop3A_145, %parallel_loop3A_122 : vector<16xf32>
      %parallel_loop3A_147 = arith.constant 1 : i32
      %parallel_loop3A_148 = arith.constant 0 : i32
      %parallel_loop3A_149 = arith.index_cast %parallel_loop3A_147 : i32 to index
      %parallel_loop3A_150 = arith.index_cast %parallel_loop3A_148 : i32 to index
      %parallel_loop3A_151 = arith.index_cast %parallel_loop3A_117 : i32 to index
      %parallel_loop3A_152 = tpu.vector_load %arg6[%parallel_loop3A_149, %parallel_loop3A_150, %parallel_loop3A_151] {strides = array<i32>} : memref<4x2x4096xf32, #tpu.memory_space<vmem>>, vector<1x1x16xf32>,
      %parallel_loop3A_153 = vector.shape_cast %parallel_loop3A_152 : vector<1x1x16xf32> to vector<16xf32>
      %parallel_loop3A_154 = vector.shape_cast %parallel_loop3A_146 : vector<16xf32> to vector<1x1x16xf32>
      tpu.vector_store %arg6[%parallel_loop3A_149, %parallel_loop3A_150, %parallel_loop3A_151], %parallel_loop3A_154 {strides = array<i32>} : memref<4x2x4096xf32, #tpu.memory_space<vmem>>, vector<1x1x16xf32>,
      %parallel_loop3A_155 = arith.constant 2 : i32
      %parallel_loop3A_156 = arith.constant 0 : i32
      %parallel_loop3A_157 = arith.index_cast %parallel_loop3A_155 : i32 to index
      %parallel_loop3A_158 = arith.index_cast %parallel_loop3A_156 : i32 to index
      %parallel_loop3A_159 = arith.index_cast %parallel_loop3A_117 : i32 to index
      %parallel_loop3A_160 = tpu.vector_load %arg6[%parallel_loop3A_157, %parallel_loop3A_158, %parallel_loop3A_159] {strides = array<i32>} : memref<4x2x4096xf32, #tpu.memory_space<vmem>>, vector<1x1x16xf32>,
      %parallel_loop3A_161 = vector.shape_cast %parallel_loop3A_160 : vector<1x1x16xf32> to vector<16xf32>
      %parallel_loop3A_162 = arith.addf %parallel_loop3A_161, %parallel_loop3A_122 : vector<16xf32>
      %parallel_loop3A_163 = arith.constant 2 : i32
      %parallel_loop3A_164 = arith.constant 0 : i32
      %parallel_loop3A_165 = arith.index_cast %parallel_loop3A_163 : i32 to index
      %parallel_loop3A_166 = arith.index_cast %parallel_loop3A_164 : i32 to index
      %parallel_loop3A_167 = arith.index_cast %parallel_loop3A_117 : i32 to index
      %parallel_loop3A_168 = tpu.vector_load %arg6[%parallel_loop3A_165, %parallel_loop3A_166, %parallel_loop3A_167] {strides = array<i32>} : memref<4x2x4096xf32, #tpu.memory_space<vmem>>, vector<1x1x16xf32>,
      %parallel_loop3A_169 = vector.shape_cast %parallel_loop3A_168 : vector<1x1x16xf32> to vector<16xf32>
      %parallel_loop3A_170 = vector.shape_cast %parallel_loop3A_162 : vector<16xf32> to vector<1x1x16xf32>
      tpu.vector_store %arg6[%parallel_loop3A_165, %parallel_loop3A_166, %parallel_loop3A_167], %parallel_loop3A_170 {strides = array<i32>} : memref<4x2x4096xf32, #tpu.memory_space<vmem>>, vector<1x1x16xf32>,
      %parallel_loop3A_171 = arith.constant 3 : i32
      %parallel_loop3A_172 = arith.constant 0 : i32
      %parallel_loop3A_173 = arith.index_cast %parallel_loop3A_171 : i32 to index
      %parallel_loop3A_174 = arith.index_cast %parallel_loop3A_172 : i32 to index
      %parallel_loop3A_175 = arith.index_cast %parallel_loop3A_117 : i32 to index
      %parallel_loop3A_176 = tpu.vector_load %arg6[%parallel_loop3A_173, %parallel_loop3A_174, %parallel_loop3A_175] {strides = array<i32>} : memref<4x2x4096xf32, #tpu.memory_space<vmem>>, vector<1x1x16xf32>,
      %parallel_loop3A_177 = vector.shape_cast %parallel_loop3A_176 : vector<1x1x16xf32> to vector<16xf32>
      %parallel_loop3A_178 = arith.addf %parallel_loop3A_177, %parallel_loop3A_122 : vector<16xf32>
      %parallel_loop3A_179 = arith.constant 3 : i32
      %parallel_loop3A_180 = arith.constant 0 : i32
      %parallel_loop3A_181 = arith.index_cast %parallel_loop3A_179 : i32 to index
      %parallel_loop3A_182 = arith.index_cast %parallel_loop3A_180 : i32 to index
      %parallel_loop3A_183 = arith.index_cast %parallel_loop3A_117 : i32 to index
      %parallel_loop3A_184 = tpu.vector_load %arg6[%parallel_loop3A_181, %parallel_loop3A_182, %parallel_loop3A_183] {strides = array<i32>} : memref<4x2x4096xf32, #tpu.memory_space<vmem>>, vector<1x1x16xf32>,
      %parallel_loop3A_185 = vector.shape_cast %parallel_loop3A_184 : vector<1x1x16xf32> to vector<16xf32>
      %parallel_loop3A_186 = vector.shape_cast %parallel_loop3A_178 : vector<16xf32> to vector<1x1x16xf32>
      tpu.vector_store %arg6[%parallel_loop3A_181, %parallel_loop3A_182, %parallel_loop3A_183], %parallel_loop3A_186 {strides = array<i32>} : memref<4x2x4096xf32, #tpu.memory_space<vmem>>, vector<1x1x16xf32>,
      %parallel_loop3A_187 = arith.constant 1 : i32
      %parallel_loop3A_188 = arith.index_cast %parallel_loop3A_187 : i32 to index
      %parallel_loop3A_189 = arith.index_cast %parallel_loop3A_117 : i32 to index
      %parallel_loop3A_190 = tpu.vector_load %arg9[%parallel_loop3A_188, %parallel_loop3A_189] {strides = array<i32>} : memref<2x4096xf32, #tpu.memory_space<vmem>>, vector<1x16xf32>,
      %parallel_loop3A_191 = vector.shape_cast %parallel_loop3A_190 : vector<1x16xf32> to vector<16xf32>
      %parallel_loop3A_192 = arith.constant 0 : i32
      %parallel_loop3A_193 = arith.constant 1 : i32
      %parallel_loop3A_194 = arith.index_cast %parallel_loop3A_192 : i32 to index
      %parallel_loop3A_195 = arith.index_cast %parallel_loop3A_193 : i32 to index
      %parallel_loop3A_196 = arith.index_cast %parallel_loop3A_117 : i32 to index
      %parallel_loop3A_197 = tpu.vector_load %arg6[%parallel_loop3A_194, %parallel_loop3A_195, %parallel_loop3A_196] {strides = array<i32>} : memref<4x2x4096xf32, #tpu.memory_space<vmem>>, vector<1x1x16xf32>,
      %parallel_loop3A_198 = vector.shape_cast %parallel_loop3A_197 : vector<1x1x16xf32> to vector<16xf32>
      %parallel_loop3A_199 = arith.addf %parallel_loop3A_198, %parallel_loop3A_191 : vector<16xf32>
      %parallel_loop3A_200 = arith.constant 0 : i32
      %parallel_loop3A_201 = arith.constant 1 : i32
      %parallel_loop3A_202 = arith.index_cast %parallel_loop3A_200 : i32 to index
      %parallel_loop3A_203 = arith.index_cast %parallel_loop3A_201 : i32 to index
      %parallel_loop3A_204 = arith.index_cast %parallel_loop3A_117 : i32 to index
      %parallel_loop3A_205 = tpu.vector_load %arg6[%parallel_loop3A_202, %parallel_loop3A_203, %parallel_loop3A_204] {strides = array<i32>} : memref<4x2x4096xf32, #tpu.memory_space<vmem>>, vector<1x1x16xf32>,
      %parallel_loop3A_206 = vector.shape_cast %parallel_loop3A_205 : vector<1x1x16xf32> to vector<16xf32>
      %parallel_loop3A_207 = vector.shape_cast %parallel_loop3A_199 : vector<16xf32> to vector<1x1x16xf32>
      tpu.vector_store %arg6[%parallel_loop3A_202, %parallel_loop3A_203, %parallel_loop3A_204], %parallel_loop3A_207 {strides = array<i32>} : memref<4x2x4096xf32, #tpu.memory_space<vmem>>, vector<1x1x16xf32>,
      %parallel_loop3A_208 = arith.constant 1 : i32
      %parallel_loop3A_209 = arith.constant 1 : i32
      %parallel_loop3A_210 = arith.index_cast %parallel_loop3A_208 : i32 to index
      %parallel_loop3A_211 = arith.index_cast %parallel_loop3A_209 : i32 to index
      %parallel_loop3A_212 = arith.index_cast %parallel_loop3A_117 : i32 to index
      %parallel_loop3A_213 = tpu.vector_load %arg6[%parallel_loop3A_210, %parallel_loop3A_211, %parallel_loop3A_212] {strides = array<i32>} : memref<4x2x4096xf32, #tpu.memory_space<vmem>>, vector<1x1x16xf32>,
      %parallel_loop3A_214 = vector.shape_cast %parallel_loop3A_213 : vector<1x1x16xf32> to vector<16xf32>
      %parallel_loop3A_215 = arith.addf %parallel_loop3A_214, %parallel_loop3A_191 : vector<16xf32>
      %parallel_loop3A_216 = arith.constant 1 : i32
      %parallel_loop3A_217 = arith.constant 1 : i32
      %parallel_loop3A_218 = arith.index_cast %parallel_loop3A_216 : i32 to index
      %parallel_loop3A_219 = arith.index_cast %parallel_loop3A_217 : i32 to index
      %parallel_loop3A_220 = arith.index_cast %parallel_loop3A_117 : i32 to index
      %parallel_loop3A_221 = tpu.vector_load %arg6[%parallel_loop3A_218, %parallel_loop3A_219, %parallel_loop3A_220] {strides = array<i32>} : memref<4x2x4096xf32, #tpu.memory_space<vmem>>, vector<1x1x16xf32>,
      %parallel_loop3A_222 = vector.shape_cast %parallel_loop3A_221 : vector<1x1x16xf32> to vector<16xf32>
      %parallel_loop3A_223 = vector.shape_cast %parallel_loop3A_215 : vector<16xf32> to vector<1x1x16xf32>
      tpu.vector_store %arg6[%parallel_loop3A_218, %parallel_loop3A_219, %parallel_loop3A_220], %parallel_loop3A_223 {strides = array<i32>} : memref<4x2x4096xf32, #tpu.memory_space<vmem>>, vector<1x1x16xf32>,
      %parallel_loop3A_224 = arith.constant 2 : i32
      %parallel_loop3A_225 = arith.constant 1 : i32
      %parallel_loop3A_226 = arith.index_cast %parallel_loop3A_224 : i32 to index
      %parallel_loop3A_227 = arith.index_cast %parallel_loop3A_225 : i32 to index
      %parallel_loop3A_228 = arith.index_cast %parallel_loop3A_117 : i32 to index
      %parallel_loop3A_229 = tpu.vector_load %arg6[%parallel_loop3A_226, %parallel_loop3A_227, %parallel_loop3A_228] {strides = array<i32>} : memref<4x2x4096xf32, #tpu.memory_space<vmem>>, vector<1x1x16xf32>,
      %parallel_loop3A_230 = vector.shape_cast %parallel_loop3A_229 : vector<1x1x16xf32> to vector<16xf32>
      %parallel_loop3A_231 = arith.addf %parallel_loop3A_230, %parallel_loop3A_191 : vector<16xf32>
      %parallel_loop3A_232 = arith.constant 2 : i32
      %parallel_loop3A_233 = arith.constant 1 : i32
      %parallel_loop3A_234 = arith.index_cast %parallel_loop3A_232 : i32 to index
      %parallel_loop3A_235 = arith.index_cast %parallel_loop3A_233 : i32 to index
      %parallel_loop3A_236 = arith.index_cast %parallel_loop3A_117 : i32 to index
      %parallel_loop3A_237 = tpu.vector_load %arg6[%parallel_loop3A_234, %parallel_loop3A_235, %parallel_loop3A_236] {strides = array<i32>} : memref<4x2x4096xf32, #tpu.memory_space<vmem>>, vector<1x1x16xf32>,
      %parallel_loop3A_238 = vector.shape_cast %parallel_loop3A_237 : vector<1x1x16xf32> to vector<16xf32>
      %parallel_loop3A_239 = vector.shape_cast %parallel_loop3A_231 : vector<16xf32> to vector<1x1x16xf32>
      tpu.vector_store %arg6[%parallel_loop3A_234, %parallel_loop3A_235, %parallel_loop3A_236], %parallel_loop3A_239 {strides = array<i32>} : memref<4x2x4096xf32, #tpu.memory_space<vmem>>, vector<1x1x16xf32>,
      %parallel_loop3A_240 = arith.constant 3 : i32
      %parallel_loop3A_241 = arith.constant 1 : i32
      %parallel_loop3A_242 = arith.index_cast %parallel_loop3A_240 : i32 to index
      %parallel_loop3A_243 = arith.index_cast %parallel_loop3A_241 : i32 to index
      %parallel_loop3A_244 = arith.index_cast %parallel_loop3A_117 : i32 to index
      %parallel_loop3A_245 = tpu.vector_load %arg6[%parallel_loop3A_242, %parallel_loop3A_243, %parallel_loop3A_244] {strides = array<i32>} : memref<4x2x4096xf32, #tpu.memory_space<vmem>>, vector<1x1x16xf32>,
      %parallel_loop3A_246 = vector.shape_cast %parallel_loop3A_245 : vector<1x1x16xf32> to vector<16xf32>
      %parallel_loop3A_247 = arith.addf %parallel_loop3A_246, %parallel_loop3A_191 : vector<16xf32>
      %parallel_loop3A_248 = arith.constant 3 : i32
      %parallel_loop3A_249 = arith.constant 1 : i32
      %parallel_loop3A_250 = arith.index_cast %parallel_loop3A_248 : i32 to index
      %parallel_loop3A_251 = arith.index_cast %parallel_loop3A_249 : i32 to index
      %parallel_loop3A_252 = arith.index_cast %parallel_loop3A_117 : i32 to index
      %parallel_loop3A_253 = tpu.vector_load %arg6[%parallel_loop3A_250, %parallel_loop3A_251, %parallel_loop3A_252] {strides = array<i32>} : memref<4x2x4096xf32, #tpu.memory_space<vmem>>, vector<1x1x16xf32>,
      %parallel_loop3A_254 = vector.shape_cast %parallel_loop3A_253 : vector<1x1x16xf32> to vector<16xf32>
      %parallel_loop3A_255 = vector.shape_cast %parallel_loop3A_247 : vector<16xf32> to vector<1x1x16xf32>
      tpu.vector_store %arg6[%parallel_loop3A_250, %parallel_loop3A_251, %parallel_loop3A_252], %parallel_loop3A_255 {strides = array<i32>} : memref<4x2x4096xf32, #tpu.memory_space<vmem>>, vector<1x1x16xf32>,
    } {sc.loop_unroll_factor = 8 : i64, sc.parallel_access}
    %dma_start3A_78 = arith.constant 0 : i32
    %dma_start3A_79 = arith.constant 0 : i32
    %dma_start3A_80 = tpu.memref_slice %arg4[%dma_start3A_78, %add3A_62, %dma_start3A_79] : memref<4x2048x4096xf32, #tpu.memory_space<hbm>> -> memref<4x2x4096xf32, #tpu.memory_space<hbm>>
    %dma_start3A_81 = arith.constant 0 : i32
    %dma_start3A_82 = arith.constant 0 : i32
    %dma_start3A_83 = tpu.memref_slice %arg4[%dma_start3A_81, %add3A_62, %dma_start3A_82] : memref<4x2048x4096xf32, #tpu.memory_space<hbm>> -> memref<4x2x4096xf32, #tpu.memory_space<hbm>>
    tpu.enqueue_dma source(%arg6 : memref<4x2x4096xf32, #tpu.memory_space<vmem>>) target(%dma_start3A_83 : memref<4x2x4096xf32, #tpu.memory_space<hbm>>) target_semaphore(%arg18 : memref<!tpu.dma_semaphore, #tpu.memory_space<semaphore_mem>>)
    %dma_wait3A_84 = arith.constant 0 : i32
    %dma_wait3A_85 = arith.constant 0 : i32
    %dma_wait3A_86 = tpu.memref_slice %arg4[%dma_wait3A_84, %add3A_62, %dma_wait3A_85] : memref<4x2048x4096xf32, #tpu.memory_space<hbm>> -> memref<4x2x4096xf32, #tpu.memory_space<hbm>>
    %dma_wait3A_87 = arith.constant 0 : i32
    %dma_wait3A_88 = arith.constant 0 : i32
    %dma_wait3A_89 = tpu.memref_slice %arg4[%dma_wait3A_87, %add3A_62, %dma_wait3A_88] : memref<4x2048x4096xf32, #tpu.memory_space<hbm>> -> memref<4x2x4096xf32, #tpu.memory_space<hbm>>
    tpu.wait_dma2 semaphore(%arg17 : memref<!tpu.dma_semaphore, #tpu.memory_space<semaphore_mem>>) src(%arg5 : memref<4x2x4096xf32, #tpu.memory_space<vmem>>) dst(%dma_wait3A_89 : memref<4x2x4096xf32, #tpu.memory_space<hbm>>)
    %add3A_90 = arith.constant 4 : i32
    %add3A_91 = arith.addi %add3A_62, %add3A_90 : i32
    %add3A_92 = arith.constant 0 : i32
    %add3A_93 = arith.addi %add3A_92, %add3A_91 : i32
    %dma_start3A_94 = arith.constant 0 : i32
    %dma_start3A_95 = tpu.memref_slice %arg3[%add3A_93, %dma_start3A_94] : memref<2048x4096xf32, #tpu.memory_space<hbm>> -> memref<2x4096xf32, #tpu.memory_space<hbm>>
    %dma_start3A_96 = arith.constant 0 : i32
    %dma_start3A_97 = tpu.memref_slice %arg3[%add3A_93, %dma_start3A_96] : memref<2048x4096xf32, #tpu.memory_space<hbm>> -> memref<2x4096xf32, #tpu.memory_space<hbm>>
    tpu.enqueue_dma source(%dma_start3A_97 : memref<2x4096xf32, #tpu.memory_space<hbm>>) target(%arg8 : memref<2x4096xf32, #tpu.memory_space<vmem>>) target_semaphore(%arg14 : memref<!tpu.dma_semaphore, #tpu.memory_space<semaphore_mem>>)
    %dma_start3A_98 = arith.constant 0 : i32
    %dma_start3A_99 = arith.constant 0 : i32
    %dma_start3A_100 = tpu.memref_slice %arg2[%dma_start3A_98, %add3A_93, %dma_start3A_99] : memref<4x2048x4096xf32, #tpu.memory_space<hbm>> -> memref<4x2x4096xf32, #tpu.memory_space<hbm>>
    %dma_start3A_101 = arith.constant 0 : i32
    %dma_start3A_102 = arith.constant 0 : i32
    %dma_start3A_103 = tpu.memref_slice %arg2[%dma_start3A_101, %add3A_93, %dma_start3A_102] : memref<4x2048x4096xf32, #tpu.memory_space<hbm>> -> memref<4x2x4096xf32, #tpu.memory_space<hbm>>
    tpu.enqueue_dma source(%dma_start3A_103 : memref<4x2x4096xf32, #tpu.memory_space<hbm>>) target(%arg5 : memref<4x2x4096xf32, #tpu.memory_space<vmem>>) target_semaphore(%arg11 : memref<!tpu.dma_semaphore, #tpu.memory_space<semaphore_mem>>)
    %scan3A = arith.constant 0 : i32
    %scan3A_104 = arith.constant 0 : i32
    %scan3A_105 = arith.constant 10 : i32
    %scan3A_106 = arith.addi %scan3A_104, %scan3A_105 : i32
    %scan3A_107 = arith.constant 1 : i32
    scf.for %scan3A_115 = %scan3A_104 to %scan3A_106 step %scan3A_107  : i32 {
      %mul3A_116 = arith.constant 3 : i32
      %mul3A_117 = arith.muli %mul3A_116, %scan3A_115 : i32
      %add3A_118 = arith.constant 2 : i32
      %add3A_119 = arith.addi %add3A_118, %mul3A_117 : i32
      %add3A_120 = arith.constant 0 : i32
      %add3A_121 = arith.addi %add3A_119, %add3A_120 : i32
      %mul3A_122 = arith.constant 2 : i32
      %mul3A_123 = arith.muli %add3A_121, %mul3A_122 : i32
      %add3A_124 = arith.addi %mul3A_2, %mul3A_123 : i32
      %add3A_125 = arith.constant 0 : i32
      %add3A_126 = arith.addi %add3A_125, %add3A_124 : i32
      %dma_wait3A_127 = arith.constant 0 : i32
      %dma_wait3A_128 = tpu.memref_slice %arg3[%add3A_126, %dma_wait3A_127] : memref<2048x4096xf32, #tpu.memory_space<hbm>> -> memref<2x4096xf32, #tpu.memory_space<hbm>>
      %dma_wait3A_129 = arith.constant 0 : i32
      %dma_wait3A_130 = tpu.memref_slice %arg3[%add3A_126, %dma_wait3A_129] : memref<2048x4096xf32, #tpu.memory_space<hbm>> -> memref<2x4096xf32, #tpu.memory_space<hbm>>
      tpu.wait_dma2 semaphore(%arg16 : memref<!tpu.dma_semaphore, #tpu.memory_space<semaphore_mem>>) src(%dma_wait3A_130 : memref<2x4096xf32, #tpu.memory_space<hbm>>) dst(%arg10 : memref<2x4096xf32, #tpu.memory_space<vmem>>)
      %dma_wait3A_131 = arith.constant 0 : i32
      %dma_wait3A_132 = arith.constant 0 : i32
      %dma_wait3A_133 = tpu.memref_slice %arg2[%dma_wait3A_131, %add3A_126, %dma_wait3A_132] : memref<4x2048x4096xf32, #tpu.memory_space<hbm>> -> memref<4x2x4096xf32, #tpu.memory_space<hbm>>
      %dma_wait3A_134 = arith.constant 0 : i32
      %dma_wait3A_135 = arith.constant 0 : i32
      %dma_wait3A_136 = tpu.memref_slice %arg2[%dma_wait3A_134, %add3A_126, %dma_wait3A_135] : memref<4x2048x4096xf32, #tpu.memory_space<hbm>> -> memref<4x2x4096xf32, #tpu.memory_space<hbm>>
      tpu.wait_dma2 semaphore(%arg13 : memref<!tpu.dma_semaphore, #tpu.memory_space<semaphore_mem>>) src(%dma_wait3A_136 : memref<4x2x4096xf32, #tpu.memory_space<hbm>>) dst(%arg7 : memref<4x2x4096xf32, #tpu.memory_space<vmem>>)
      %parallel_loop3A_137 = arith.constant 0 : i32
      %parallel_loop3A_138 = arith.constant 256 : i32
      %parallel_loop3A_139 = arith.constant 1 : i32
      scf.for %parallel_loop3A_245 = %parallel_loop3A_137 to %parallel_loop3A_138 step %parallel_loop3A_139  : i32 {
        %parallel_loop3A_246 = arith.constant 16 : i32
        %parallel_loop3A_247 = arith.muli %parallel_loop3A_245, %parallel_loop3A_246 : i32
        %parallel_loop3A_248 = arith.constant 0 : i32
        %parallel_loop3A_249 = arith.index_cast %parallel_loop3A_248 : i32 to index
        %parallel_loop3A_250 = arith.index_cast %parallel_loop3A_247 : i32 to index
        %parallel_loop3A_251 = tpu.vector_load %arg10[%parallel_loop3A_249, %parallel_loop3A_250] {strides = array<i32>} : memref<2x4096xf32, #tpu.memory_space<vmem>>, vector<1x16xf32>,
        %parallel_loop3A_252 = vector.shape_cast %parallel_loop3A_251 : vector<1x16xf32> to vector<16xf32>
        %parallel_loop3A_253 = arith.constant 0 : i32
        %parallel_loop3A_254 = arith.constant 0 : i32
        %parallel_loop3A_255 = arith.index_cast %parallel_loop3A_253 : i32 to index
        %parallel_loop3A_256 = arith.index_cast %parallel_loop3A_254 : i32 to index
        %parallel_loop3A_257 = arith.index_cast %parallel_loop3A_247 : i32 to index
        %parallel_loop3A_258 = tpu.vector_load %arg7[%parallel_loop3A_255, %parallel_loop3A_256, %parallel_loop3A_257] {strides = array<i32>} : memref<4x2x4096xf32, #tpu.memory_space<vmem>>, vector<1x1x16xf32>,
        %parallel_loop3A_259 = vector.shape_cast %parallel_loop3A_258 : vector<1x1x16xf32> to vector<16xf32>
        %parallel_loop3A_260 = arith.addf %parallel_loop3A_259, %parallel_loop3A_252 : vector<16xf32>
        %parallel_loop3A_261 = arith.constant 0 : i32
        %parallel_loop3A_262 = arith.constant 0 : i32
        %parallel_loop3A_263 = arith.index_cast %parallel_loop3A_261 : i32 to index
        %parallel_loop3A_264 = arith.index_cast %parallel_loop3A_262 : i32 to index
        %parallel_loop3A_265 = arith.index_cast %parallel_loop3A_247 : i32 to index
        %parallel_loop3A_266 = tpu.vector_load %arg7[%parallel_loop3A_263, %parallel_loop3A_264, %parallel_loop3A_265] {strides = array<i32>} : memref<4x2x4096xf32, #tpu.memory_space<vmem>>, vector<1x1x16xf32>,
        %parallel_loop3A_267 = vector.shape_cast %parallel_loop3A_266 : vector<1x1x16xf32> to vector<16xf32>
        %parallel_loop3A_268 = vector.shape_cast %parallel_loop3A_260 : vector<16xf32> to vector<1x1x16xf32>
        tpu.vector_store %arg7[%parallel_loop3A_263, %parallel_loop3A_264, %parallel_loop3A_265], %parallel_loop3A_268 {strides = array<i32>} : memref<4x2x4096xf32, #tpu.memory_space<vmem>>, vector<1x1x16xf32>,
        %parallel_loop3A_269 = arith.constant 1 : i32
        %parallel_loop3A_270 = arith.constant 0 : i32
        %parallel_loop3A_271 = arith.index_cast %parallel_loop3A_269 : i32 to index
        %parallel_loop3A_272 = arith.index_cast %parallel_loop3A_270 : i32 to index
        %parallel_loop3A_273 = arith.index_cast %parallel_loop3A_247 : i32 to index
        %parallel_loop3A_274 = tpu.vector_load %arg7[%parallel_loop3A_271, %parallel_loop3A_272, %parallel_loop3A_273] {strides = array<i32>} : memref<4x2x4096xf32, #tpu.memory_space<vmem>>, vector<1x1x16xf32>,
        %parallel_loop3A_275 = vector.shape_cast %parallel_loop3A_274 : vector<1x1x16xf32> to vector<16xf32>
        %parallel_loop3A_276 = arith.addf %parallel_loop3A_275, %parallel_loop3A_252 : vector<16xf32>
        %parallel_loop3A_277 = arith.constant 1 : i32
        %parallel_loop3A_278 = arith.constant 0 : i32
        %parallel_loop3A_279 = arith.index_cast %parallel_loop3A_277 : i32 to index
        %parallel_loop3A_280 = arith.index_cast %parallel_loop3A_278 : i32 to index
        %parallel_loop3A_281 = arith.index_cast %parallel_loop3A_247 : i32 to index
        %parallel_loop3A_282 = tpu.vector_load %arg7[%parallel_loop3A_279, %parallel_loop3A_280, %parallel_loop3A_281] {strides = array<i32>} : memref<4x2x4096xf32, #tpu.memory_space<vmem>>, vector<1x1x16xf32>,
        %parallel_loop3A_283 = vector.shape_cast %parallel_loop3A_282 : vector<1x1x16xf32> to vector<16xf32>
        %parallel_loop3A_284 = vector.shape_cast %parallel_loop3A_276 : vector<16xf32> to vector<1x1x16xf32>
        tpu.vector_store %arg7[%parallel_loop3A_279, %parallel_loop3A_280, %parallel_loop3A_281], %parallel_loop3A_284 {strides = array<i32>} : memref<4x2x4096xf32, #tpu.memory_space<vmem>>, vector<1x1x16xf32>,
        %parallel_loop3A_285 = arith.constant 2 : i32
        %parallel_loop3A_286 = arith.constant 0 : i32
        %parallel_loop3A_287 = arith.index_cast %parallel_loop3A_285 : i32 to index
        %parallel_loop3A_288 = arith.index_cast %parallel_loop3A_286 : i32 to index
        %parallel_loop3A_289 = arith.index_cast %parallel_loop3A_247 : i32 to index
        %parallel_loop3A_290 = tpu.vector_load %arg7[%parallel_loop3A_287, %parallel_loop3A_288, %parallel_loop3A_289] {strides = array<i32>} : memref<4x2x4096xf32, #tpu.memory_space<vmem>>, vector<1x1x16xf32>,
        %parallel_loop3A_291 = vector.shape_cast %parallel_loop3A_290 : vector<1x1x16xf32> to vector<16xf32>
        %parallel_loop3A_292 = arith.addf %parallel_loop3A_291, %parallel_loop3A_252 : vector<16xf32>
        %parallel_loop3A_293 = arith.constant 2 : i32
        %parallel_loop3A_294 = arith.constant 0 : i32
        %parallel_loop3A_295 = arith.index_cast %parallel_loop3A_293 : i32 to index
        %parallel_loop3A_296 = arith.index_cast %parallel_loop3A_294 : i32 to index
        %parallel_loop3A_297 = arith.index_cast %parallel_loop3A_247 : i32 to index
        %parallel_loop3A_298 = tpu.vector_load %arg7[%parallel_loop3A_295, %parallel_loop3A_296, %parallel_loop3A_297] {strides = array<i32>} : memref<4x2x4096xf32, #tpu.memory_space<vmem>>, vector<1x1x16xf32>,
        %parallel_loop3A_299 = vector.shape_cast %parallel_loop3A_298 : vector<1x1x16xf32> to vector<16xf32>
        %parallel_loop3A_300 = vector.shape_cast %parallel_loop3A_292 : vector<16xf32> to vector<1x1x16xf32>
        tpu.vector_store %arg7[%parallel_loop3A_295, %parallel_loop3A_296, %parallel_loop3A_297], %parallel_loop3A_300 {strides = array<i32>} : memref<4x2x4096xf32, #tpu.memory_space<vmem>>, vector<1x1x16xf32>,
        %parallel_loop3A_301 = arith.constant 3 : i32
        %parallel_loop3A_302 = arith.constant 0 : i32
        %parallel_loop3A_303 = arith.index_cast %parallel_loop3A_301 : i32 to index
        %parallel_loop3A_304 = arith.index_cast %parallel_loop3A_302 : i32 to index
        %parallel_loop3A_305 = arith.index_cast %parallel_loop3A_247 : i32 to index
        %parallel_loop3A_306 = tpu.vector_load %arg7[%parallel_loop3A_303, %parallel_loop3A_304, %parallel_loop3A_305] {strides = array<i32>} : memref<4x2x4096xf32, #tpu.memory_space<vmem>>, vector<1x1x16xf32>,
        %parallel_loop3A_307 = vector.shape_cast %parallel_loop3A_306 : vector<1x1x16xf32> to vector<16xf32>
        %parallel_loop3A_308 = arith.addf %parallel_loop3A_307, %parallel_loop3A_252 : vector<16xf32>
        %parallel_loop3A_309 = arith.constant 3 : i32
        %parallel_loop3A_310 = arith.constant 0 : i32
        %parallel_loop3A_311 = arith.index_cast %parallel_loop3A_309 : i32 to index
        %parallel_loop3A_312 = arith.index_cast %parallel_loop3A_310 : i32 to index
        %parallel_loop3A_313 = arith.index_cast %parallel_loop3A_247 : i32 to index
        %parallel_loop3A_314 = tpu.vector_load %arg7[%parallel_loop3A_311, %parallel_loop3A_312, %parallel_loop3A_313] {strides = array<i32>} : memref<4x2x4096xf32, #tpu.memory_space<vmem>>, vector<1x1x16xf32>,
        %parallel_loop3A_315 = vector.shape_cast %parallel_loop3A_314 : vector<1x1x16xf32> to vector<16xf32>
        %parallel_loop3A_316 = vector.shape_cast %parallel_loop3A_308 : vector<16xf32> to vector<1x1x16xf32>
        tpu.vector_store %arg7[%parallel_loop3A_311, %parallel_loop3A_312, %parallel_loop3A_313], %parallel_loop3A_316 {strides = array<i32>} : memref<4x2x4096xf32, #tpu.memory_space<vmem>>, vector<1x1x16xf32>,
        %parallel_loop3A_317 = arith.constant 1 : i32
        %parallel_loop3A_318 = arith.index_cast %parallel_loop3A_317 : i32 to index
        %parallel_loop3A_319 = arith.index_cast %parallel_loop3A_247 : i32 to index
        %parallel_loop3A_320 = tpu.vector_load %arg10[%parallel_loop3A_318, %parallel_loop3A_319] {strides = array<i32>} : memref<2x4096xf32, #tpu.memory_space<vmem>>, vector<1x16xf32>,
        %parallel_loop3A_321 = vector.shape_cast %parallel_loop3A_320 : vector<1x16xf32> to vector<16xf32>
        %parallel_loop3A_322 = arith.constant 0 : i32
        %parallel_loop3A_323 = arith.constant 1 : i32
        %parallel_loop3A_324 = arith.index_cast %parallel_loop3A_322 : i32 to index
        %parallel_loop3A_325 = arith.index_cast %parallel_loop3A_323 : i32 to index
        %parallel_loop3A_326 = arith.index_cast %parallel_loop3A_247 : i32 to index
        %parallel_loop3A_327 = tpu.vector_load %arg7[%parallel_loop3A_324, %parallel_loop3A_325, %parallel_loop3A_326] {strides = array<i32>} : memref<4x2x4096xf32, #tpu.memory_space<vmem>>, vector<1x1x16xf32>,
        %parallel_loop3A_328 = vector.shape_cast %parallel_loop3A_327 : vector<1x1x16xf32> to vector<16xf32>
        %parallel_loop3A_329 = arith.addf %parallel_loop3A_328, %parallel_loop3A_321 : vector<16xf32>
        %parallel_loop3A_330 = arith.constant 0 : i32
        %parallel_loop3A_331 = arith.constant 1 : i32
        %parallel_loop3A_332 = arith.index_cast %parallel_loop3A_330 : i32 to index
        %parallel_loop3A_333 = arith.index_cast %parallel_loop3A_331 : i32 to index
        %parallel_loop3A_334 = arith.index_cast %parallel_loop3A_247 : i32 to index
        %parallel_loop3A_335 = tpu.vector_load %arg7[%parallel_loop3A_332, %parallel_loop3A_333, %parallel_loop3A_334] {strides = array<i32>} : memref<4x2x4096xf32, #tpu.memory_space<vmem>>, vector<1x1x16xf32>,
        %parallel_loop3A_336 = vector.shape_cast %parallel_loop3A_335 : vector<1x1x16xf32> to vector<16xf32>
        %parallel_loop3A_337 = vector.shape_cast %parallel_loop3A_329 : vector<16xf32> to vector<1x1x16xf32>
        tpu.vector_store %arg7[%parallel_loop3A_332, %parallel_loop3A_333, %parallel_loop3A_334], %parallel_loop3A_337 {strides = array<i32>} : memref<4x2x4096xf32, #tpu.memory_space<vmem>>, vector<1x1x16xf32>,
        %parallel_loop3A_338 = arith.constant 1 : i32
        %parallel_loop3A_339 = arith.constant 1 : i32
        %parallel_loop3A_340 = arith.index_cast %parallel_loop3A_338 : i32 to index
        %parallel_loop3A_341 = arith.index_cast %parallel_loop3A_339 : i32 to index
        %parallel_loop3A_342 = arith.index_cast %parallel_loop3A_247 : i32 to index
        %parallel_loop3A_343 = tpu.vector_load %arg7[%parallel_loop3A_340, %parallel_loop3A_341, %parallel_loop3A_342] {strides = array<i32>} : memref<4x2x4096xf32, #tpu.memory_space<vmem>>, vector<1x1x16xf32>,
        %parallel_loop3A_344 = vector.shape_cast %parallel_loop3A_343 : vector<1x1x16xf32> to vector<16xf32>
        %parallel_loop3A_345 = arith.addf %parallel_loop3A_344, %parallel_loop3A_321 : vector<16xf32>
        %parallel_loop3A_346 = arith.constant 1 : i32
        %parallel_loop3A_347 = arith.constant 1 : i32
        %parallel_loop3A_348 = arith.index_cast %parallel_loop3A_346 : i32 to index
        %parallel_loop3A_349 = arith.index_cast %parallel_loop3A_347 : i32 to index
        %parallel_loop3A_350 = arith.index_cast %parallel_loop3A_247 : i32 to index
        %parallel_loop3A_351 = tpu.vector_load %arg7[%parallel_loop3A_348, %parallel_loop3A_349, %parallel_loop3A_350] {strides = array<i32>} : memref<4x2x4096xf32, #tpu.memory_space<vmem>>, vector<1x1x16xf32>,
        %parallel_loop3A_352 = vector.shape_cast %parallel_loop3A_351 : vector<1x1x16xf32> to vector<16xf32>
        %parallel_loop3A_353 = vector.shape_cast %parallel_loop3A_345 : vector<16xf32> to vector<1x1x16xf32>
        tpu.vector_store %arg7[%parallel_loop3A_348, %parallel_loop3A_349, %parallel_loop3A_350], %parallel_loop3A_353 {strides = array<i32>} : memref<4x2x4096xf32, #tpu.memory_space<vmem>>, vector<1x1x16xf32>,
        %parallel_loop3A_354 = arith.constant 2 : i32
        %parallel_loop3A_355 = arith.constant 1 : i32
        %parallel_loop3A_356 = arith.index_cast %parallel_loop3A_354 : i32 to index
        %parallel_loop3A_357 = arith.index_cast %parallel_loop3A_355 : i32 to index
        %parallel_loop3A_358 = arith.index_cast %parallel_loop3A_247 : i32 to index
        %parallel_loop3A_359 = tpu.vector_load %arg7[%parallel_loop3A_356, %parallel_loop3A_357, %parallel_loop3A_358] {strides = array<i32>} : memref<4x2x4096xf32, #tpu.memory_space<vmem>>, vector<1x1x16xf32>,
        %parallel_loop3A_360 = vector.shape_cast %parallel_loop3A_359 : vector<1x1x16xf32> to vector<16xf32>
        %parallel_loop3A_361 = arith.addf %parallel_loop3A_360, %parallel_loop3A_321 : vector<16xf32>
        %parallel_loop3A_362 = arith.constant 2 : i32
        %parallel_loop3A_363 = arith.constant 1 : i32
        %parallel_loop3A_364 = arith.index_cast %parallel_loop3A_362 : i32 to index
        %parallel_loop3A_365 = arith.index_cast %parallel_loop3A_363 : i32 to index
        %parallel_loop3A_366 = arith.index_cast %parallel_loop3A_247 : i32 to index
        %parallel_loop3A_367 = tpu.vector_load %arg7[%parallel_loop3A_364, %parallel_loop3A_365, %parallel_loop3A_366] {strides = array<i32>} : memref<4x2x4096xf32, #tpu.memory_space<vmem>>, vector<1x1x16xf32>,
        %parallel_loop3A_368 = vector.shape_cast %parallel_loop3A_367 : vector<1x1x16xf32> to vector<16xf32>
        %parallel_loop3A_369 = vector.shape_cast %parallel_loop3A_361 : vector<16xf32> to vector<1x1x16xf32>
        tpu.vector_store %arg7[%parallel_loop3A_364, %parallel_loop3A_365, %parallel_loop3A_366], %parallel_loop3A_369 {strides = array<i32>} : memref<4x2x4096xf32, #tpu.memory_space<vmem>>, vector<1x1x16xf32>,
        %parallel_loop3A_370 = arith.constant 3 : i32
        %parallel_loop3A_371 = arith.constant 1 : i32
        %parallel_loop3A_372 = arith.index_cast %parallel_loop3A_370 : i32 to index
        %parallel_loop3A_373 = arith.index_cast %parallel_loop3A_371 : i32 to index
        %parallel_loop3A_374 = arith.index_cast %parallel_loop3A_247 : i32 to index
        %parallel_loop3A_375 = tpu.vector_load %arg7[%parallel_loop3A_372, %parallel_loop3A_373, %parallel_loop3A_374] {strides = array<i32>} : memref<4x2x4096xf32, #tpu.memory_space<vmem>>, vector<1x1x16xf32>,
        %parallel_loop3A_376 = vector.shape_cast %parallel_loop3A_375 : vector<1x1x16xf32> to vector<16xf32>
        %parallel_loop3A_377 = arith.addf %parallel_loop3A_376, %parallel_loop3A_321 : vector<16xf32>
        %parallel_loop3A_378 = arith.constant 3 : i32
        %parallel_loop3A_379 = arith.constant 1 : i32
        %parallel_loop3A_380 = arith.index_cast %parallel_loop3A_378 : i32 to index
        %parallel_loop3A_381 = arith.index_cast %parallel_loop3A_379 : i32 to index
        %parallel_loop3A_382 = arith.index_cast %parallel_loop3A_247 : i32 to index
        %parallel_loop3A_383 = tpu.vector_load %arg7[%parallel_loop3A_380, %parallel_loop3A_381, %parallel_loop3A_382] {strides = array<i32>} : memref<4x2x4096xf32, #tpu.memory_space<vmem>>, vector<1x1x16xf32>,
        %parallel_loop3A_384 = vector.shape_cast %parallel_loop3A_383 : vector<1x1x16xf32> to vector<16xf32>
        %parallel_loop3A_385 = vector.shape_cast %parallel_loop3A_377 : vector<16xf32> to vector<1x1x16xf32>
        tpu.vector_store %arg7[%parallel_loop3A_380, %parallel_loop3A_381, %parallel_loop3A_382], %parallel_loop3A_385 {strides = array<i32>} : memref<4x2x4096xf32, #tpu.memory_space<vmem>>, vector<1x1x16xf32>,
      } {sc.loop_unroll_factor = 8 : i64, sc.parallel_access}
      %dma_start3A_140 = arith.constant 0 : i32
      %dma_start3A_141 = arith.constant 0 : i32
      %dma_start3A_142 = tpu.memref_slice %arg4[%dma_start3A_140, %add3A_124, %dma_start3A_141] : memref<4x2048x4096xf32, #tpu.memory_space<hbm>> -> memref<4x2x4096xf32, #tpu.memory_space<hbm>>
      %dma_start3A_143 = arith.constant 0 : i32
      %dma_start3A_144 = arith.constant 0 : i32
      %dma_start3A_145 = tpu.memref_slice %arg4[%dma_start3A_143, %add3A_124, %dma_start3A_144] : memref<4x2048x4096xf32, #tpu.memory_space<hbm>> -> memref<4x2x4096xf32, #tpu.memory_space<hbm>>
      tpu.enqueue_dma source(%arg7 : memref<4x2x4096xf32, #tpu.memory_space<vmem>>) target(%dma_start3A_145 : memref<4x2x4096xf32, #tpu.memory_space<hbm>>) target_semaphore(%arg19 : memref<!tpu.dma_semaphore, #tpu.memory_space<semaphore_mem>>)
      %dma_wait3A_146 = arith.constant 0 : i32
      %dma_wait3A_147 = arith.constant 0 : i32
      %dma_wait3A_148 = tpu.memref_slice %arg4[%dma_wait3A_146, %add3A_124, %dma_wait3A_147] : memref<4x2048x4096xf32, #tpu.memory_space<hbm>> -> memref<4x2x4096xf32, #tpu.memory_space<hbm>>
      %dma_wait3A_149 = arith.constant 0 : i32
      %dma_wait3A_150 = arith.constant 0 : i32
      %dma_wait3A_151 = tpu.memref_slice %arg4[%dma_wait3A_149, %add3A_124, %dma_wait3A_150] : memref<4x2048x4096xf32, #tpu.memory_space<hbm>> -> memref<4x2x4096xf32, #tpu.memory_space<hbm>>
      tpu.wait_dma2 semaphore(%arg18 : memref<!tpu.dma_semaphore, #tpu.memory_space<semaphore_mem>>) src(%arg6 : memref<4x2x4096xf32, #tpu.memory_space<vmem>>) dst(%dma_wait3A_151 : memref<4x2x4096xf32, #tpu.memory_space<hbm>>)
      %add3A_152 = arith.constant 4 : i32
      %add3A_153 = arith.addi %add3A_124, %add3A_152 : i32
      %add3A_154 = arith.constant 0 : i32
      %add3A_155 = arith.addi %add3A_154, %add3A_153 : i32
      %dma_start3A_156 = arith.constant 0 : i32
      %dma_start3A_157 = tpu.memref_slice %arg3[%add3A_155, %dma_start3A_156] : memref<2048x4096xf32, #tpu.memory_space<hbm>> -> memref<2x4096xf32, #tpu.memory_space<hbm>>
      %dma_start3A_158 = arith.constant 0 : i32
      %dma_start3A_159 = tpu.memref_slice %arg3[%add3A_155, %dma_start3A_158] : memref<2048x4096xf32, #tpu.memory_space<hbm>> -> memref<2x4096xf32, #tpu.memory_space<hbm>>
      tpu.enqueue_dma source(%dma_start3A_159 : memref<2x4096xf32, #tpu.memory_space<hbm>>) target(%arg9 : memref<2x4096xf32, #tpu.memory_space<vmem>>) target_semaphore(%arg15 : memref<!tpu.dma_semaphore, #tpu.memory_space<semaphore_mem>>)
      %dma_start3A_160 = arith.constant 0 : i32
      %dma_start3A_161 = arith.constant 0 : i32
      %dma_start3A_162 = tpu.memref_slice %arg2[%dma_start3A_160, %add3A_155, %dma_start3A_161] : memref<4x2048x4096xf32, #tpu.memory_space<hbm>> -> memref<4x2x4096xf32, #tpu.memory_space<hbm>>
      %dma_start3A_163 = arith.constant 0 : i32
      %dma_start3A_164 = arith.constant 0 : i32
      %dma_start3A_165 = tpu.memref_slice %arg2[%dma_start3A_163, %add3A_155, %dma_start3A_164] : memref<4x2048x4096xf32, #tpu.memory_space<hbm>> -> memref<4x2x4096xf32, #tpu.memory_space<hbm>>
      tpu.enqueue_dma source(%dma_start3A_165 : memref<4x2x4096xf32, #tpu.memory_space<hbm>>) target(%arg6 : memref<4x2x4096xf32, #tpu.memory_space<vmem>>) target_semaphore(%arg12 : memref<!tpu.dma_semaphore, #tpu.memory_space<semaphore_mem>>)
      %mul3A_166 = arith.constant 3 : i32
      %mul3A_167 = arith.muli %mul3A_166, %scan3A_115 : i32
      %add3A_168 = arith.constant 2 : i32
      %add3A_169 = arith.addi %add3A_168, %mul3A_167 : i32
      %add3A_170 = arith.constant 1 : i32
      %add3A_171 = arith.addi %add3A_169, %add3A_170 : i32
      %mul3A_172 = arith.constant 2 : i32
      %mul3A_173 = arith.muli %add3A_171, %mul3A_172 : i32
      %add3A_174 = arith.addi %mul3A_2, %mul3A_173 : i32
      %add3A_175 = arith.constant 0 : i32
      %add3A_176 = arith.addi %add3A_175, %add3A_174 : i32
      %dma_wait3A_177 = arith.constant 0 : i32
      %dma_wait3A_178 = tpu.memref_slice %arg3[%add3A_176, %dma_wait3A_177] : memref<2048x4096xf32, #tpu.memory_space<hbm>> -> memref<2x4096xf32, #tpu.memory_space<hbm>>
      %dma_wait3A_179 = arith.constant 0 : i32
      %dma_wait3A_180 = tpu.memref_slice %arg3[%add3A_176, %dma_wait3A_179] : memref<2048x4096xf32, #tpu.memory_space<hbm>> -> memref<2x4096xf32, #tpu.memory_space<hbm>>
      tpu.wait_dma2 semaphore(%arg14 : memref<!tpu.dma_semaphore, #tpu.memory_space<semaphore_mem>>) src(%dma_wait3A_180 : memref<2x4096xf32, #tpu.memory_space<hbm>>) dst(%arg8 : memref<2x4096xf32, #tpu.memory_space<vmem>>)
      %dma_wait3A_181 = arith.constant 0 : i32
      %dma_wait3A_182 = arith.constant 0 : i32
      %dma_wait3A_183 = tpu.memref_slice %arg2[%dma_wait3A_181, %add3A_176, %dma_wait3A_182] : memref<4x2048x4096xf32, #tpu.memory_space<hbm>> -> memref<4x2x4096xf32, #tpu.memory_space<hbm>>
      %dma_wait3A_184 = arith.constant 0 : i32
      %dma_wait3A_185 = arith.constant 0 : i32
      %dma_wait3A_186 = tpu.memref_slice %arg2[%dma_wait3A_184, %add3A_176, %dma_wait3A_185] : memref<4x2048x4096xf32, #tpu.memory_space<hbm>> -> memref<4x2x4096xf32, #tpu.memory_space<hbm>>
      tpu.wait_dma2 semaphore(%arg11 : memref<!tpu.dma_semaphore, #tpu.memory_space<semaphore_mem>>) src(%dma_wait3A_186 : memref<4x2x4096xf32, #tpu.memory_space<hbm>>) dst(%arg5 : memref<4x2x4096xf32, #tpu.memory_space<vmem>>)
      %parallel_loop3A_187 = arith.constant 0 : i32
      %parallel_loop3A_188 = arith.constant 256 : i32
      %parallel_loop3A_189 = arith.constant 1 : i32
      scf.for %parallel_loop3A_245 = %parallel_loop3A_187 to %parallel_loop3A_188 step %parallel_loop3A_189  : i32 {
        %parallel_loop3A_246 = arith.constant 16 : i32
        %parallel_loop3A_247 = arith.muli %parallel_loop3A_245, %parallel_loop3A_246 : i32
        %parallel_loop3A_248 = arith.constant 0 : i32
        %parallel_loop3A_249 = arith.index_cast %parallel_loop3A_248 : i32 to index
        %parallel_loop3A_250 = arith.index_cast %parallel_loop3A_247 : i32 to index
        %parallel_loop3A_251 = tpu.vector_load %arg8[%parallel_loop3A_249, %parallel_loop3A_250] {strides = array<i32>} : memref<2x4096xf32, #tpu.memory_space<vmem>>, vector<1x16xf32>,
        %parallel_loop3A_252 = vector.shape_cast %parallel_loop3A_251 : vector<1x16xf32> to vector<16xf32>
        %parallel_loop3A_253 = arith.constant 0 : i32
        %parallel_loop3A_254 = arith.constant 0 : i32
        %parallel_loop3A_255 = arith.index_cast %parallel_loop3A_253 : i32 to index
        %parallel_loop3A_256 = arith.index_cast %parallel_loop3A_254 : i32 to index
        %parallel_loop3A_257 = arith.index_cast %parallel_loop3A_247 : i32 to index
        %parallel_loop3A_258 = tpu.vector_load %arg5[%parallel_loop3A_255, %parallel_loop3A_256, %parallel_loop3A_257] {strides = array<i32>} : memref<4x2x4096xf32, #tpu.memory_space<vmem>>, vector<1x1x16xf32>,
        %parallel_loop3A_259 = vector.shape_cast %parallel_loop3A_258 : vector<1x1x16xf32> to vector<16xf32>
        %parallel_loop3A_260 = arith.addf %parallel_loop3A_259, %parallel_loop3A_252 : vector<16xf32>
        %parallel_loop3A_261 = arith.constant 0 : i32
        %parallel_loop3A_262 = arith.constant 0 : i32
        %parallel_loop3A_263 = arith.index_cast %parallel_loop3A_261 : i32 to index
        %parallel_loop3A_264 = arith.index_cast %parallel_loop3A_262 : i32 to index
        %parallel_loop3A_265 = arith.index_cast %parallel_loop3A_247 : i32 to index
        %parallel_loop3A_266 = tpu.vector_load %arg5[%parallel_loop3A_263, %parallel_loop3A_264, %parallel_loop3A_265] {strides = array<i32>} : memref<4x2x4096xf32, #tpu.memory_space<vmem>>, vector<1x1x16xf32>,
        %parallel_loop3A_267 = vector.shape_cast %parallel_loop3A_266 : vector<1x1x16xf32> to vector<16xf32>
        %parallel_loop3A_268 = vector.shape_cast %parallel_loop3A_260 : vector<16xf32> to vector<1x1x16xf32>
        tpu.vector_store %arg5[%parallel_loop3A_263, %parallel_loop3A_264, %parallel_loop3A_265], %parallel_loop3A_268 {strides = array<i32>} : memref<4x2x4096xf32, #tpu.memory_space<vmem>>, vector<1x1x16xf32>,
        %parallel_loop3A_269 = arith.constant 1 : i32
        %parallel_loop3A_270 = arith.constant 0 : i32
        %parallel_loop3A_271 = arith.index_cast %parallel_loop3A_269 : i32 to index
        %parallel_loop3A_272 = arith.index_cast %parallel_loop3A_270 : i32 to index
        %parallel_loop3A_273 = arith.index_cast %parallel_loop3A_247 : i32 to index
        %parallel_loop3A_274 = tpu.vector_load %arg5[%parallel_loop3A_271, %parallel_loop3A_272, %parallel_loop3A_273] {strides = array<i32>} : memref<4x2x4096xf32, #tpu.memory_space<vmem>>, vector<1x1x16xf32>,
        %parallel_loop3A_275 = vector.shape_cast %parallel_loop3A_274 : vector<1x1x16xf32> to vector<16xf32>
        %parallel_loop3A_276 = arith.addf %parallel_loop3A_275, %parallel_loop3A_252 : vector<16xf32>
        %parallel_loop3A_277 = arith.constant 1 : i32
        %parallel_loop3A_278 = arith.constant 0 : i32
        %parallel_loop3A_279 = arith.index_cast %parallel_loop3A_277 : i32 to index
        %parallel_loop3A_280 = arith.index_cast %parallel_loop3A_278 : i32 to index
        %parallel_loop3A_281 = arith.index_cast %parallel_loop3A_247 : i32 to index
        %parallel_loop3A_282 = tpu.vector_load %arg5[%parallel_loop3A_279, %parallel_loop3A_280, %parallel_loop3A_281] {strides = array<i32>} : memref<4x2x4096xf32, #tpu.memory_space<vmem>>, vector<1x1x16xf32>,
        %parallel_loop3A_283 = vector.shape_cast %parallel_loop3A_282 : vector<1x1x16xf32> to vector<16xf32>
        %parallel_loop3A_284 = vector.shape_cast %parallel_loop3A_276 : vector<16xf32> to vector<1x1x16xf32>
        tpu.vector_store %arg5[%parallel_loop3A_279, %parallel_loop3A_280, %parallel_loop3A_281], %parallel_loop3A_284 {strides = array<i32>} : memref<4x2x4096xf32, #tpu.memory_space<vmem>>, vector<1x1x16xf32>,
        %parallel_loop3A_285 = arith.constant 2 : i32
        %parallel_loop3A_286 = arith.constant 0 : i32
        %parallel_loop3A_287 = arith.index_cast %parallel_loop3A_285 : i32 to index
        %parallel_loop3A_288 = arith.index_cast %parallel_loop3A_286 : i32 to index
        %parallel_loop3A_289 = arith.index_cast %parallel_loop3A_247 : i32 to index
        %parallel_loop3A_290 = tpu.vector_load %arg5[%parallel_loop3A_287, %parallel_loop3A_288, %parallel_loop3A_289] {strides = array<i32>} : memref<4x2x4096xf32, #tpu.memory_space<vmem>>, vector<1x1x16xf32>,
        %parallel_loop3A_291 = vector.shape_cast %parallel_loop3A_290 : vector<1x1x16xf32> to vector<16xf32>
        %parallel_loop3A_292 = arith.addf %parallel_loop3A_291, %parallel_loop3A_252 : vector<16xf32>
        %parallel_loop3A_293 = arith.constant 2 : i32
        %parallel_loop3A_294 = arith.constant 0 : i32
        %parallel_loop3A_295 = arith.index_cast %parallel_loop3A_293 : i32 to index
        %parallel_loop3A_296 = arith.index_cast %parallel_loop3A_294 : i32 to index
        %parallel_loop3A_297 = arith.index_cast %parallel_loop3A_247 : i32 to index
        %parallel_loop3A_298 = tpu.vector_load %arg5[%parallel_loop3A_295, %parallel_loop3A_296, %parallel_loop3A_297] {strides = array<i32>} : memref<4x2x4096xf32, #tpu.memory_space<vmem>>, vector<1x1x16xf32>,
        %parallel_loop3A_299 = vector.shape_cast %parallel_loop3A_298 : vector<1x1x16xf32> to vector<16xf32>
        %parallel_loop3A_300 = vector.shape_cast %parallel_loop3A_292 : vector<16xf32> to vector<1x1x16xf32>
        tpu.vector_store %arg5[%parallel_loop3A_295, %parallel_loop3A_296, %parallel_loop3A_297], %parallel_loop3A_300 {strides = array<i32>} : memref<4x2x4096xf32, #tpu.memory_space<vmem>>, vector<1x1x16xf32>,
        %parallel_loop3A_301 = arith.constant 3 : i32
        %parallel_loop3A_302 = arith.constant 0 : i32
        %parallel_loop3A_303 = arith.index_cast %parallel_loop3A_301 : i32 to index
        %parallel_loop3A_304 = arith.index_cast %parallel_loop3A_302 : i32 to index
        %parallel_loop3A_305 = arith.index_cast %parallel_loop3A_247 : i32 to index
        %parallel_loop3A_306 = tpu.vector_load %arg5[%parallel_loop3A_303, %parallel_loop3A_304, %parallel_loop3A_305] {strides = array<i32>} : memref<4x2x4096xf32, #tpu.memory_space<vmem>>, vector<1x1x16xf32>,
        %parallel_loop3A_307 = vector.shape_cast %parallel_loop3A_306 : vector<1x1x16xf32> to vector<16xf32>
        %parallel_loop3A_308 = arith.addf %parallel_loop3A_307, %parallel_loop3A_252 : vector<16xf32>
        %parallel_loop3A_309 = arith.constant 3 : i32
        %parallel_loop3A_310 = arith.constant 0 : i32
        %parallel_loop3A_311 = arith.index_cast %parallel_loop3A_309 : i32 to index
        %parallel_loop3A_312 = arith.index_cast %parallel_loop3A_310 : i32 to index
        %parallel_loop3A_313 = arith.index_cast %parallel_loop3A_247 : i32 to index
        %parallel_loop3A_314 = tpu.vector_load %arg5[%parallel_loop3A_311, %parallel_loop3A_312, %parallel_loop3A_313] {strides = array<i32>} : memref<4x2x4096xf32, #tpu.memory_space<vmem>>, vector<1x1x16xf32>,
        %parallel_loop3A_315 = vector.shape_cast %parallel_loop3A_314 : vector<1x1x16xf32> to vector<16xf32>
        %parallel_loop3A_316 = vector.shape_cast %parallel_loop3A_308 : vector<16xf32> to vector<1x1x16xf32>
        tpu.vector_store %arg5[%parallel_loop3A_311, %parallel_loop3A_312, %parallel_loop3A_313], %parallel_loop3A_316 {strides = array<i32>} : memref<4x2x4096xf32, #tpu.memory_space<vmem>>, vector<1x1x16xf32>,
        %parallel_loop3A_317 = arith.constant 1 : i32
        %parallel_loop3A_318 = arith.index_cast %parallel_loop3A_317 : i32 to index
        %parallel_loop3A_319 = arith.index_cast %parallel_loop3A_247 : i32 to index
        %parallel_loop3A_320 = tpu.vector_load %arg8[%parallel_loop3A_318, %parallel_loop3A_319] {strides = array<i32>} : memref<2x4096xf32, #tpu.memory_space<vmem>>, vector<1x16xf32>,
        %parallel_loop3A_321 = vector.shape_cast %parallel_loop3A_320 : vector<1x16xf32> to vector<16xf32>
        %parallel_loop3A_322 = arith.constant 0 : i32
        %parallel_loop3A_323 = arith.constant 1 : i32
        %parallel_loop3A_324 = arith.index_cast %parallel_loop3A_322 : i32 to index
        %parallel_loop3A_325 = arith.index_cast %parallel_loop3A_323 : i32 to index
        %parallel_loop3A_326 = arith.index_cast %parallel_loop3A_247 : i32 to index
        %parallel_loop3A_327 = tpu.vector_load %arg5[%parallel_loop3A_324, %parallel_loop3A_325, %parallel_loop3A_326] {strides = array<i32>} : memref<4x2x4096xf32, #tpu.memory_space<vmem>>, vector<1x1x16xf32>,
        %parallel_loop3A_328 = vector.shape_cast %parallel_loop3A_327 : vector<1x1x16xf32> to vector<16xf32>
        %parallel_loop3A_329 = arith.addf %parallel_loop3A_328, %parallel_loop3A_321 : vector<16xf32>
        %parallel_loop3A_330 = arith.constant 0 : i32
        %parallel_loop3A_331 = arith.constant 1 : i32
        %parallel_loop3A_332 = arith.index_cast %parallel_loop3A_330 : i32 to index
        %parallel_loop3A_333 = arith.index_cast %parallel_loop3A_331 : i32 to index
        %parallel_loop3A_334 = arith.index_cast %parallel_loop3A_247 : i32 to index
        %parallel_loop3A_335 = tpu.vector_load %arg5[%parallel_loop3A_332, %parallel_loop3A_333, %parallel_loop3A_334] {strides = array<i32>} : memref<4x2x4096xf32, #tpu.memory_space<vmem>>, vector<1x1x16xf32>,
        %parallel_loop3A_336 = vector.shape_cast %parallel_loop3A_335 : vector<1x1x16xf32> to vector<16xf32>
        %parallel_loop3A_337 = vector.shape_cast %parallel_loop3A_329 : vector<16xf32> to vector<1x1x16xf32>
        tpu.vector_store %arg5[%parallel_loop3A_332, %parallel_loop3A_333, %parallel_loop3A_334], %parallel_loop3A_337 {strides = array<i32>} : memref<4x2x4096xf32, #tpu.memory_space<vmem>>, vector<1x1x16xf32>,
        %parallel_loop3A_338 = arith.constant 1 : i32
        %parallel_loop3A_339 = arith.constant 1 : i32
        %parallel_loop3A_340 = arith.index_cast %parallel_loop3A_338 : i32 to index
        %parallel_loop3A_341 = arith.index_cast %parallel_loop3A_339 : i32 to index
        %parallel_loop3A_342 = arith.index_cast %parallel_loop3A_247 : i32 to index
        %parallel_loop3A_343 = tpu.vector_load %arg5[%parallel_loop3A_340, %parallel_loop3A_341, %parallel_loop3A_342] {strides = array<i32>} : memref<4x2x4096xf32, #tpu.memory_space<vmem>>, vector<1x1x16xf32>,
        %parallel_loop3A_344 = vector.shape_cast %parallel_loop3A_343 : vector<1x1x16xf32> to vector<16xf32>
        %parallel_loop3A_345 = arith.addf %parallel_loop3A_344, %parallel_loop3A_321 : vector<16xf32>
        %parallel_loop3A_346 = arith.constant 1 : i32
        %parallel_loop3A_347 = arith.constant 1 : i32
        %parallel_loop3A_348 = arith.index_cast %parallel_loop3A_346 : i32 to index
        %parallel_loop3A_349 = arith.index_cast %parallel_loop3A_347 : i32 to index
        %parallel_loop3A_350 = arith.index_cast %parallel_loop3A_247 : i32 to index
        %parallel_loop3A_351 = tpu.vector_load %arg5[%parallel_loop3A_348, %parallel_loop3A_349, %parallel_loop3A_350] {strides = array<i32>} : memref<4x2x4096xf32, #tpu.memory_space<vmem>>, vector<1x1x16xf32>,
        %parallel_loop3A_352 = vector.shape_cast %parallel_loop3A_351 : vector<1x1x16xf32> to vector<16xf32>
        %parallel_loop3A_353 = vector.shape_cast %parallel_loop3A_345 : vector<16xf32> to vector<1x1x16xf32>
        tpu.vector_store %arg5[%parallel_loop3A_348, %parallel_loop3A_349, %parallel_loop3A_350], %parallel_loop3A_353 {strides = array<i32>} : memref<4x2x4096xf32, #tpu.memory_space<vmem>>, vector<1x1x16xf32>,
        %parallel_loop3A_354 = arith.constant 2 : i32
        %parallel_loop3A_355 = arith.constant 1 : i32
        %parallel_loop3A_356 = arith.index_cast %parallel_loop3A_354 : i32 to index
        %parallel_loop3A_357 = arith.index_cast %parallel_loop3A_355 : i32 to index
        %parallel_loop3A_358 = arith.index_cast %parallel_loop3A_247 : i32 to index
        %parallel_loop3A_359 = tpu.vector_load %arg5[%parallel_loop3A_356, %parallel_loop3A_357, %parallel_loop3A_358] {strides = array<i32>} : memref<4x2x4096xf32, #tpu.memory_space<vmem>>, vector<1x1x16xf32>,
        %parallel_loop3A_360 = vector.shape_cast %parallel_loop3A_359 : vector<1x1x16xf32> to vector<16xf32>
        %parallel_loop3A_361 = arith.addf %parallel_loop3A_360, %parallel_loop3A_321 : vector<16xf32>
        %parallel_loop3A_362 = arith.constant 2 : i32
        %parallel_loop3A_363 = arith.constant 1 : i32
        %parallel_loop3A_364 = arith.index_cast %parallel_loop3A_362 : i32 to index
        %parallel_loop3A_365 = arith.index_cast %parallel_loop3A_363 : i32 to index
        %parallel_loop3A_366 = arith.index_cast %parallel_loop3A_247 : i32 to index
        %parallel_loop3A_367 = tpu.vector_load %arg5[%parallel_loop3A_364, %parallel_loop3A_365, %parallel_loop3A_366] {strides = array<i32>} : memref<4x2x4096xf32, #tpu.memory_space<vmem>>, vector<1x1x16xf32>,
        %parallel_loop3A_368 = vector.shape_cast %parallel_loop3A_367 : vector<1x1x16xf32> to vector<16xf32>
        %parallel_loop3A_369 = vector.shape_cast %parallel_loop3A_361 : vector<16xf32> to vector<1x1x16xf32>
        tpu.vector_store %arg5[%parallel_loop3A_364, %parallel_loop3A_365, %parallel_loop3A_366], %parallel_loop3A_369 {strides = array<i32>} : memref<4x2x4096xf32, #tpu.memory_space<vmem>>, vector<1x1x16xf32>,
        %parallel_loop3A_370 = arith.constant 3 : i32
        %parallel_loop3A_371 = arith.constant 1 : i32
        %parallel_loop3A_372 = arith.index_cast %parallel_loop3A_370 : i32 to index
        %parallel_loop3A_373 = arith.index_cast %parallel_loop3A_371 : i32 to index
        %parallel_loop3A_374 = arith.index_cast %parallel_loop3A_247 : i32 to index
        %parallel_loop3A_375 = tpu.vector_load %arg5[%parallel_loop3A_372, %parallel_loop3A_373, %parallel_loop3A_374] {strides = array<i32>} : memref<4x2x4096xf32, #tpu.memory_space<vmem>>, vector<1x1x16xf32>,
        %parallel_loop3A_376 = vector.shape_cast %parallel_loop3A_375 : vector<1x1x16xf32> to vector<16xf32>
        %parallel_loop3A_377 = arith.addf %parallel_loop3A_376, %parallel_loop3A_321 : vector<16xf32>
        %parallel_loop3A_378 = arith.constant 3 : i32
        %parallel_loop3A_379 = arith.constant 1 : i32
        %parallel_loop3A_380 = arith.index_cast %parallel_loop3A_378 : i32 to index
        %parallel_loop3A_381 = arith.index_cast %parallel_loop3A_379 : i32 to index
        %parallel_loop3A_382 = arith.index_cast %parallel_loop3A_247 : i32 to index
        %parallel_loop3A_383 = tpu.vector_load %arg5[%parallel_loop3A_380, %parallel_loop3A_381, %parallel_loop3A_382] {strides = array<i32>} : memref<4x2x4096xf32, #tpu.memory_space<vmem>>, vector<1x1x16xf32>,
        %parallel_loop3A_384 = vector.shape_cast %parallel_loop3A_383 : vector<1x1x16xf32> to vector<16xf32>
        %parallel_loop3A_385 = vector.shape_cast %parallel_loop3A_377 : vector<16xf32> to vector<1x1x16xf32>
        tpu.vector_store %arg5[%parallel_loop3A_380, %parallel_loop3A_381, %parallel_loop3A_382], %parallel_loop3A_385 {strides = array<i32>} : memref<4x2x4096xf32, #tpu.memory_space<vmem>>, vector<1x1x16xf32>,
      } {sc.loop_unroll_factor = 8 : i64, sc.parallel_access}
      %dma_start3A_190 = arith.constant 0 : i32
      %dma_start3A_191 = arith.constant 0 : i32
      %dma_start3A_192 = tpu.memref_slice %arg4[%dma_start3A_190, %add3A_174, %dma_start3A_191] : memref<4x2048x4096xf32, #tpu.memory_space<hbm>> -> memref<4x2x4096xf32, #tpu.memory_space<hbm>>
      %dma_start3A_193 = arith.constant 0 : i32
      %dma_start3A_194 = arith.constant 0 : i32
      %dma_start3A_195 = tpu.memref_slice %arg4[%dma_start3A_193, %add3A_174, %dma_start3A_194] : memref<4x2048x4096xf32, #tpu.memory_space<hbm>> -> memref<4x2x4096xf32, #tpu.memory_space<hbm>>
      tpu.enqueue_dma source(%arg5 : memref<4x2x4096xf32, #tpu.memory_space<vmem>>) target(%dma_start3A_195 : memref<4x2x4096xf32, #tpu.memory_space<hbm>>) target_semaphore(%arg17 : memref<!tpu.dma_semaphore, #tpu.memory_space<semaphore_mem>>)
      %dma_wait3A_196 = arith.constant 0 : i32
      %dma_wait3A_197 = arith.constant 0 : i32
      %dma_wait3A_198 = tpu.memref_slice %arg4[%dma_wait3A_196, %add3A_174, %dma_wait3A_197] : memref<4x2048x4096xf32, #tpu.memory_space<hbm>> -> memref<4x2x4096xf32, #tpu.memory_space<hbm>>
      %dma_wait3A_199 = arith.constant 0 : i32
      %dma_wait3A_200 = arith.constant 0 : i32
      %dma_wait3A_201 = tpu.memref_slice %arg4[%dma_wait3A_199, %add3A_174, %dma_wait3A_200] : memref<4x2048x4096xf32, #tpu.memory_space<hbm>> -> memref<4x2x4096xf32, #tpu.memory_space<hbm>>
      tpu.wait_dma2 semaphore(%arg19 : memref<!tpu.dma_semaphore, #tpu.memory_space<semaphore_mem>>) src(%arg7 : memref<4x2x4096xf32, #tpu.memory_space<vmem>>) dst(%dma_wait3A_201 : memref<4x2x4096xf32, #tpu.memory_space<hbm>>)
      %lt3A = arith.constant 9 : i32
      %lt3A_202 = arith.cmpi slt, %scan3A_115, %lt3A : i32
      %convert_element_type3A = arith.extui %lt3A_202 : i1 to i32
      %cond3A = arith.constant 0 : i32
      %cond3A_203 = arith.cmpi ne, %convert_element_type3A, %cond3A : i32
      scf.if %cond3A_203 {
        %add3A_245 = arith.constant 4 : i32
        %add3A_246 = arith.addi %add3A_174, %add3A_245 : i32
        %add3A_247 = arith.constant 0 : i32
        %add3A_248 = arith.addi %add3A_247, %add3A_246 : i32
        %dma_start3A_249 = arith.constant 0 : i32
        %dma_start3A_250 = tpu.memref_slice %arg3[%add3A_248, %dma_start3A_249] : memref<2048x4096xf32, #tpu.memory_space<hbm>> -> memref<2x4096xf32, #tpu.memory_space<hbm>>
        %dma_start3A_251 = arith.constant 0 : i32
        %dma_start3A_252 = tpu.memref_slice %arg3[%add3A_248, %dma_start3A_251] : memref<2048x4096xf32, #tpu.memory_space<hbm>> -> memref<2x4096xf32, #tpu.memory_space<hbm>>
        tpu.enqueue_dma source(%dma_start3A_252 : memref<2x4096xf32, #tpu.memory_space<hbm>>) target(%arg10 : memref<2x4096xf32, #tpu.memory_space<vmem>>) target_semaphore(%arg16 : memref<!tpu.dma_semaphore, #tpu.memory_space<semaphore_mem>>)
        %dma_start3A_253 = arith.constant 0 : i32
        %dma_start3A_254 = arith.constant 0 : i32
        %dma_start3A_255 = tpu.memref_slice %arg2[%dma_start3A_253, %add3A_248, %dma_start3A_254] : memref<4x2048x4096xf32, #tpu.memory_space<hbm>> -> memref<4x2x4096xf32, #tpu.memory_space<hbm>>
        %dma_start3A_256 = arith.constant 0 : i32
        %dma_start3A_257 = arith.constant 0 : i32
        %dma_start3A_258 = tpu.memref_slice %arg2[%dma_start3A_256, %add3A_248, %dma_start3A_257] : memref<4x2048x4096xf32, #tpu.memory_space<hbm>> -> memref<4x2x4096xf32, #tpu.memory_space<hbm>>
        tpu.enqueue_dma source(%dma_start3A_258 : memref<4x2x4096xf32, #tpu.memory_space<hbm>>) target(%arg7 : memref<4x2x4096xf32, #tpu.memory_space<vmem>>) target_semaphore(%arg13 : memref<!tpu.dma_semaphore, #tpu.memory_space<semaphore_mem>>)
      } else {
      }
      %mul3A_204 = arith.constant 3 : i32
      %mul3A_205 = arith.muli %mul3A_204, %scan3A_115 : i32
      %add3A_206 = arith.constant 2 : i32
      %add3A_207 = arith.addi %add3A_206, %mul3A_205 : i32
      %add3A_208 = arith.constant 2 : i32
      %add3A_209 = arith.addi %add3A_207, %add3A_208 : i32
      %mul3A_210 = arith.constant 2 : i32
      %mul3A_211 = arith.muli %add3A_209, %mul3A_210 : i32
      %add3A_212 = arith.addi %mul3A_2, %mul3A_211 : i32
      %add3A_213 = arith.constant 0 : i32
      %add3A_214 = arith.addi %add3A_213, %add3A_212 : i32
      %dma_wait3A_215 = arith.constant 0 : i32
      %dma_wait3A_216 = tpu.memref_slice %arg3[%add3A_214, %dma_wait3A_215] : memref<2048x4096xf32, #tpu.memory_space<hbm>> -> memref<2x4096xf32, #tpu.memory_space<hbm>>
      %dma_wait3A_217 = arith.constant 0 : i32
      %dma_wait3A_218 = tpu.memref_slice %arg3[%add3A_214, %dma_wait3A_217] : memref<2048x4096xf32, #tpu.memory_space<hbm>> -> memref<2x4096xf32, #tpu.memory_space<hbm>>
      tpu.wait_dma2 semaphore(%arg15 : memref<!tpu.dma_semaphore, #tpu.memory_space<semaphore_mem>>) src(%dma_wait3A_218 : memref<2x4096xf32, #tpu.memory_space<hbm>>) dst(%arg9 : memref<2x4096xf32, #tpu.memory_space<vmem>>)
      %dma_wait3A_219 = arith.constant 0 : i32
      %dma_wait3A_220 = arith.constant 0 : i32
      %dma_wait3A_221 = tpu.memref_slice %arg2[%dma_wait3A_219, %add3A_214, %dma_wait3A_220] : memref<4x2048x4096xf32, #tpu.memory_space<hbm>> -> memref<4x2x4096xf32, #tpu.memory_space<hbm>>
      %dma_wait3A_222 = arith.constant 0 : i32
      %dma_wait3A_223 = arith.constant 0 : i32
      %dma_wait3A_224 = tpu.memref_slice %arg2[%dma_wait3A_222, %add3A_214, %dma_wait3A_223] : memref<4x2048x4096xf32, #tpu.memory_space<hbm>> -> memref<4x2x4096xf32, #tpu.memory_space<hbm>>
      tpu.wait_dma2 semaphore(%arg12 : memref<!tpu.dma_semaphore, #tpu.memory_space<semaphore_mem>>) src(%dma_wait3A_224 : memref<4x2x4096xf32, #tpu.memory_space<hbm>>) dst(%arg6 : memref<4x2x4096xf32, #tpu.memory_space<vmem>>)
      %parallel_loop3A_225 = arith.constant 0 : i32
      %parallel_loop3A_226 = arith.constant 256 : i32
      %parallel_loop3A_227 = arith.constant 1 : i32
      scf.for %parallel_loop3A_245 = %parallel_loop3A_225 to %parallel_loop3A_226 step %parallel_loop3A_227  : i32 {
        %parallel_loop3A_246 = arith.constant 16 : i32
        %parallel_loop3A_247 = arith.muli %parallel_loop3A_245, %parallel_loop3A_246 : i32
        %parallel_loop3A_248 = arith.constant 0 : i32
        %parallel_loop3A_249 = arith.index_cast %parallel_loop3A_248 : i32 to index
        %parallel_loop3A_250 = arith.index_cast %parallel_loop3A_247 : i32 to index
        %parallel_loop3A_251 = tpu.vector_load %arg9[%parallel_loop3A_249, %parallel_loop3A_250] {strides = array<i32>} : memref<2x4096xf32, #tpu.memory_space<vmem>>, vector<1x16xf32>,
        %parallel_loop3A_252 = vector.shape_cast %parallel_loop3A_251 : vector<1x16xf32> to vector<16xf32>
        %parallel_loop3A_253 = arith.constant 0 : i32
        %parallel_loop3A_254 = arith.constant 0 : i32
        %parallel_loop3A_255 = arith.index_cast %parallel_loop3A_253 : i32 to index
        %parallel_loop3A_256 = arith.index_cast %parallel_loop3A_254 : i32 to index
        %parallel_loop3A_257 = arith.index_cast %parallel_loop3A_247 : i32 to index
        %parallel_loop3A_258 = tpu.vector_load %arg6[%parallel_loop3A_255, %parallel_loop3A_256, %parallel_loop3A_257] {strides = array<i32>} : memref<4x2x4096xf32, #tpu.memory_space<vmem>>, vector<1x1x16xf32>,
        %parallel_loop3A_259 = vector.shape_cast %parallel_loop3A_258 : vector<1x1x16xf32> to vector<16xf32>
        %parallel_loop3A_260 = arith.addf %parallel_loop3A_259, %parallel_loop3A_252 : vector<16xf32>
        %parallel_loop3A_261 = arith.constant 0 : i32
        %parallel_loop3A_262 = arith.constant 0 : i32
        %parallel_loop3A_263 = arith.index_cast %parallel_loop3A_261 : i32 to index
        %parallel_loop3A_264 = arith.index_cast %parallel_loop3A_262 : i32 to index
        %parallel_loop3A_265 = arith.index_cast %parallel_loop3A_247 : i32 to index
        %parallel_loop3A_266 = tpu.vector_load %arg6[%parallel_loop3A_263, %parallel_loop3A_264, %parallel_loop3A_265] {strides = array<i32>} : memref<4x2x4096xf32, #tpu.memory_space<vmem>>, vector<1x1x16xf32>,
        %parallel_loop3A_267 = vector.shape_cast %parallel_loop3A_266 : vector<1x1x16xf32> to vector<16xf32>
        %parallel_loop3A_268 = vector.shape_cast %parallel_loop3A_260 : vector<16xf32> to vector<1x1x16xf32>
        tpu.vector_store %arg6[%parallel_loop3A_263, %parallel_loop3A_264, %parallel_loop3A_265], %parallel_loop3A_268 {strides = array<i32>} : memref<4x2x4096xf32, #tpu.memory_space<vmem>>, vector<1x1x16xf32>,
        %parallel_loop3A_269 = arith.constant 1 : i32
        %parallel_loop3A_270 = arith.constant 0 : i32
        %parallel_loop3A_271 = arith.index_cast %parallel_loop3A_269 : i32 to index
        %parallel_loop3A_272 = arith.index_cast %parallel_loop3A_270 : i32 to index
        %parallel_loop3A_273 = arith.index_cast %parallel_loop3A_247 : i32 to index
        %parallel_loop3A_274 = tpu.vector_load %arg6[%parallel_loop3A_271, %parallel_loop3A_272, %parallel_loop3A_273] {strides = array<i32>} : memref<4x2x4096xf32, #tpu.memory_space<vmem>>, vector<1x1x16xf32>,
        %parallel_loop3A_275 = vector.shape_cast %parallel_loop3A_274 : vector<1x1x16xf32> to vector<16xf32>
        %parallel_loop3A_276 = arith.addf %parallel_loop3A_275, %parallel_loop3A_252 : vector<16xf32>
        %parallel_loop3A_277 = arith.constant 1 : i32
        %parallel_loop3A_278 = arith.constant 0 : i32
        %parallel_loop3A_279 = arith.index_cast %parallel_loop3A_277 : i32 to index
        %parallel_loop3A_280 = arith.index_cast %parallel_loop3A_278 : i32 to index
        %parallel_loop3A_281 = arith.index_cast %parallel_loop3A_247 : i32 to index
        %parallel_loop3A_282 = tpu.vector_load %arg6[%parallel_loop3A_279, %parallel_loop3A_280, %parallel_loop3A_281] {strides = array<i32>} : memref<4x2x4096xf32, #tpu.memory_space<vmem>>, vector<1x1x16xf32>,
        %parallel_loop3A_283 = vector.shape_cast %parallel_loop3A_282 : vector<1x1x16xf32> to vector<16xf32>
        %parallel_loop3A_284 = vector.shape_cast %parallel_loop3A_276 : vector<16xf32> to vector<1x1x16xf32>
        tpu.vector_store %arg6[%parallel_loop3A_279, %parallel_loop3A_280, %parallel_loop3A_281], %parallel_loop3A_284 {strides = array<i32>} : memref<4x2x4096xf32, #tpu.memory_space<vmem>>, vector<1x1x16xf32>,
        %parallel_loop3A_285 = arith.constant 2 : i32
        %parallel_loop3A_286 = arith.constant 0 : i32
        %parallel_loop3A_287 = arith.index_cast %parallel_loop3A_285 : i32 to index
        %parallel_loop3A_288 = arith.index_cast %parallel_loop3A_286 : i32 to index
        %parallel_loop3A_289 = arith.index_cast %parallel_loop3A_247 : i32 to index
        %parallel_loop3A_290 = tpu.vector_load %arg6[%parallel_loop3A_287, %parallel_loop3A_288, %parallel_loop3A_289] {strides = array<i32>} : memref<4x2x4096xf32, #tpu.memory_space<vmem>>, vector<1x1x16xf32>,
        %parallel_loop3A_291 = vector.shape_cast %parallel_loop3A_290 : vector<1x1x16xf32> to vector<16xf32>
        %parallel_loop3A_292 = arith.addf %parallel_loop3A_291, %parallel_loop3A_252 : vector<16xf32>
        %parallel_loop3A_293 = arith.constant 2 : i32
        %parallel_loop3A_294 = arith.constant 0 : i32
        %parallel_loop3A_295 = arith.index_cast %parallel_loop3A_293 : i32 to index
        %parallel_loop3A_296 = arith.index_cast %parallel_loop3A_294 : i32 to index
        %parallel_loop3A_297 = arith.index_cast %parallel_loop3A_247 : i32 to index
        %parallel_loop3A_298 = tpu.vector_load %arg6[%parallel_loop3A_295, %parallel_loop3A_296, %parallel_loop3A_297] {strides = array<i32>} : memref<4x2x4096xf32, #tpu.memory_space<vmem>>, vector<1x1x16xf32>,
        %parallel_loop3A_299 = vector.shape_cast %parallel_loop3A_298 : vector<1x1x16xf32> to vector<16xf32>
        %parallel_loop3A_300 = vector.shape_cast %parallel_loop3A_292 : vector<16xf32> to vector<1x1x16xf32>
        tpu.vector_store %arg6[%parallel_loop3A_295, %parallel_loop3A_296, %parallel_loop3A_297], %parallel_loop3A_300 {strides = array<i32>} : memref<4x2x4096xf32, #tpu.memory_space<vmem>>, vector<1x1x16xf32>,
        %parallel_loop3A_301 = arith.constant 3 : i32
        %parallel_loop3A_302 = arith.constant 0 : i32
        %parallel_loop3A_303 = arith.index_cast %parallel_loop3A_301 : i32 to index
        %parallel_loop3A_304 = arith.index_cast %parallel_loop3A_302 : i32 to index
        %parallel_loop3A_305 = arith.index_cast %parallel_loop3A_247 : i32 to index
        %parallel_loop3A_306 = tpu.vector_load %arg6[%parallel_loop3A_303, %parallel_loop3A_304, %parallel_loop3A_305] {strides = array<i32>} : memref<4x2x4096xf32, #tpu.memory_space<vmem>>, vector<1x1x16xf32>,
        %parallel_loop3A_307 = vector.shape_cast %parallel_loop3A_306 : vector<1x1x16xf32> to vector<16xf32>
        %parallel_loop3A_308 = arith.addf %parallel_loop3A_307, %parallel_loop3A_252 : vector<16xf32>
        %parallel_loop3A_309 = arith.constant 3 : i32
        %parallel_loop3A_310 = arith.constant 0 : i32
        %parallel_loop3A_311 = arith.index_cast %parallel_loop3A_309 : i32 to index
        %parallel_loop3A_312 = arith.index_cast %parallel_loop3A_310 : i32 to index
        %parallel_loop3A_313 = arith.index_cast %parallel_loop3A_247 : i32 to index
        %parallel_loop3A_314 = tpu.vector_load %arg6[%parallel_loop3A_311, %parallel_loop3A_312, %parallel_loop3A_313] {strides = array<i32>} : memref<4x2x4096xf32, #tpu.memory_space<vmem>>, vector<1x1x16xf32>,
        %parallel_loop3A_315 = vector.shape_cast %parallel_loop3A_314 : vector<1x1x16xf32> to vector<16xf32>
        %parallel_loop3A_316 = vector.shape_cast %parallel_loop3A_308 : vector<16xf32> to vector<1x1x16xf32>
        tpu.vector_store %arg6[%parallel_loop3A_311, %parallel_loop3A_312, %parallel_loop3A_313], %parallel_loop3A_316 {strides = array<i32>} : memref<4x2x4096xf32, #tpu.memory_space<vmem>>, vector<1x1x16xf32>,
        %parallel_loop3A_317 = arith.constant 1 : i32
        %parallel_loop3A_318 = arith.index_cast %parallel_loop3A_317 : i32 to index
        %parallel_loop3A_319 = arith.index_cast %parallel_loop3A_247 : i32 to index
        %parallel_loop3A_320 = tpu.vector_load %arg9[%parallel_loop3A_318, %parallel_loop3A_319] {strides = array<i32>} : memref<2x4096xf32, #tpu.memory_space<vmem>>, vector<1x16xf32>,
        %parallel_loop3A_321 = vector.shape_cast %parallel_loop3A_320 : vector<1x16xf32> to vector<16xf32>
        %parallel_loop3A_322 = arith.constant 0 : i32
        %parallel_loop3A_323 = arith.constant 1 : i32
        %parallel_loop3A_324 = arith.index_cast %parallel_loop3A_322 : i32 to index
        %parallel_loop3A_325 = arith.index_cast %parallel_loop3A_323 : i32 to index
        %parallel_loop3A_326 = arith.index_cast %parallel_loop3A_247 : i32 to index
        %parallel_loop3A_327 = tpu.vector_load %arg6[%parallel_loop3A_324, %parallel_loop3A_325, %parallel_loop3A_326] {strides = array<i32>} : memref<4x2x4096xf32, #tpu.memory_space<vmem>>, vector<1x1x16xf32>,
        %parallel_loop3A_328 = vector.shape_cast %parallel_loop3A_327 : vector<1x1x16xf32> to vector<16xf32>
        %parallel_loop3A_329 = arith.addf %parallel_loop3A_328, %parallel_loop3A_321 : vector<16xf32>
        %parallel_loop3A_330 = arith.constant 0 : i32
        %parallel_loop3A_331 = arith.constant 1 : i32
        %parallel_loop3A_332 = arith.index_cast %parallel_loop3A_330 : i32 to index
        %parallel_loop3A_333 = arith.index_cast %parallel_loop3A_331 : i32 to index
        %parallel_loop3A_334 = arith.index_cast %parallel_loop3A_247 : i32 to index
        %parallel_loop3A_335 = tpu.vector_load %arg6[%parallel_loop3A_332, %parallel_loop3A_333, %parallel_loop3A_334] {strides = array<i32>} : memref<4x2x4096xf32, #tpu.memory_space<vmem>>, vector<1x1x16xf32>,
        %parallel_loop3A_336 = vector.shape_cast %parallel_loop3A_335 : vector<1x1x16xf32> to vector<16xf32>
        %parallel_loop3A_337 = vector.shape_cast %parallel_loop3A_329 : vector<16xf32> to vector<1x1x16xf32>
        tpu.vector_store %arg6[%parallel_loop3A_332, %parallel_loop3A_333, %parallel_loop3A_334], %parallel_loop3A_337 {strides = array<i32>} : memref<4x2x4096xf32, #tpu.memory_space<vmem>>, vector<1x1x16xf32>,
        %parallel_loop3A_338 = arith.constant 1 : i32
        %parallel_loop3A_339 = arith.constant 1 : i32
        %parallel_loop3A_340 = arith.index_cast %parallel_loop3A_338 : i32 to index
        %parallel_loop3A_341 = arith.index_cast %parallel_loop3A_339 : i32 to index
        %parallel_loop3A_342 = arith.index_cast %parallel_loop3A_247 : i32 to index
        %parallel_loop3A_343 = tpu.vector_load %arg6[%parallel_loop3A_340, %parallel_loop3A_341, %parallel_loop3A_342] {strides = array<i32>} : memref<4x2x4096xf32, #tpu.memory_space<vmem>>, vector<1x1x16xf32>,
        %parallel_loop3A_344 = vector.shape_cast %parallel_loop3A_343 : vector<1x1x16xf32> to vector<16xf32>
        %parallel_loop3A_345 = arith.addf %parallel_loop3A_344, %parallel_loop3A_321 : vector<16xf32>
        %parallel_loop3A_346 = arith.constant 1 : i32
        %parallel_loop3A_347 = arith.constant 1 : i32
        %parallel_loop3A_348 = arith.index_cast %parallel_loop3A_346 : i32 to index
        %parallel_loop3A_349 = arith.index_cast %parallel_loop3A_347 : i32 to index
        %parallel_loop3A_350 = arith.index_cast %parallel_loop3A_247 : i32 to index
        %parallel_loop3A_351 = tpu.vector_load %arg6[%parallel_loop3A_348, %parallel_loop3A_349, %parallel_loop3A_350] {strides = array<i32>} : memref<4x2x4096xf32, #tpu.memory_space<vmem>>, vector<1x1x16xf32>,
        %parallel_loop3A_352 = vector.shape_cast %parallel_loop3A_351 : vector<1x1x16xf32> to vector<16xf32>
        %parallel_loop3A_353 = vector.shape_cast %parallel_loop3A_345 : vector<16xf32> to vector<1x1x16xf32>
        tpu.vector_store %arg6[%parallel_loop3A_348, %parallel_loop3A_349, %parallel_loop3A_350], %parallel_loop3A_353 {strides = array<i32>} : memref<4x2x4096xf32, #tpu.memory_space<vmem>>, vector<1x1x16xf32>,
        %parallel_loop3A_354 = arith.constant 2 : i32
        %parallel_loop3A_355 = arith.constant 1 : i32
        %parallel_loop3A_356 = arith.index_cast %parallel_loop3A_354 : i32 to index
        %parallel_loop3A_357 = arith.index_cast %parallel_loop3A_355 : i32 to index
        %parallel_loop3A_358 = arith.index_cast %parallel_loop3A_247 : i32 to index
        %parallel_loop3A_359 = tpu.vector_load %arg6[%parallel_loop3A_356, %parallel_loop3A_357, %parallel_loop3A_358] {strides = array<i32>} : memref<4x2x4096xf32, #tpu.memory_space<vmem>>, vector<1x1x16xf32>,
        %parallel_loop3A_360 = vector.shape_cast %parallel_loop3A_359 : vector<1x1x16xf32> to vector<16xf32>
        %parallel_loop3A_361 = arith.addf %parallel_loop3A_360, %parallel_loop3A_321 : vector<16xf32>
        %parallel_loop3A_362 = arith.constant 2 : i32
        %parallel_loop3A_363 = arith.constant 1 : i32
        %parallel_loop3A_364 = arith.index_cast %parallel_loop3A_362 : i32 to index
        %parallel_loop3A_365 = arith.index_cast %parallel_loop3A_363 : i32 to index
        %parallel_loop3A_366 = arith.index_cast %parallel_loop3A_247 : i32 to index
        %parallel_loop3A_367 = tpu.vector_load %arg6[%parallel_loop3A_364, %parallel_loop3A_365, %parallel_loop3A_366] {strides = array<i32>} : memref<4x2x4096xf32, #tpu.memory_space<vmem>>, vector<1x1x16xf32>,
        %parallel_loop3A_368 = vector.shape_cast %parallel_loop3A_367 : vector<1x1x16xf32> to vector<16xf32>
        %parallel_loop3A_369 = vector.shape_cast %parallel_loop3A_361 : vector<16xf32> to vector<1x1x16xf32>
        tpu.vector_store %arg6[%parallel_loop3A_364, %parallel_loop3A_365, %parallel_loop3A_366], %parallel_loop3A_369 {strides = array<i32>} : memref<4x2x4096xf32, #tpu.memory_space<vmem>>, vector<1x1x16xf32>,
        %parallel_loop3A_370 = arith.constant 3 : i32
        %parallel_loop3A_371 = arith.constant 1 : i32
        %parallel_loop3A_372 = arith.index_cast %parallel_loop3A_370 : i32 to index
        %parallel_loop3A_373 = arith.index_cast %parallel_loop3A_371 : i32 to index
        %parallel_loop3A_374 = arith.index_cast %parallel_loop3A_247 : i32 to index
        %parallel_loop3A_375 = tpu.vector_load %arg6[%parallel_loop3A_372, %parallel_loop3A_373, %parallel_loop3A_374] {strides = array<i32>} : memref<4x2x4096xf32, #tpu.memory_space<vmem>>, vector<1x1x16xf32>,
        %parallel_loop3A_376 = vector.shape_cast %parallel_loop3A_375 : vector<1x1x16xf32> to vector<16xf32>
        %parallel_loop3A_377 = arith.addf %parallel_loop3A_376, %parallel_loop3A_321 : vector<16xf32>
        %parallel_loop3A_378 = arith.constant 3 : i32
        %parallel_loop3A_379 = arith.constant 1 : i32
        %parallel_loop3A_380 = arith.index_cast %parallel_loop3A_378 : i32 to index
        %parallel_loop3A_381 = arith.index_cast %parallel_loop3A_379 : i32 to index
        %parallel_loop3A_382 = arith.index_cast %parallel_loop3A_247 : i32 to index
        %parallel_loop3A_383 = tpu.vector_load %arg6[%parallel_loop3A_380, %parallel_loop3A_381, %parallel_loop3A_382] {strides = array<i32>} : memref<4x2x4096xf32, #tpu.memory_space<vmem>>, vector<1x1x16xf32>,
        %parallel_loop3A_384 = vector.shape_cast %parallel_loop3A_383 : vector<1x1x16xf32> to vector<16xf32>
        %parallel_loop3A_385 = vector.shape_cast %parallel_loop3A_377 : vector<16xf32> to vector<1x1x16xf32>
        tpu.vector_store %arg6[%parallel_loop3A_380, %parallel_loop3A_381, %parallel_loop3A_382], %parallel_loop3A_385 {strides = array<i32>} : memref<4x2x4096xf32, #tpu.memory_space<vmem>>, vector<1x1x16xf32>,
      } {sc.loop_unroll_factor = 8 : i64, sc.parallel_access}
      %dma_start3A_228 = arith.constant 0 : i32
      %dma_start3A_229 = arith.constant 0 : i32
      %dma_start3A_230 = tpu.memref_slice %arg4[%dma_start3A_228, %add3A_212, %dma_start3A_229] : memref<4x2048x4096xf32, #tpu.memory_space<hbm>> -> memref<4x2x4096xf32, #tpu.memory_space<hbm>>
      %dma_start3A_231 = arith.constant 0 : i32
      %dma_start3A_232 = arith.constant 0 : i32
      %dma_start3A_233 = tpu.memref_slice %arg4[%dma_start3A_231, %add3A_212, %dma_start3A_232] : memref<4x2048x4096xf32, #tpu.memory_space<hbm>> -> memref<4x2x4096xf32, #tpu.memory_space<hbm>>
      tpu.enqueue_dma source(%arg6 : memref<4x2x4096xf32, #tpu.memory_space<vmem>>) target(%dma_start3A_233 : memref<4x2x4096xf32, #tpu.memory_space<hbm>>) target_semaphore(%arg18 : memref<!tpu.dma_semaphore, #tpu.memory_space<semaphore_mem>>)
      %dma_wait3A_234 = arith.constant 0 : i32
      %dma_wait3A_235 = arith.constant 0 : i32
      %dma_wait3A_236 = tpu.memref_slice %arg4[%dma_wait3A_234, %add3A_212, %dma_wait3A_235] : memref<4x2048x4096xf32, #tpu.memory_space<hbm>> -> memref<4x2x4096xf32, #tpu.memory_space<hbm>>
      %dma_wait3A_237 = arith.constant 0 : i32
      %dma_wait3A_238 = arith.constant 0 : i32
      %dma_wait3A_239 = tpu.memref_slice %arg4[%dma_wait3A_237, %add3A_212, %dma_wait3A_238] : memref<4x2048x4096xf32, #tpu.memory_space<hbm>> -> memref<4x2x4096xf32, #tpu.memory_space<hbm>>
      tpu.wait_dma2 semaphore(%arg17 : memref<!tpu.dma_semaphore, #tpu.memory_space<semaphore_mem>>) src(%arg5 : memref<4x2x4096xf32, #tpu.memory_space<vmem>>) dst(%dma_wait3A_239 : memref<4x2x4096xf32, #tpu.memory_space<hbm>>)
      %lt3A_240 = arith.constant 9 : i32
      %lt3A_241 = arith.cmpi slt, %scan3A_115, %lt3A_240 : i32
      %convert_element_type3A_242 = arith.extui %lt3A_241 : i1 to i32
      %cond3A_243 = arith.constant 0 : i32
      %cond3A_244 = arith.cmpi ne, %convert_element_type3A_242, %cond3A_243 : i32
      scf.if %cond3A_244 {
        %add3A_245 = arith.constant 4 : i32
        %add3A_246 = arith.addi %add3A_212, %add3A_245 : i32
        %add3A_247 = arith.constant 0 : i32
        %add3A_248 = arith.addi %add3A_247, %add3A_246 : i32
        %dma_start3A_249 = arith.constant 0 : i32
        %dma_start3A_250 = tpu.memref_slice %arg3[%add3A_248, %dma_start3A_249] : memref<2048x4096xf32, #tpu.memory_space<hbm>> -> memref<2x4096xf32, #tpu.memory_space<hbm>>
        %dma_start3A_251 = arith.constant 0 : i32
        %dma_start3A_252 = tpu.memref_slice %arg3[%add3A_248, %dma_start3A_251] : memref<2048x4096xf32, #tpu.memory_space<hbm>> -> memref<2x4096xf32, #tpu.memory_space<hbm>>
        tpu.enqueue_dma source(%dma_start3A_252 : memref<2x4096xf32, #tpu.memory_space<hbm>>) target(%arg8 : memref<2x4096xf32, #tpu.memory_space<vmem>>) target_semaphore(%arg14 : memref<!tpu.dma_semaphore, #tpu.memory_space<semaphore_mem>>)
        %dma_start3A_253 = arith.constant 0 : i32
        %dma_start3A_254 = arith.constant 0 : i32
        %dma_start3A_255 = tpu.memref_slice %arg2[%dma_start3A_253, %add3A_248, %dma_start3A_254] : memref<4x2048x4096xf32, #tpu.memory_space<hbm>> -> memref<4x2x4096xf32, #tpu.memory_space<hbm>>
        %dma_start3A_256 = arith.constant 0 : i32
        %dma_start3A_257 = arith.constant 0 : i32
        %dma_start3A_258 = tpu.memref_slice %arg2[%dma_start3A_256, %add3A_248, %dma_start3A_257] : memref<4x2048x4096xf32, #tpu.memory_space<hbm>> -> memref<4x2x4096xf32, #tpu.memory_space<hbm>>
        tpu.enqueue_dma source(%dma_start3A_258 : memref<4x2x4096xf32, #tpu.memory_space<hbm>>) target(%arg5 : memref<4x2x4096xf32, #tpu.memory_space<vmem>>) target_semaphore(%arg11 : memref<!tpu.dma_semaphore, #tpu.memory_space<semaphore_mem>>)
      } else {
      }
    }
    %scan3A_108 = arith.constant 10 : i32
    %dma_wait3A_109 = arith.constant 0 : i32
    %dma_wait3A_110 = arith.constant 0 : i32
    %dma_wait3A_111 = tpu.memref_slice %arg4[%dma_wait3A_109, %mul3A_2, %dma_wait3A_110] : memref<4x2048x4096xf32, #tpu.memory_space<hbm>> -> memref<4x2x4096xf32, #tpu.memory_space<hbm>>
    %dma_wait3A_112 = arith.constant 0 : i32
    %dma_wait3A_113 = arith.constant 0 : i32
    %dma_wait3A_114 = tpu.memref_slice %arg4[%dma_wait3A_112, %mul3A_2, %dma_wait3A_113] : memref<4x2048x4096xf32, #tpu.memory_space<hbm>> -> memref<4x2x4096xf32, #tpu.memory_space<hbm>>
    tpu.wait_dma2 semaphore(%arg18 : memref<!tpu.dma_semaphore, #tpu.memory_space<semaphore_mem>>) src(%arg6 : memref<4x2x4096xf32, #tpu.memory_space<vmem>>) dst(%dma_wait3A_114 : memref<4x2x4096xf32, #tpu.memory_space<hbm>>)
    return
  }
}

</mosaic_0001>

<sc_bundles>
// kernel: kernel.3.cloned.1.call-start
scs
__scs_entry_jumppad:
0x0: {  	(pc) =	sbr.rel $0x88, $3  }
0x1: {  	(tag) =	ssettag $0x0;
	lr =	simm.s32 $0x1  }
0x2: {  	[smem:$0x3F9F] =	sst lr;
	_ =	strace $0xD0000000  }
0x3: {  	_ = 	snop  }
0x4: {  	_ = 	snop  }
0x5: {  	_ = 	snop  }
0x6: {  	_ = 	snop  }
0x7: {  	_ = 	snop  }
__scs_overlays_trampoline_lowered:
0x8: {  	[smem:$0x3FAE] =	sst s0  }
0x9: {  	[smem:$0x3FAF] =	sst s1  }
0xa: {  	[smem:$0x3FB0] =	sst s2  }
0xb: {  	[smem:$0x3FB1] =	sst s3  }
0xc: {  	[smem:$0x3FB2] =	sst s4  }
0xd: {  	[smem:$0x3FB3] =	sst s5  }
0xe: {  	[smem:$0x3FB4] =	sst s6  }
0xf: {  	[smem:$0x3FB5] =	sst s7  }
0x10: {  	[smem:$0x3FB6] =	sst s8  }
0x11: {  	[smem:$0x3FB7] =	sst s9;
	s0 =	simm.s32 @!p0 $0x0  }
0x12: {  	s1 =	sld [smem:$0x3F9D];
	s0 =	simm.s32 @p0 $0x1  }
0x13: {  	[smem:$0x3FB8] =	sst s0;
	s0 =	simm.s32 @!p1 $0x0  }
0x14: {  	s2 =	sld [smem:$0x3F9C];
	s0 =	simm.s32 @p1 $0x1  }
0x15: {  	[smem:$0x3FB9] =	sst s0;
	s0 =	simm.s32 @!p2 $0x0  }
0x16: {  	s3 =	sld [smem:$0x3FDB];
	s0 =	simm.s32 @p2 $0x1  }
0x17: {  	s4 =	simm.s32 $0x1BF5;
	[smem:$0x3FBB] =	sst s0  }
0x18: {  	s0 =	sld [smem:$0x3F9E];
	_ =	swait.ge [sflag:s4], $0x0  }
0x19: {  	s7 =	sld [smem:$0x3F9F]  }
0x1a: {  	s8 =	sadd.s32 $0xFFFFE003, lr  }
0x1b: {  	s9 =	sadd.s32 $0xFFFFFEF7, lr;
	s5 =	simm.s32 $0xFFFFFFFF;
	p2 =	slt.u32 s8, $0xFFFFF086  }
0x1c: {  	p1 =	slt.u32 s9, $0xF7A;
	s5 =	simm.s32 @!p2 $0x0  }
0x1d: {  	s5 =	simm.s32 @p1 $0x1;
	p0 =	seq.s32 s7, s2  }
0x1e: {  	s7 =	smul.u32 @!p0 $0xF7A, s2;
	p2 =	seq.s32 @!p0 s5, $0x0  }
0x1f: {  	s9 =	smul.u32 $0xF7A, s1;
	s8 =	simm.s32 @!p0 $0x1BF5;
	p2 =	por !p2, p0  }
0x20: {  	[sflag:s8] =	ssyncset.s32 @!p0 $0xFFFFF086;
	s6 =	sadd.s32 @!p0 s3, s7;
	s7 =	simm.s32 @!p0 $0x108  }
0x21: {  	s3 =	sadd.s32 s3, s9;
	s6 =	sadd.s32 @!p0 $0x88, s6;
	s7 =	simm.s32 @p2 $0x1082  }
0x22: {  	[simem:s7], [sflag:s8] =	dma.local @!p0 [hbm:s6], $0xF7A  }
0x23: {  	s9 =	sor.u32 $0xD0000000, s2;
	s6 =	simm.s32 $0x108;
	_ =	swait.ge @!p0 [sflag:s8], $0x0  }
0x24: {  	s3 =	sadd.s32 $0x88, s3;
	s6 =	simm.s32 @!p1 $0x1082;
	[sflag:s4] =	ssyncset.s32 $0xFFFFF086  }
0x25: {  	[simem:s6], [sflag:s4] =	dma.local [hbm:s3], $0xF7A  }
0x26: {  	[smem:$0x3F9F] =	sst s1;
	(tag) =	ssettag s2;
	_ =	strace s9  }
0x27: {  	s1 =	sld [smem:$0x3FAF]  }
0x28: {  	s2 =	sld [smem:$0x3FB0]  }
0x29: {  	s4 =	sld [smem:$0x3FB2]  }
0x2a: {  	p0 =	seq.s32 s5, $0x0;
	s5 =	sld [smem:$0x3FB3]  }
0x2b: {  	s6 =	sld [smem:$0x3FB4]  }
0x2c: {  	s7 =	sld [smem:$0x3FB5]  }
0x2d: {  	s3 =	simm.s32 $0x108;
	s8 =	sld [smem:$0x3FB6]  }
0x2e: {  	s3 =	simm.s32 @!p0 $0x1082;
	s9 =	sld [smem:$0x3FB7]  }
0x2f: {  	lr =	sadd.s32 s0, s3;
	s0 =	sld [smem:$0x3FAE]  }
0x30: {  	s3 =	sld [smem:$0x3FB1]  }
0x31: {  	[smem:$0x3FBA] =	sst s10  }
0x32: {  	s10 =	sld [smem:$0x3FB8];
	_ =	sdelay $0x3  }
0x33: {  	p0 =	seq.s32 s10, $0x1;
	s10 =	sld [smem:$0x3FBA];
	_ =	sdelay $0x3  }
0x34: {  	[smem:$0x3FBA] =	sst s10  }
0x35: {  	s10 =	sld [smem:$0x3FB9];
	_ =	sdelay $0x3  }
0x36: {  	p1 =	seq.s32 s10, $0x1;
	s10 =	sld [smem:$0x3FBA];
	_ =	sdelay $0x3  }
0x37: {  	[smem:$0x3FBA] =	sst s10  }
0x38: {  	s10 =	sld [smem:$0x3FBB]  }
0x39: {  	_ = 	snop;
	(pc) =	sbr.ind lr, $3  }
0x3a: {  	_ = 	snop  }
0x3b: {  	_ = 	snop  }
0x3c: {  	p2 =	seq.s32 s10, $0x1;
	s10 =	sld [smem:$0x3FBA]  }
0x3d: {  	_ =	shalt  }
0x3e: {  	_ =	shalt  }
0x3f: {  	_ =	shalt  }
0x40: {  	_ =	shalt  }
0x41: {  	_ =	shalt  }
0x42: {  	_ =	shalt  }
0x43: {  	_ =	shalt  }
0x44: {  	_ =	shalt  }
0x45: {  	_ =	shalt  }
0x46: {  	_ =	shalt  }
0x47: {  	_ =	shalt  }
0x48: {  	_ =	shalt  }
0x49: {  	_ =	shalt  }
0x4a: {  	_ =	shalt  }
0x4b: {  	_ =	shalt  }
0x4c: {  	_ =	shalt  }
0x4d: {  	_ =	shalt  }
0x4e: {  	_ =	shalt  }
0x4f: {  	_ =	shalt  }
0x50: {  	_ =	shalt  }
0x51: {  	_ =	shalt  }
0x52: {  	_ =	shalt  }
0x53: {  	_ =	shalt  }
0x54: {  	_ =	shalt  }
0x55: {  	_ =	shalt  }
0x56: {  	_ =	shalt  }
0x57: {  	_ =	shalt  }
0x58: {  	_ =	shalt  }
0x59: {  	_ =	shalt  }
0x5a: {  	_ =	shalt  }
0x5b: {  	_ =	shalt  }
0x5c: {  	_ =	shalt  }
0x5d: {  	_ =	shalt  }
0x5e: {  	_ =	shalt  }
0x5f: {  	_ =	shalt  }
0x60: {  	_ =	shalt  }
0x61: {  	_ =	shalt  }
0x62: {  	_ =	shalt  }
0x63: {  	_ =	shalt  }
0x64: {  	_ =	shalt  }
0x65: {  	_ =	shalt  }
0x66: {  	_ =	shalt  }
0x67: {  	_ =	shalt  }
0x68: {  	_ =	shalt  }
0x69: {  	_ =	shalt  }
0x6a: {  	_ =	shalt  }
0x6b: {  	_ =	shalt  }
0x6c: {  	_ =	shalt  }
0x6d: {  	_ =	shalt  }
0x6e: {  	_ =	shalt  }
0x6f: {  	_ =	shalt  }
0x70: {  	_ =	shalt  }
0x71: {  	_ =	shalt  }
0x72: {  	_ =	shalt  }
0x73: {  	_ =	shalt  }
0x74: {  	_ =	shalt  }
0x75: {  	_ =	shalt  }
0x76: {  	_ =	shalt  }
0x77: {  	_ =	shalt  }
0x78: {  	_ =	shalt  }
0x79: {  	_ =	shalt  }
0x7a: {  	_ =	shalt  }
0x7b: {  	_ =	shalt  }
0x7c: {  	_ =	shalt  }
0x7d: {  	_ =	shalt  }
0x7e: {  	_ =	shalt  }
0x7f: {  	_ =	shalt  }
0x80: {  	_ =	shalt  }
0x81: {  	_ =	shalt  }
0x82: {  	_ =	shalt  }
0x83: {  	_ =	shalt  }
0x84: {  	_ =	shalt  }
0x85: {  	_ =	shalt  }
0x86: {  	_ =	shalt  }
0x87: {  	_ =	shalt  }
.Lfunc_end0:
.L_simem_size_0:
called_computation_lowered:
.L_overlay_start_0:
0x88: {  	s2 =	sld [smem:$0x3FD9]  }
0x89: {  	s3 =	sld [smem:$0x3FFE];
	_ =	sdelay $0x1  }
0x8a: {  	s1 =	srdreg.scid  }
0x8b: {  	s0 =	sand.u32 $0x1, s1  }
0x8c: {  	s18 =	sshll.u32 s0, $0xA;
	s2 =	sadd.s32 s3, s2  }
0x8d: {  	s2 =	sadd.s32 s2, s18  }
0x8e: {  	[smem:$0x3FC6] =	sst s2  }
0x8f: {  	_ = 	snop  }
0x90: {  	s2 =	sld [smem:$0x3FC9]  }
0x91: {  	s19 =	sld [smem:$0x3FC8]  }
0x92: {  	s4 =	sld [smem:$0x3FD0];
	(tm) =	ssettm $0x1  }
0x93: {  	s5 =	sld [smem:$0x3FFB];
	_ =	sdelay $0x3  }
0x94: {  	_ =	strace s5  }
0x95: {  	s5 =	sld [smem:$0x3FFC];
	_ =	sdelay $0x3  }
0x96: {  	_ =	strace s5  }
0x97: {  	s5 =	sld [smem:$0x3FFD];
	_ =	sdelay $0x3  }
0x98: {  	_ =	strace s5  }
0x99: {  	_ =	strace $0x8FFFFFFF  }
0x9a: {  	s20 =	sld [smem:$0x3FDB];
	_ =	sdelay $0x1  }
0x9b: {  	s6 =	simm.s32 $_scs_section_size  }
0x9c: {  	s7 =	simm.s32 $_size__tile_overlayer_lowered;
	s8 =	simm.s32 $_tile_overlayer_lowered  }
0x9d: {  	s23 =	simm.s32 $0x1BFF;
	s22 =	sshll.u32 s8, $0x1;
	s5 =	sadd.s32 s6, s20  }
0x9e: {  	s9 =	simm.s32 $0x0;
	s21 =	sshll.u32 s7, $0x1;
	s7 =	sadd.s32 s22, s5  }
0x9f: {  	[timem:s9], [sflag:s23] =	dma.local [hbm:s7], s21  }
0xa0: {  	_ =	swait.ge [sflag:s23], s21  }
0xa1: {  	s6 =	ssub.s32 $0x0, s21;
	[sflag:s23] =	ssyncset.done $0x0  }
0xa2: {  	[sflag:s23] =	ssyncadd.s32 s6;
	_ =	sdelay $0x1  }
0xa3: {  	s24 =	simm.s32 $0x1B8B  }
0xa4: {  	_ =	swait.ge [sflag:s24], $0x1  }
0xa5: {  	[sflag:s24] =	ssyncset.done $0x0  }
0xa6: {  	s25 =	simm.s32 $0x1B8E;
	[sflag:s24] =	ssyncadd.s32 $0xFFFFFFFF  }
0xa7: {  	s26 =	simm.s32 $execute0_lowered;
	[smem:$0x3FD2] =	sst s25  }
0xa8: {  	s6 =	sshll.u32 s26, $0x1;
	_ =	strace $0x80000046;
	[dreg:$0x1] =	wrdreg $0xFFFFFFFF  }
0xa9: {  	s28 =	simm.s32 $_size_execute0_lowered;
	s5 =	sadd.s32 s5, s6;
	[dreg:$0x0] =	wrdreg $0x0  }
0xaa: {  	s6 =	sshll.u32 s28, $0x1;
	[dreg:$0x2] =	wrdreg s5  }
0xab: {  	[dreg:$0x3] =	wrdreg s6  }
0xac: {  	[dreg:$0x4] =	wrdreg $0xC0  }
0xad: {  	_ =	task [dreg:s9], $0x5FFFF  }
0xae: {  	[dreg:$0x1] =	wrdreg $0xFFFFFFFF  }
0xaf: {  	[dreg:$0x0] =	wrdreg $0x60  }
0xb0: {  	[dreg:$0x2] =	wrdreg s2  }
0xb1: {  	[dreg:$0x3] =	wrdreg s19  }
0xb2: {  	[dreg:$0x4] =	wrdreg s4  }
0xb3: {  	[dreg:$0x5] =	wrdreg $0x9  }
0xb4: {  	_ =	task.clear_ibuf [dreg:s9], $0x6FFFF;
	_ =	strace $0x90000046  }
0xb5: {  	s29 =	simm.s32 $0x9;
	_ =	strace $0x80000048  }
0xb6: {  	_ =	swait.ge [sflag:s29], $0x1  }
0xb7: {  	[sflag:s29] =	ssyncadd.s32 $0xFFFFFFFF  }
0xb8: {  	_ =	strace $0x90000048  }
0xb9: {  	_ =	sfence  }
0xba: {  	s30 =	sld [smem:$0x0];
	_ =	sdelay $0x2  }
0xbb: {  	s31 =	sshll.u32 s1, $0xD;
	s1 =	sshrl.u32 s1, $0x2  }
0xbc: {  	s3 =	sand.u32 $0x4000, s31;
	s1 =	sadd.s32 s1, s30  }
0xbd: {  	s0 =	sor.u32 s3, s0;
	s1 =	sshll.u32 s1, $0x11  }
0xbe: {  	s0 =	sor.u32 s1, s0  }
0xbf: {  	s0 =	sadd.s32 $0x8F2B, s0  }
0xc0: {  	[sflag:s0] =	ssyncadd.remote.s32 $0x1  }
0xc1: {  	_ =	sfence.sel $0xFFFF  }
0xc2: {  	[dreg:$0x0] =	wrdreg $0xFFFFFFFF;
	(pc) =	sbr.abs _section_cstart, $3  }
0xc3: {  	[dreg:$0x1] =	wrdreg $0xFFFFFFFF  }
0xc4: {  	_ =	task.clear_ibuf [dreg:s9], $0x2FFFF;
	_ =	strace $0x9FFFFFFF  }
0xc5: {  	(tm) =	ssettm $0x7FFFFFFF  }
tec
execute0_lowered:
.L_overlay_start_1:
0x0: {  	(tag) =	ssettag $0x1  }
0x1: {  	s1 =	rddreg [dreg:$0x0]  }
0x2: {  	s3 =	rddreg [dreg:$0x1]  }
0x3: {  	s4 =	rddreg [dreg:$0x2]  }
0x4: {  	s0 =	srdreg.scid;
	s2 =	stileid.u32  }
0x5: {  	s5 =	simm.s32 $0x0;
	s29 =	simm.s32 $0x2000;
	s0 =	sand.u32 $0x1, s0  }
0x6: {  	s30 =	simm.s32 $0x4000;
	s2 =	sshll.u32 s2, $0x7;
	s6 =	sshll.u32 s0, $0x6  }
0x7: {  	s31 =	simm.s32 $0x6000;
	s12 =	simm.s32 $0xE000;
	s6 =	sor.u32 s6, s2  }
0x8: {  	[smem:$0x7FF] =	sst s5;
	s0 =	ssub.s32 $0x2, s0;
	s7 =	sshll.u32 s6, $0x9  }
0x9: {  	_ =	strace $0x80000047;
	s16 =	sshrl.u32 s0, $0x1;
	s17 =	sadd.s32 s3, s7  }
0xa: {  	s0 =	ssub.s32 s0, s16;
	s11 =	sadd.s32 s4, s7;
	[dreg:$0x4] =	wrdreg s17  }
0xb: {  	s15 =	simm.s32 $0x4;
	s0 =	smax.u32 s0, $0x1;
	[dreg:$0x8] =	wrdreg s11  }
0xc: {  	s18 =	sor.u32 $0x20, s7;
	s9 =	sadd.s32 s1, s7;
	[dreg:$0xe] =	wrdreg s0  }
0xd: {  	s19 =	sor.u32 $0x40, s7;
	s8 =	sadd.s32 s3, s18;
	[dreg:$0x5] =	wrdreg s9  }
0xe: {  	s13 =	simm.s32 $0x8;
	s20 =	sadd.s32 s3, s19;
	[dreg:$0x6] =	wrdreg s8  }
0xf: {  	s21 =	sor.u32 $0x60, s7;
	s2 =	sadd.s32 s4, s18;
	[dreg:$0x9] =	wrdreg s20  }
0x10: {  	s14 =	simm.s32 $0x9;
	s7 =	sadd.s32 s3, s21;
	[dreg:$0xb] =	wrdreg s2  }
0x11: {  	s16 =	simm.s32 $0x0;
	s22 =	sadd.s32 $0x100000, s9;
	[dreg:$0xc] =	wrdreg s7  }
0x12: {  	s10 =	sadd.s32 s1, s18;
	s23 =	sadd.s32 $0x200000, s9;
	[dreg:$0xf] =	wrdreg s22  }
0x13: {  	s17 =	sor.u32 $0x8, s6;
	s24 =	sadd.s32 $0x300000, s9;
	[dreg:$0x10] =	wrdreg s23  }
0x14: {  	s9 =	simm.s32 $0xC000;
	s18 =	simm.s32 $0x1;
	[dreg:$0x11] =	wrdreg s24  }
0x15: {  	s11 =	simm.s32 $0x3;
	s8 =	sadd.s32 s1, s19;
	[dreg:$0x7] =	wrdreg s10  }
0x16: {  	s2 =	sadd.s32 s1, s21;
	s25 =	sadd.s32 $0x100000, s10;
	[dreg:$0xa] =	wrdreg s8  }
.Ltmp0:
0x17: {  	s26 =	sadd.s32 $0x200000, s10;
	[dreg:$0xd] =	wrdreg s2;
	(pc) =	sbr.rel .LBB2_1-.Ltmp0, $4  }
0x18: {  	s28 =	sadd.s32 $0x300000, s10;
	s7 =	simm.s32 $0xA000;
	[dreg:$0x12] =	wrdreg s25  }
0x19: {  	s23 =	simm.s32 $0x5;
	s24 =	simm.s32 $0x2;
	[dreg:$0x13] =	wrdreg s26  }
0x1a: {  	s10 =	simm.s32 $0x6;
	[dreg:$0x14] =	wrdreg s28;
	s25 =	simm.s32 $0x100  }
0x1b: {  	s26 =	simm.s32 $0x400;
	s2 =	simm.s32 $0x8000;
	s8 =	simm.s32 $0x7  }
.LBB2_14:
0x1c: {  	_ =	swait.ge [sflag:s13], $0x8000  }
0x1d: {  	s16 =	rddreg [dreg:$0x15]  }
0x1e: {  	s0 =	rddreg [dreg:$0xe];
	s16 =	sadd.s32 $0x1, s16  }
0x1f: {  	p0 =	sne.s32 s16, s0  }
.Ltmp1:
0x20: {  	_ = 	snop;
	(pc) =	sbr.rel @!p0 .LBB2_15-.Ltmp1, $3  }
0x21: {  	_ =	sdelay $0x1  }
0x22: {  	[sflag:s13] =	ssyncset.done $0x0  }
0x23: {  	[sflag:s13] =	ssyncadd.s32 $0xFFFF8000  }
.LBB2_1:
0x24: {  	[dreg:$0x15] =	wrdreg s16  }
0x25: {  	s0 =	rddreg [dreg:$0x4];
	s19 =	simm.s32 $0x18000  }
0x26: {  	[tilespmem:s19], [sflag:$0x4] =	stream.strided.gather [hbm4b:s0+s25], $0x2000, s26, s25, $0x38;
	[tilespmem:$0x1E000] =	vst v63  }
0x27: {  	s20 =	rddreg [dreg:$0x5]  }
0x28: {  	[tilespmem:s5], [sflag:$0x1] =	stream.strided.gather [hbm4b:s20+s25], $0x2000, s26, s25, $0x38;
	[tilespmem:$0x1E000] =	vst v63  }
0x29: {  	s21 =	rddreg [dreg:$0xf]  }
0x2a: {  	[tilespmem:s29], [sflag:$0x1] =	stream.strided.gather [hbm4b:s21+s25], $0x2000, s26, s25, $0x38;
	[tilespmem:$0x1E000] =	vst v63  }
0x2b: {  	s22 =	rddreg [dreg:$0x10]  }
0x2c: {  	[tilespmem:s30], [sflag:$0x1] =	stream.strided.gather [hbm4b:s22+s25], $0x2000, s26, s25, $0x38;
	[tilespmem:$0x1E000] =	vst v63  }
0x2d: {  	s28 =	rddreg [dreg:$0x11]  }
0x2e: {  	[tilespmem:s31], [sflag:$0x1] =	stream.strided.gather [hbm4b:s28+s25], $0x2000, s26, s25, $0x38;
	[tilespmem:$0x1E000] =	vst v63  }
0x2f: {  	s16 =	rddreg [dreg:$0x6];
	s19 =	simm.s32 $0x1A000  }
0x30: {  	[tilespmem:s19], [sflag:$0x5] =	stream.strided.gather [hbm4b:s16+s25], $0x2000, s26, s25, $0x38;
	[tilespmem:$0x1E000] =	vst v63  }
0x31: {  	s20 =	rddreg [dreg:$0x7]  }
0x32: {  	[tilespmem:s2], [sflag:$0x2] =	stream.strided.gather [hbm4b:s20+s25], $0x2000, s26, s25, $0x38;
	[tilespmem:$0x1E000] =	vst v63  }
0x33: {  	s21 =	rddreg [dreg:$0x12]  }
0x34: {  	[tilespmem:s7], [sflag:$0x2] =	stream.strided.gather [hbm4b:s21+s25], $0x2000, s26, s25, $0x38;
	[tilespmem:$0x1E000] =	vst v63  }
0x35: {  	s22 =	rddreg [dreg:$0x13]  }
0x36: {  	[tilespmem:s9], [sflag:$0x2] =	stream.strided.gather [hbm4b:s22+s25], $0x2000, s26, s25, $0x38;
	[tilespmem:$0x1E000] =	vst v63  }
0x37: {  	s28 =	rddreg [dreg:$0x14]  }
0x38: {  	[tilespmem:s12], [sflag:$0x2] =	stream.strided.gather [hbm4b:s28+s25], $0x2000, s26, s25, $0x38;
	[tilespmem:$0x1E000] =	vst v63  }
0x39: {  	_ =	swait.ge [sflag:s15], $0x2000  }
0x3a: {  	[sflag:s15] =	ssyncset.done $0x0  }
0x3b: {  	[sflag:s15] =	ssyncadd.s32 $0xFFFFE000  }
0x3c: {  	_ =	swait.ge [sflag:s18], $0x8000  }
0x3d: {  	[sflag:s18] =	ssyncset.done $0x0  }
0x3e: {  	s0 =	simm.s32 $0x0;
	[sflag:s18] =	ssyncadd.s32 $0xFFFF8000  }
0x3f: {  	v0 =	vld [tilespmem:s0+$0x180F0]  }
0x40: {  	v1 =	vld [tilespmem:s0+$0x18000]  }
0x41: {  	v2 =	vld [tilespmem:s0+$0x0]  }
0x42: {  	v3 =	vld [tilespmem:s0+$0x2000]  }
0x43: {  	v4 =	vld [tilespmem:s0+$0x4000]  }
0x44: {  	v5 =	vld [tilespmem:s0+$0x6000]  }
0x45: {  	v6 =	vld [tilespmem:s0+$0x18080]  }
0x46: {  	v7 =	vld [tilespmem:s0+$0x80]  }
0x47: {  	v8 =	vld [tilespmem:s0+$0x2080]  }
0x48: {  	v9 =	vld [tilespmem:s0+$0x60F0]  }
0x49: {  	v10 =	vld [tilespmem:s0+$0x18010]  }
0x4a: {  	v11 =	vld [tilespmem:s0+$0x10]  }
0x4b: {  	v12 =	vld [tilespmem:s0+$0x2010]  }
0x4c: {  	v13 =	vld [tilespmem:s0+$0x4010]  }
0x4d: {  	v14 =	vld [tilespmem:s0+$0x6010]  }
0x4e: {  	v15 =	vld [tilespmem:s0+$0x18090]  }
0x4f: {  	v16 =	vld [tilespmem:s0+$0x90]  }
0x50: {  	v17 =	vld [tilespmem:s0+$0x6080]  }
0x51: {  	v18 =	vld [tilespmem:s0+$0x18020]  }
0x52: {  	v19 =	vld [tilespmem:s0+$0x20]  }
0x53: {  	v38 =	vld [tilespmem:s0+$0x4090];
	v2 =	vadd.f32 v2, v1  }
0x54: {  	v20 =	vld [tilespmem:s0+$0x2020];
	v3 =	vadd.f32 v3, v1  }
0x55: {  	v21 =	vld [tilespmem:s0+$0x4020];
	v11 =	vadd.f32 v11, v10;
	[tilespmem:s0+$0x0] =	vst v2  }
0x56: {  	v23 =	vld [tilespmem:s0+$0x180A0];
	v12 =	vadd.f32 v12, v10;
	[tilespmem:s0+$0x2000] =	vst v3  }
0x57: {  	v24 =	vld [tilespmem:s0+$0xA0];
	v19 =	vadd.f32 v19, v18;
	[tilespmem:s0+$0x10] =	vst v11  }
0x58: {  	v45 =	vld [tilespmem:s0+$0x18040];
	v9 =	vadd.f32 v9, v0;
	[tilespmem:s0+$0x2010] =	vst v12  }
0x59: {  	v46 =	vld [tilespmem:s0+$0x40];
	v4 =	vadd.f32 v4, v1;
	[tilespmem:s0+$0x20] =	vst v19  }
0x5a: {  	v49 =	vld [tilespmem:s0+$0x4040];
	v1 =	vadd.f32 v5, v1;
	[tilespmem:s0+$0x60F0] =	vst v9  }
0x5b: {  	v22 =	vld [tilespmem:s0+$0x6020];
	v43 =	vadd.f32 v16, v15;
	[tilespmem:s0+$0x4000] =	vst v4  }
0x5c: {  	v39 =	vld [tilespmem:s0+$0x20A0];
	v47 =	vadd.f32 v21, v18;
	[tilespmem:s0+$0x6000] =	vst v1  }
0x5d: {  	v40 =	vld [tilespmem:s0+$0x6090];
	v50 =	vadd.f32 v24, v23;
	[tilespmem:s0+$0x90] =	vst v43  }
0x5e: {  	v41 =	vld [tilespmem:s0+$0x6030];
	v52 =	vadd.f32 v46, v45;
	[tilespmem:s0+$0x4020] =	vst v47  }
0x5f: {  	v58 =	vadd.f32 v49, v45;
	v2 =	vld [tilespmem:s0+$0x4080];
	[tilespmem:s0+$0xA0] =	vst v50  }
0x60: {  	v42 =	vld [tilespmem:s0+$0x180B0];
	v4 =	vadd.f32 v7, v6;
	[tilespmem:s0+$0x40] =	vst v52  }
0x61: {  	v54 =	vld [tilespmem:s0+$0x60B0];
	v1 =	vadd.f32 v8, v6;
	[tilespmem:s0+$0x4040] =	vst v58  }
0x62: {  	v7 =	vld [tilespmem:s0+$0x18030];
	v11 =	vadd.f32 v38, v15;
	[tilespmem:s0+$0x80] =	vst v4  }
0x63: {  	v8 =	vld [tilespmem:s0+$0x30];
	v12 =	vadd.f32 v39, v23;
	[tilespmem:s0+$0x2080] =	vst v1  }
0x64: {  	v3 =	vld [tilespmem:s0+$0x2090];
	[tilespmem:s0+$0x4090] =	vst v11;
	v2 =	vadd.f32 v2, v6  }
0x65: {  	v44 =	vld [tilespmem:s0+$0x40B0];
	v1 =	vadd.f32 v17, v6;
	[tilespmem:s0+$0x20A0] =	vst v12  }
0x66: {  	v48 =	vld [tilespmem:s0+$0x2040];
	[tilespmem:s0+$0x4080] =	vst v2;
	v2 =	vadd.f32 v13, v10  }
0x67: {  	v5 =	vld [tilespmem:s0+$0x40A0];
	v11 =	vadd.f32 v54, v42;
	[tilespmem:s0+$0x6080] =	vst v1  }
0x68: {  	v51 =	vld [tilespmem:s0+$0x6040];
	[tilespmem:s0+$0x4010] =	vst v2;
	v2 =	vadd.f32 v8, v7  }
0x69: {  	[tilespmem:s0+$0x60B0] =	vst v11;
	v6 =	vld [tilespmem:s0+$0x4030];
	v3 =	vadd.f32 v3, v15  }
0x6a: {  	v1 =	vadd.f32 v20, v18;
	[tilespmem:s0+$0x30] =	vst v2;
	v2 =	vld [tilespmem:s0+$0x60A0]  }
0x6b: {  	v4 =	vld [tilespmem:s0+$0x2030];
	[tilespmem:s0+$0x2090] =	vst v3;
	v3 =	vadd.f32 v40, v15  }
0x6c: {  	v5 =	vadd.f32 v5, v23;
	[tilespmem:s0+$0x2020] =	vst v1;
	v1 =	vld [tilespmem:s0+$0x20B0]  }
0x6d: {  	v8 =	vld [tilespmem:s0+$0xB0];
	[tilespmem:s0+$0x6090] =	vst v3;
	v3 =	vadd.f32 v22, v18  }
0x6e: {  	v53 =	vld [tilespmem:s0+$0xC0];
	[tilespmem:s0+$0x40A0] =	vst v5;
	v5 =	vadd.f32 v6, v7  }
0x6f: {  	v55 =	vld [tilespmem:s0+$0x40C0];
	[tilespmem:s0+$0x6020] =	vst v3;
	v2 =	vadd.f32 v2, v23  }
0x70: {  	v6 =	vld [tilespmem:s0+$0x18050];
	v3 =	vadd.f32 v4, v7;
	[tilespmem:s0+$0x4030] =	vst v5  }
0x71: {  	v1 =	vadd.f32 v1, v42;
	[tilespmem:s0+$0x60A0] =	vst v2;
	v2 =	vadd.f32 v41, v7;
	v7 =	vld [tilespmem:s0+$0x50]  }
0x72: {  	v57 =	vld [tilespmem:s0+$0x180D0];
	[tilespmem:s0+$0x2030] =	vst v3;
	v5 =	vadd.f32 v8, v42  }
0x73: {  	v4 =	vld [tilespmem:s0+$0x180C0];
	[tilespmem:s0+$0x20B0] =	vst v1;
	v1 =	vadd.f32 v48, v45  }
0x74: {  	v3 =	vld [tilespmem:s0+$0x20C0];
	[tilespmem:s0+$0xB0] =	vst v5;
	v5 =	vadd.f32 v44, v42  }
0x75: {  	v10 =	vadd.f32 v14, v10;
	v8 =	vld [tilespmem:s0+$0x2050];
	[tilespmem:s0+$0x2040] =	vst v1  }
0x76: {  	v1 =	vld [tilespmem:s0+$0x20D0];
	[tilespmem:s0+$0x40B0] =	vst v5;
	v5 =	vadd.f32 v7, v6  }
0x77: {  	v56 =	vld [tilespmem:s0+$0x6050];
	v14 =	vadd.f32 v51, v45;
	[tilespmem:s0+$0x6010] =	vst v10  }
0x78: {  	[tilespmem:s0+$0x50] =	vst v5;
	v5 =	vld [tilespmem:s0+$0x60C0]  }
0x79: {  	v59 =	vld [tilespmem:s0+$0x40D0];
	[tilespmem:s0+$0x6040] =	vst v14;
	v3 =	vadd.f32 v3, v4  }
0x7a: {  	v61 =	vld [tilespmem:s0+$0x18060];
	v8 =	vadd.f32 v8, v6;
	[tilespmem:s0+$0x6030] =	vst v2  }
0x7b: {  	v2 =	vld [tilespmem:s0+$0x4050];
	[tilespmem:s0+$0x20C0] =	vst v3;
	v1 =	vadd.f32 v1, v57  }
0x7c: {  	v62 =	vld [tilespmem:s0+$0x60];
	[tilespmem:s0+$0x2050] =	vst v8;
	v8 =	vadd.f32 v53, v4  }
0x7d: {  	[tilespmem:s0+$0x20D0] =	vst v1;
	v7 =	vld [tilespmem:s0+$0xD0];
	v3 =	vadd.f32 v5, v4  }
0x7e: {  	[tilespmem:s0+$0xC0] =	vst v8;
	v8 =	vadd.f32 v55, v4;
	v4 =	vld [tilespmem:s0+$0x2060]  }
0x7f: {  	v60 =	vld [tilespmem:s0+$0x60D0];
	[tilespmem:s0+$0x60C0] =	vst v3;
	v3 =	vadd.f32 v56, v6  }
0x80: {  	[tilespmem:s0+$0x40C0] =	vst v8;
	v2 =	vadd.f32 v2, v6;
	v8 =	vld [tilespmem:s0+$0xE0]  }
0x81: {  	v5 =	vld [tilespmem:s0+$0x4060];
	[tilespmem:s0+$0x6050] =	vst v3;
	v3 =	vadd.f32 v62, v61  }
0x82: {  	[tilespmem:s0+$0x4050] =	vst v2;
	v2 =	vadd.f32 v7, v57;
	v6 =	vld [tilespmem:s0+$0x6060]  }
0x83: {  	v7 =	vld [tilespmem:s0+$0x180E0];
	[tilespmem:s0+$0x60] =	vst v3;
	v3 =	vadd.f32 v4, v61  }
0x84: {  	[tilespmem:s0+$0xD0] =	vst v2;
	v2 =	vld [tilespmem:s0+$0x20E0];
	v4 =	vadd.f32 v59, v57  }
0x85: {  	v63 =	vld [tilespmem:s0+$0x40E0];
	v1 =	vadd.f32 v60, v57;
	[tilespmem:s0+$0x2060] =	vst v3  }
0x86: {  	[tilespmem:s0+$0x40D0] =	vst v4;
	v3 =	vadd.f32 v5, v61;
	v4 =	vld [tilespmem:s0+$0x60E0]  }
0x87: {  	[tilespmem:s0+$0x60D0] =	vst v1;
	v1 =	vld [tilespmem:s0+$0x18070];
	v5 =	vadd.f32 v6, v61  }
0x88: {  	[tilespmem:s0+$0x4060] =	vst v3;
	v3 =	vadd.f32 v8, v7;
	v8 =	vld [tilespmem:s0+$0x70]  }
0x89: {  	v2 =	vadd.f32 v2, v7;
	v6 =	vld [tilespmem:s0+$0x2070];
	[tilespmem:s0+$0x6060] =	vst v5  }
0x8a: {  	v5 =	vadd.f32 v63, v7;
	[tilespmem:s0+$0xE0] =	vst v3;
	v3 =	vld [tilespmem:s0+$0x4070]  }
0x8b: {  	[tilespmem:s0+$0x20E0] =	vst v2;
	v7 =	vadd.f32 v4, v7;
	v4 =	vld [tilespmem:s0+$0x6070]  }
0x8c: {  	v2 =	vld [tilespmem:s0+$0xF0];
	[tilespmem:s0+$0x40E0] =	vst v5  }
0x8d: {  	s16 =	simm.s32 $0x0;
	s19 =	simm.s32 $0x400;
	v5 =	vld [tilespmem:s0+$0x20F0];
	[tilespmem:s0+$0x60E0] =	vst v7;
	v7 =	vadd.f32 v8, v1  }
.LBB2_2:
0x8e: {  	s20 =	sshra.s32 s19, $0x2;
	v6 =	vadd.f32 v6, v1;
	v8 =	vld [tilespmem:s0+$0x40F0]  }
0x8f: {  	s16 =	sadd.s32 $0x8, s16;
	v9 =	vld [tilespmem:s20+$0x180F0];
	[tilespmem:s0+$0x70] =	vst v7;
	v3 =	vadd.f32 v3, v1  }
0x90: {  	p0 =	slt.u32 s16, $0xF8;
	v7 =	vld [tilespmem:s20+$0x60F0];
	[tilespmem:s0+$0x2070] =	vst v6;
	v1 =	vadd.f32 v4, v1  }
0x91: {  	v4 =	vld [tilespmem:s20+$0x18000];
	[tilespmem:s0+$0x4070] =	vst v3;
	v2 =	vadd.f32 v2, v0  }
0x92: {  	v3 =	vld [tilespmem:s20+$0x0];
	[tilespmem:s0+$0x6070] =	vst v1;
	v1 =	vadd.f32 v5, v0  }
0x93: {  	v5 =	vld [tilespmem:s20+$0x2000];
	[tilespmem:s0+$0xF0] =	vst v2;
	v2 =	vadd.f32 v8, v0  }
0x94: {  	v6 =	vld [tilespmem:s20+$0x4000];
	[tilespmem:s0+$0x20F0] =	vst v1;
	v0 =	vmov v9  }
0x95: {  	v1 =	vld [tilespmem:s20+$0x6000];
	v7 =	vadd.f32 v7, v0;
	[tilespmem:s0+$0x40F0] =	vst v2;
	s0 =	smov.u32 s20  }
0x96: {  	v2 =	vld [tilespmem:s0+$0x18080]  }
0x97: {  	v3 =	vadd.f32 v3, v4;
	v8 =	vld [tilespmem:s0+$0x80];
	[tilespmem:s0+$0x60F0] =	vst v7  }
0x98: {  	v5 =	vadd.f32 v5, v4;
	v7 =	vld [tilespmem:s0+$0x2080]  }
0x99: {  	[tilespmem:s0+$0x0] =	vst v3;
	v3 =	vadd.f32 v6, v4;
	v6 =	vld [tilespmem:s0+$0x4080]  }
0x9a: {  	[tilespmem:s0+$0x2000] =	vst v5;
	v1 =	vadd.f32 v1, v4;
	v4 =	vld [tilespmem:s0+$0x6080]  }
0x9b: {  	[tilespmem:s0+$0x4000] =	vst v3;
	v3 =	vld [tilespmem:s0+$0x18010]  }
0x9c: {  	[tilespmem:s0+$0x6000] =	vst v1;
	v1 =	vadd.f32 v8, v2;
	v5 =	vld [tilespmem:s0+$0x10]  }
0x9d: {  	v7 =	vadd.f32 v7, v2;
	v8 =	vld [tilespmem:s0+$0x2010]  }
0x9e: {  	[tilespmem:s0+$0x80] =	vst v1;
	v1 =	vadd.f32 v6, v2;
	v6 =	vld [tilespmem:s0+$0x4010]  }
0x9f: {  	[tilespmem:s0+$0x2080] =	vst v7;
	v2 =	vadd.f32 v4, v2;
	v4 =	vld [tilespmem:s0+$0x6010]  }
0xa0: {  	[tilespmem:s0+$0x4080] =	vst v1;
	v1 =	vld [tilespmem:s0+$0x18090]  }
0xa1: {  	[tilespmem:s0+$0x6080] =	vst v2;
	v2 =	vadd.f32 v5, v3;
	v5 =	vld [tilespmem:s0+$0x90]  }
0xa2: {  	v7 =	vadd.f32 v8, v3;
	v8 =	vld [tilespmem:s0+$0x2090]  }
0xa3: {  	[tilespmem:s0+$0x10] =	vst v2;
	v2 =	vadd.f32 v6, v3;
	v6 =	vld [tilespmem:s0+$0x4090]  }
0xa4: {  	[tilespmem:s0+$0x2010] =	vst v7;
	v3 =	vadd.f32 v4, v3;
	v4 =	vld [tilespmem:s0+$0x6090]  }
0xa5: {  	[tilespmem:s0+$0x4010] =	vst v2;
	v2 =	vld [tilespmem:s0+$0x18020]  }
0xa6: {  	[tilespmem:s0+$0x6010] =	vst v3;
	v3 =	vadd.f32 v5, v1;
	v5 =	vld [tilespmem:s0+$0x20]  }
0xa7: {  	v7 =	vadd.f32 v8, v1;
	v8 =	vld [tilespmem:s0+$0x2020]  }
0xa8: {  	[tilespmem:s0+$0x90] =	vst v3;
	v3 =	vadd.f32 v6, v1;
	v6 =	vld [tilespmem:s0+$0x4020]  }
0xa9: {  	[tilespmem:s0+$0x2090] =	vst v7;
	v1 =	vadd.f32 v4, v1;
	v4 =	vld [tilespmem:s0+$0x6020]  }
0xaa: {  	[tilespmem:s0+$0x4090] =	vst v3;
	v3 =	vld [tilespmem:s0+$0x180A0]  }
0xab: {  	[tilespmem:s0+$0x6090] =	vst v1;
	v1 =	vadd.f32 v5, v2;
	v5 =	vld [tilespmem:s0+$0xA0]  }
0xac: {  	v7 =	vadd.f32 v8, v2;
	v8 =	vld [tilespmem:s0+$0x20A0]  }
0xad: {  	[tilespmem:s0+$0x20] =	vst v1;
	v1 =	vadd.f32 v6, v2;
	v6 =	vld [tilespmem:s0+$0x40A0]  }
0xae: {  	[tilespmem:s0+$0x2020] =	vst v7;
	v2 =	vadd.f32 v4, v2;
	v4 =	vld [tilespmem:s0+$0x60A0]  }
0xaf: {  	[tilespmem:s0+$0x4020] =	vst v1;
	v1 =	vld [tilespmem:s0+$0x18030]  }
0xb0: {  	[tilespmem:s0+$0x6020] =	vst v2;
	v2 =	vadd.f32 v5, v3;
	v5 =	vld [tilespmem:s0+$0x30]  }
0xb1: {  	v7 =	vadd.f32 v8, v3;
	v8 =	vld [tilespmem:s0+$0x2030]  }
0xb2: {  	[tilespmem:s0+$0xA0] =	vst v2;
	v2 =	vadd.f32 v6, v3;
	v6 =	vld [tilespmem:s0+$0x4030]  }
0xb3: {  	[tilespmem:s0+$0x20A0] =	vst v7;
	v3 =	vadd.f32 v4, v3;
	v4 =	vld [tilespmem:s0+$0x6030]  }
0xb4: {  	[tilespmem:s0+$0x40A0] =	vst v2;
	v2 =	vld [tilespmem:s0+$0x180B0]  }
0xb5: {  	[tilespmem:s0+$0x60A0] =	vst v3;
	v3 =	vadd.f32 v5, v1;
	v5 =	vld [tilespmem:s0+$0xB0]  }
0xb6: {  	v7 =	vadd.f32 v8, v1;
	v8 =	vld [tilespmem:s0+$0x20B0]  }
0xb7: {  	[tilespmem:s0+$0x30] =	vst v3;
	v3 =	vadd.f32 v6, v1;
	v6 =	vld [tilespmem:s0+$0x40B0]  }
0xb8: {  	[tilespmem:s0+$0x2030] =	vst v7;
	v1 =	vadd.f32 v4, v1;
	v4 =	vld [tilespmem:s0+$0x60B0]  }
0xb9: {  	[tilespmem:s0+$0x4030] =	vst v3;
	v3 =	vld [tilespmem:s0+$0x18040]  }
0xba: {  	[tilespmem:s0+$0x6030] =	vst v1;
	v1 =	vadd.f32 v5, v2;
	v5 =	vld [tilespmem:s0+$0x40]  }
0xbb: {  	v7 =	vadd.f32 v8, v2;
	v8 =	vld [tilespmem:s0+$0x2040]  }
0xbc: {  	[tilespmem:s0+$0xB0] =	vst v1;
	v1 =	vadd.f32 v6, v2;
	v6 =	vld [tilespmem:s0+$0x4040]  }
0xbd: {  	[tilespmem:s0+$0x20B0] =	vst v7;
	v2 =	vadd.f32 v4, v2;
	v4 =	vld [tilespmem:s0+$0x6040]  }
0xbe: {  	[tilespmem:s0+$0x40B0] =	vst v1;
	v1 =	vld [tilespmem:s0+$0x180C0]  }
0xbf: {  	[tilespmem:s0+$0x60B0] =	vst v2;
	v2 =	vadd.f32 v5, v3;
	v5 =	vld [tilespmem:s0+$0xC0]  }
0xc0: {  	v7 =	vadd.f32 v8, v3;
	v8 =	vld [tilespmem:s0+$0x20C0]  }
0xc1: {  	[tilespmem:s0+$0x40] =	vst v2;
	v2 =	vadd.f32 v6, v3;
	v6 =	vld [tilespmem:s0+$0x40C0]  }
0xc2: {  	[tilespmem:s0+$0x2040] =	vst v7;
	v3 =	vadd.f32 v4, v3;
	v4 =	vld [tilespmem:s0+$0x60C0]  }
0xc3: {  	[tilespmem:s0+$0x4040] =	vst v2;
	v2 =	vld [tilespmem:s0+$0x18050]  }
0xc4: {  	[tilespmem:s0+$0x6040] =	vst v3;
	v3 =	vadd.f32 v5, v1;
	v5 =	vld [tilespmem:s0+$0x50]  }
0xc5: {  	v7 =	vadd.f32 v8, v1;
	v8 =	vld [tilespmem:s0+$0x2050]  }
0xc6: {  	[tilespmem:s0+$0xC0] =	vst v3;
	v3 =	vadd.f32 v6, v1;
	v6 =	vld [tilespmem:s0+$0x4050]  }
0xc7: {  	[tilespmem:s0+$0x20C0] =	vst v7;
	v1 =	vadd.f32 v4, v1;
	v4 =	vld [tilespmem:s0+$0x6050]  }
0xc8: {  	[tilespmem:s0+$0x40C0] =	vst v3;
	v3 =	vld [tilespmem:s0+$0x180D0]  }
0xc9: {  	[tilespmem:s0+$0x60C0] =	vst v1;
	v1 =	vadd.f32 v5, v2;
	v5 =	vld [tilespmem:s0+$0xD0]  }
0xca: {  	v7 =	vadd.f32 v8, v2;
	v8 =	vld [tilespmem:s0+$0x20D0]  }
0xcb: {  	[tilespmem:s0+$0x50] =	vst v1;
	v1 =	vadd.f32 v6, v2;
	v6 =	vld [tilespmem:s0+$0x40D0]  }
0xcc: {  	[tilespmem:s0+$0x2050] =	vst v7;
	v2 =	vadd.f32 v4, v2;
	v4 =	vld [tilespmem:s0+$0x60D0]  }
0xcd: {  	[tilespmem:s0+$0x4050] =	vst v1;
	v1 =	vld [tilespmem:s0+$0x18060]  }
0xce: {  	[tilespmem:s0+$0x6050] =	vst v2;
	v2 =	vadd.f32 v5, v3;
	v5 =	vld [tilespmem:s0+$0x60]  }
0xcf: {  	v7 =	vadd.f32 v8, v3;
	v8 =	vld [tilespmem:s0+$0x2060]  }
0xd0: {  	[tilespmem:s0+$0xD0] =	vst v2;
	v2 =	vadd.f32 v6, v3;
	v6 =	vld [tilespmem:s0+$0x4060]  }
0xd1: {  	[tilespmem:s0+$0x20D0] =	vst v7;
	v3 =	vadd.f32 v4, v3;
	v4 =	vld [tilespmem:s0+$0x6060]  }
0xd2: {  	[tilespmem:s0+$0x40D0] =	vst v2;
	v2 =	vld [tilespmem:s0+$0x180E0]  }
0xd3: {  	[tilespmem:s0+$0x60D0] =	vst v3;
	v3 =	vadd.f32 v5, v1;
	v5 =	vld [tilespmem:s0+$0xE0]  }
0xd4: {  	v7 =	vadd.f32 v8, v1;
	v8 =	vld [tilespmem:s0+$0x20E0]  }
0xd5: {  	[tilespmem:s0+$0x60] =	vst v3;
	v3 =	vadd.f32 v6, v1;
	v9 =	vld [tilespmem:s0+$0x40E0]  }
0xd6: {  	[tilespmem:s0+$0x2060] =	vst v7;
	v4 =	vadd.f32 v4, v1;
	v7 =	vld [tilespmem:s0+$0x60E0]  }
0xd7: {  	[tilespmem:s0+$0x4060] =	vst v3;
	v1 =	vld [tilespmem:s0+$0x18070]  }
0xd8: {  	[tilespmem:s0+$0x6060] =	vst v4;
	v3 =	vadd.f32 v5, v2;
	v5 =	vld [tilespmem:s0+$0x70]  }
.Ltmp2:
0xd9: {  	v4 =	vadd.f32 v8, v2;
	v6 =	vld [tilespmem:s0+$0x2070];
	(pc) =	sbr.rel @p0 .LBB2_2-.Ltmp2, $4  }
0xda: {  	[tilespmem:s0+$0xE0] =	vst v3;
	v8 =	vadd.f32 v9, v2;
	v3 =	vld [tilespmem:s0+$0x4070]  }
0xdb: {  	[tilespmem:s0+$0x20E0] =	vst v4;
	v7 =	vadd.f32 v7, v2;
	v4 =	vld [tilespmem:s0+$0x6070]  }
0xdc: {  	[tilespmem:s0+$0x40E0] =	vst v8;
	v2 =	vld [tilespmem:s0+$0xF0]  }
0xdd: {  	s19 =	sadd.s32 $0x400, s19;
	[tilespmem:s0+$0x60E0] =	vst v7;
	v7 =	vadd.f32 v5, v1;
	v5 =	vld [tilespmem:s0+$0x20F0]  }
0xde: {  	v6 =	vadd.f32 v6, v1;
	v8 =	vld [tilespmem:s0+$0x40F0]  }
0xdf: {  	[tilespmem:s0+$0x70] =	vst v7;
	v3 =	vadd.f32 v3, v1  }
0xe0: {  	[tilespmem:s0+$0x2070] =	vst v6;
	v1 =	vadd.f32 v4, v1  }
0xe1: {  	[tilespmem:s0+$0x4070] =	vst v3;
	v2 =	vadd.f32 v2, v0  }
0xe2: {  	[tilespmem:s0+$0x6070] =	vst v1;
	v1 =	vadd.f32 v5, v0  }
0xe3: {  	[tilespmem:s0+$0xF0] =	vst v2;
	v0 =	vadd.f32 v8, v0  }
0xe4: {  	[tilespmem:s0+$0x20F0] =	vst v1  }
0xe5: {  	[tilespmem:s0+$0x40F0] =	vst v0  }
0xe6: {  	s21 =	simm.s32 $0x0;
	s16 =	rddreg [dreg:$0x8]  }
0xe7: {  	[hbm4b:s16+s25] =	stream.strided.scatter [tilespmem:s21], [sflag:$0x7], $0x2000, s26, s25, $0x38;
	[tilespmem:$0x1E000] =	vst v63  }
0xe8: {  	s22 =	sadd.s32 $0x100000, s16  }
0xe9: {  	[hbm4b:s22+s25] =	stream.strided.scatter [tilespmem:s29], [sflag:$0x7], $0x2000, s26, s25, $0x38;
	[tilespmem:$0x1E000] =	vst v63  }
0xea: {  	s28 =	sadd.s32 $0x200000, s16  }
0xeb: {  	[hbm4b:s28+s25] =	stream.strided.scatter [tilespmem:s30], [sflag:$0x7], $0x2000, s26, s25, $0x38;
	[tilespmem:$0x1E000] =	vst v63  }
0xec: {  	s19 =	sadd.s32 $0x300000, s16  }
0xed: {  	[hbm4b:s19+s25] =	stream.strided.scatter [tilespmem:s31], [sflag:$0x7], $0x2000, s26, s25, $0x38;
	[tilespmem:$0x1E000] =	vst v63  }
0xee: {  	s20 =	rddreg [dreg:$0x9];
	s21 =	simm.s32 $0x1C000  }
0xef: {  	[tilespmem:s21], [sflag:$0x6] =	stream.strided.gather [hbm4b:s20+s25], $0x2000, s26, s25, $0x38;
	[tilespmem:$0x1E000] =	vst v63  }
0xf0: {  	s16 =	rddreg [dreg:$0xa];
	s22 =	simm.s32 $0x10000  }
0xf1: {  	[tilespmem:s22], [sflag:$0x3] =	stream.strided.gather [hbm4b:s16+s25], $0x2000, s26, s25, $0x38;
	[tilespmem:$0x1E000] =	vst v63  }
0xf2: {  	s28 =	sadd.s32 $0x100000, s16;
	s19 =	simm.s32 $0x12000  }
0xf3: {  	[tilespmem:s19], [sflag:$0x3] =	stream.strided.gather [hbm4b:s28+s25], $0x2000, s26, s25, $0x38;
	[tilespmem:$0x1E000] =	vst v63  }
0xf4: {  	s20 =	sadd.s32 $0x200000, s16;
	s21 =	simm.s32 $0x14000  }
0xf5: {  	[tilespmem:s21], [sflag:$0x3] =	stream.strided.gather [hbm4b:s20+s25], $0x2000, s26, s25, $0x38;
	[tilespmem:$0x1E000] =	vst v63  }
0xf6: {  	s22 =	sadd.s32 $0x300000, s16;
	s28 =	simm.s32 $0x16000  }
0xf7: {  	[tilespmem:s28], [sflag:$0x3] =	stream.strided.gather [hbm4b:s22+s25], $0x2000, s26, s25, $0x38;
	[tilespmem:$0x1E000] =	vst v63  }
0xf8: {  	_ =	swait.ge [sflag:s23], $0x2000  }
0xf9: {  	[sflag:s23] =	ssyncset.done $0x0  }
0xfa: {  	[sflag:s23] =	ssyncadd.s32 $0xFFFFE000  }
0xfb: {  	_ =	swait.ge [sflag:s24], $0x8000  }
0xfc: {  	[sflag:s24] =	ssyncset.done $0x0  }
0xfd: {  	s0 =	simm.s32 $0x0;
	[sflag:s24] =	ssyncadd.s32 $0xFFFF8000  }
0xfe: {  	v0 =	vld [tilespmem:s0+$0x1A0F0]  }
0xff: {  	v1 =	vld [tilespmem:s0+$0x1A000]  }
0x100: {  	v2 =	vld [tilespmem:s0+$0x8000]  }
0x101: {  	v3 =	vld [tilespmem:s0+$0xA000]  }
0x102: {  	v4 =	vld [tilespmem:s0+$0xC000]  }
0x103: {  	v5 =	vld [tilespmem:s0+$0xE000]  }
0x104: {  	v6 =	vld [tilespmem:s0+$0x1A080]  }
0x105: {  	v7 =	vld [tilespmem:s0+$0x8080]  }
0x106: {  	v8 =	vld [tilespmem:s0+$0xA080]  }
0x107: {  	v9 =	vld [tilespmem:s0+$0xE0F0]  }
0x108: {  	v10 =	vld [tilespmem:s0+$0x1A010]  }
0x109: {  	v11 =	vld [tilespmem:s0+$0x8010]  }
0x10a: {  	v12 =	vld [tilespmem:s0+$0xA010]  }
0x10b: {  	v13 =	vld [tilespmem:s0+$0xC010]  }
0x10c: {  	v14 =	vld [tilespmem:s0+$0xE010]  }
0x10d: {  	v15 =	vld [tilespmem:s0+$0x1A090]  }
0x10e: {  	v16 =	vld [tilespmem:s0+$0x8090]  }
0x10f: {  	v17 =	vld [tilespmem:s0+$0xE080]  }
0x110: {  	v18 =	vld [tilespmem:s0+$0x1A020]  }
0x111: {  	v19 =	vld [tilespmem:s0+$0x8020]  }
0x112: {  	v38 =	vld [tilespmem:s0+$0xC090];
	v2 =	vadd.f32 v2, v1  }
0x113: {  	v20 =	vld [tilespmem:s0+$0xA020];
	v3 =	vadd.f32 v3, v1  }
0x114: {  	v21 =	vld [tilespmem:s0+$0xC020];
	v11 =	vadd.f32 v11, v10;
	[tilespmem:s0+$0x8000] =	vst v2  }
0x115: {  	v23 =	vld [tilespmem:s0+$0x1A0A0];
	v12 =	vadd.f32 v12, v10;
	[tilespmem:s0+$0xA000] =	vst v3  }
0x116: {  	v24 =	vld [tilespmem:s0+$0x80A0];
	v19 =	vadd.f32 v19, v18;
	[tilespmem:s0+$0x8010] =	vst v11  }
0x117: {  	v45 =	vld [tilespmem:s0+$0x1A040];
	v9 =	vadd.f32 v9, v0;
	[tilespmem:s0+$0xA010] =	vst v12  }
0x118: {  	v46 =	vld [tilespmem:s0+$0x8040];
	v4 =	vadd.f32 v4, v1;
	[tilespmem:s0+$0x8020] =	vst v19  }
0x119: {  	v49 =	vld [tilespmem:s0+$0xC040];
	v1 =	vadd.f32 v5, v1;
	[tilespmem:s0+$0xE0F0] =	vst v9  }
0x11a: {  	v22 =	vld [tilespmem:s0+$0xE020];
	v43 =	vadd.f32 v16, v15;
	[tilespmem:s0+$0xC000] =	vst v4  }
0x11b: {  	v39 =	vld [tilespmem:s0+$0xA0A0];
	v47 =	vadd.f32 v21, v18;
	[tilespmem:s0+$0xE000] =	vst v1  }
0x11c: {  	v40 =	vld [tilespmem:s0+$0xE090];
	v50 =	vadd.f32 v24, v23;
	[tilespmem:s0+$0x8090] =	vst v43  }
0x11d: {  	v41 =	vld [tilespmem:s0+$0xE030];
	v52 =	vadd.f32 v46, v45;
	[tilespmem:s0+$0xC020] =	vst v47  }
0x11e: {  	v58 =	vadd.f32 v49, v45;
	v2 =	vld [tilespmem:s0+$0xC080];
	[tilespmem:s0+$0x80A0] =	vst v50  }
0x11f: {  	v42 =	vld [tilespmem:s0+$0x1A0B0];
	v4 =	vadd.f32 v7, v6;
	[tilespmem:s0+$0x8040] =	vst v52  }
0x120: {  	v54 =	vld [tilespmem:s0+$0xE0B0];
	v1 =	vadd.f32 v8, v6;
	[tilespmem:s0+$0xC040] =	vst v58  }
0x121: {  	v7 =	vld [tilespmem:s0+$0x1A030];
	v11 =	vadd.f32 v38, v15;
	[tilespmem:s0+$0x8080] =	vst v4  }
0x122: {  	v8 =	vld [tilespmem:s0+$0x8030];
	v12 =	vadd.f32 v39, v23;
	[tilespmem:s0+$0xA080] =	vst v1  }
0x123: {  	v3 =	vld [tilespmem:s0+$0xA090];
	[tilespmem:s0+$0xC090] =	vst v11;
	v2 =	vadd.f32 v2, v6  }
0x124: {  	v44 =	vld [tilespmem:s0+$0xC0B0];
	v1 =	vadd.f32 v17, v6;
	[tilespmem:s0+$0xA0A0] =	vst v12  }
0x125: {  	v48 =	vld [tilespmem:s0+$0xA040];
	[tilespmem:s0+$0xC080] =	vst v2;
	v2 =	vadd.f32 v13, v10  }
0x126: {  	v5 =	vld [tilespmem:s0+$0xC0A0];
	v11 =	vadd.f32 v54, v42;
	[tilespmem:s0+$0xE080] =	vst v1  }
0x127: {  	v51 =	vld [tilespmem:s0+$0xE040];
	[tilespmem:s0+$0xC010] =	vst v2;
	v2 =	vadd.f32 v8, v7  }
0x128: {  	[tilespmem:s0+$0xE0B0] =	vst v11;
	v6 =	vld [tilespmem:s0+$0xC030];
	v3 =	vadd.f32 v3, v15  }
0x129: {  	v1 =	vadd.f32 v20, v18;
	[tilespmem:s0+$0x8030] =	vst v2;
	v2 =	vld [tilespmem:s0+$0xE0A0]  }
0x12a: {  	v4 =	vld [tilespmem:s0+$0xA030];
	[tilespmem:s0+$0xA090] =	vst v3;
	v3 =	vadd.f32 v40, v15  }
0x12b: {  	v5 =	vadd.f32 v5, v23;
	[tilespmem:s0+$0xA020] =	vst v1;
	v1 =	vld [tilespmem:s0+$0xA0B0]  }
0x12c: {  	v8 =	vld [tilespmem:s0+$0x80B0];
	[tilespmem:s0+$0xE090] =	vst v3;
	v3 =	vadd.f32 v22, v18  }
0x12d: {  	v53 =	vld [tilespmem:s0+$0x80C0];
	[tilespmem:s0+$0xC0A0] =	vst v5;
	v5 =	vadd.f32 v6, v7  }
0x12e: {  	v55 =	vld [tilespmem:s0+$0xC0C0];
	[tilespmem:s0+$0xE020] =	vst v3;
	v2 =	vadd.f32 v2, v23  }
0x12f: {  	v6 =	vld [tilespmem:s0+$0x1A050];
	v3 =	vadd.f32 v4, v7;
	[tilespmem:s0+$0xC030] =	vst v5  }
0x130: {  	v1 =	vadd.f32 v1, v42;
	[tilespmem:s0+$0xE0A0] =	vst v2;
	v2 =	vadd.f32 v41, v7;
	v7 =	vld [tilespmem:s0+$0x8050]  }
0x131: {  	v57 =	vld [tilespmem:s0+$0x1A0D0];
	[tilespmem:s0+$0xA030] =	vst v3;
	v5 =	vadd.f32 v8, v42  }
0x132: {  	v4 =	vld [tilespmem:s0+$0x1A0C0];
	[tilespmem:s0+$0xA0B0] =	vst v1;
	v1 =	vadd.f32 v48, v45  }
0x133: {  	v3 =	vld [tilespmem:s0+$0xA0C0];
	[tilespmem:s0+$0x80B0] =	vst v5;
	v5 =	vadd.f32 v44, v42  }
0x134: {  	v10 =	vadd.f32 v14, v10;
	v8 =	vld [tilespmem:s0+$0xA050];
	[tilespmem:s0+$0xA040] =	vst v1  }
0x135: {  	v1 =	vld [tilespmem:s0+$0xA0D0];
	[tilespmem:s0+$0xC0B0] =	vst v5;
	v5 =	vadd.f32 v7, v6  }
0x136: {  	v56 =	vld [tilespmem:s0+$0xE050];
	v14 =	vadd.f32 v51, v45;
	[tilespmem:s0+$0xE010] =	vst v10  }
0x137: {  	[tilespmem:s0+$0x8050] =	vst v5;
	v5 =	vld [tilespmem:s0+$0xE0C0]  }
0x138: {  	v59 =	vld [tilespmem:s0+$0xC0D0];
	[tilespmem:s0+$0xE040] =	vst v14;
	v3 =	vadd.f32 v3, v4  }
0x139: {  	v61 =	vld [tilespmem:s0+$0x1A060];
	v8 =	vadd.f32 v8, v6;
	[tilespmem:s0+$0xE030] =	vst v2  }
0x13a: {  	v2 =	vld [tilespmem:s0+$0xC050];
	[tilespmem:s0+$0xA0C0] =	vst v3;
	v1 =	vadd.f32 v1, v57  }
0x13b: {  	v62 =	vld [tilespmem:s0+$0x8060];
	[tilespmem:s0+$0xA050] =	vst v8;
	v8 =	vadd.f32 v53, v4  }
0x13c: {  	[tilespmem:s0+$0xA0D0] =	vst v1;
	v7 =	vld [tilespmem:s0+$0x80D0];
	v3 =	vadd.f32 v5, v4  }
0x13d: {  	[tilespmem:s0+$0x80C0] =	vst v8;
	v8 =	vadd.f32 v55, v4;
	v4 =	vld [tilespmem:s0+$0xA060]  }
0x13e: {  	v60 =	vld [tilespmem:s0+$0xE0D0];
	[tilespmem:s0+$0xE0C0] =	vst v3;
	v3 =	vadd.f32 v56, v6  }
0x13f: {  	[tilespmem:s0+$0xC0C0] =	vst v8;
	v2 =	vadd.f32 v2, v6;
	v8 =	vld [tilespmem:s0+$0x80E0]  }
0x140: {  	v5 =	vld [tilespmem:s0+$0xC060];
	[tilespmem:s0+$0xE050] =	vst v3;
	v3 =	vadd.f32 v62, v61  }
0x141: {  	[tilespmem:s0+$0xC050] =	vst v2;
	v2 =	vadd.f32 v7, v57;
	v6 =	vld [tilespmem:s0+$0xE060]  }
0x142: {  	v7 =	vld [tilespmem:s0+$0x1A0E0];
	[tilespmem:s0+$0x8060] =	vst v3;
	v3 =	vadd.f32 v4, v61  }
0x143: {  	[tilespmem:s0+$0x80D0] =	vst v2;
	v2 =	vld [tilespmem:s0+$0xA0E0];
	v4 =	vadd.f32 v59, v57  }
0x144: {  	v63 =	vld [tilespmem:s0+$0xC0E0];
	v1 =	vadd.f32 v60, v57;
	[tilespmem:s0+$0xA060] =	vst v3  }
0x145: {  	[tilespmem:s0+$0xC0D0] =	vst v4;
	v3 =	vadd.f32 v5, v61;
	v4 =	vld [tilespmem:s0+$0xE0E0]  }
0x146: {  	[tilespmem:s0+$0xE0D0] =	vst v1;
	v1 =	vld [tilespmem:s0+$0x1A070];
	v5 =	vadd.f32 v6, v61  }
0x147: {  	[tilespmem:s0+$0xC060] =	vst v3;
	v3 =	vadd.f32 v8, v7;
	v8 =	vld [tilespmem:s0+$0x8070]  }
0x148: {  	v2 =	vadd.f32 v2, v7;
	v6 =	vld [tilespmem:s0+$0xA070];
	[tilespmem:s0+$0xE060] =	vst v5  }
0x149: {  	v5 =	vadd.f32 v63, v7;
	[tilespmem:s0+$0x80E0] =	vst v3;
	v3 =	vld [tilespmem:s0+$0xC070]  }
0x14a: {  	[tilespmem:s0+$0xA0E0] =	vst v2;
	v7 =	vadd.f32 v4, v7;
	v4 =	vld [tilespmem:s0+$0xE070]  }
0x14b: {  	v2 =	vld [tilespmem:s0+$0x80F0];
	[tilespmem:s0+$0xC0E0] =	vst v5  }
0x14c: {  	s16 =	simm.s32 $0x0;
	s19 =	simm.s32 $0x400;
	v5 =	vld [tilespmem:s0+$0xA0F0];
	[tilespmem:s0+$0xE0E0] =	vst v7;
	v7 =	vadd.f32 v8, v1  }
.LBB2_4:
0x14d: {  	s20 =	sshra.s32 s19, $0x2;
	v6 =	vadd.f32 v6, v1;
	v8 =	vld [tilespmem:s0+$0xC0F0]  }
0x14e: {  	s16 =	sadd.s32 $0x8, s16;
	v9 =	vld [tilespmem:s20+$0x1A0F0];
	[tilespmem:s0+$0x8070] =	vst v7;
	v3 =	vadd.f32 v3, v1  }
0x14f: {  	p0 =	slt.u32 s16, $0xF8;
	v7 =	vld [tilespmem:s20+$0xE0F0];
	[tilespmem:s0+$0xA070] =	vst v6;
	v1 =	vadd.f32 v4, v1  }
0x150: {  	v4 =	vld [tilespmem:s20+$0x1A000];
	[tilespmem:s0+$0xC070] =	vst v3;
	v2 =	vadd.f32 v2, v0  }
0x151: {  	v3 =	vld [tilespmem:s20+$0x8000];
	[tilespmem:s0+$0xE070] =	vst v1;
	v1 =	vadd.f32 v5, v0  }
0x152: {  	v5 =	vld [tilespmem:s20+$0xA000];
	[tilespmem:s0+$0x80F0] =	vst v2;
	v2 =	vadd.f32 v8, v0  }
0x153: {  	v6 =	vld [tilespmem:s20+$0xC000];
	[tilespmem:s0+$0xA0F0] =	vst v1;
	v0 =	vmov v9  }
0x154: {  	v1 =	vld [tilespmem:s20+$0xE000];
	v7 =	vadd.f32 v7, v0;
	[tilespmem:s0+$0xC0F0] =	vst v2;
	s0 =	smov.u32 s20  }
0x155: {  	v2 =	vld [tilespmem:s0+$0x1A080]  }
0x156: {  	v3 =	vadd.f32 v3, v4;
	v8 =	vld [tilespmem:s0+$0x8080];
	[tilespmem:s0+$0xE0F0] =	vst v7  }
0x157: {  	v5 =	vadd.f32 v5, v4;
	v7 =	vld [tilespmem:s0+$0xA080]  }
0x158: {  	[tilespmem:s0+$0x8000] =	vst v3;
	v3 =	vadd.f32 v6, v4;
	v6 =	vld [tilespmem:s0+$0xC080]  }
0x159: {  	[tilespmem:s0+$0xA000] =	vst v5;
	v1 =	vadd.f32 v1, v4;
	v4 =	vld [tilespmem:s0+$0xE080]  }
0x15a: {  	[tilespmem:s0+$0xC000] =	vst v3;
	v3 =	vld [tilespmem:s0+$0x1A010]  }
0x15b: {  	[tilespmem:s0+$0xE000] =	vst v1;
	v1 =	vadd.f32 v8, v2;
	v5 =	vld [tilespmem:s0+$0x8010]  }
0x15c: {  	v7 =	vadd.f32 v7, v2;
	v8 =	vld [tilespmem:s0+$0xA010]  }
0x15d: {  	[tilespmem:s0+$0x8080] =	vst v1;
	v1 =	vadd.f32 v6, v2;
	v6 =	vld [tilespmem:s0+$0xC010]  }
0x15e: {  	[tilespmem:s0+$0xA080] =	vst v7;
	v2 =	vadd.f32 v4, v2;
	v4 =	vld [tilespmem:s0+$0xE010]  }
0x15f: {  	[tilespmem:s0+$0xC080] =	vst v1;
	v1 =	vld [tilespmem:s0+$0x1A090]  }
0x160: {  	[tilespmem:s0+$0xE080] =	vst v2;
	v2 =	vadd.f32 v5, v3;
	v5 =	vld [tilespmem:s0+$0x8090]  }
0x161: {  	v7 =	vadd.f32 v8, v3;
	v8 =	vld [tilespmem:s0+$0xA090]  }
0x162: {  	[tilespmem:s0+$0x8010] =	vst v2;
	v2 =	vadd.f32 v6, v3;
	v6 =	vld [tilespmem:s0+$0xC090]  }
0x163: {  	[tilespmem:s0+$0xA010] =	vst v7;
	v3 =	vadd.f32 v4, v3;
	v4 =	vld [tilespmem:s0+$0xE090]  }
0x164: {  	[tilespmem:s0+$0xC010] =	vst v2;
	v2 =	vld [tilespmem:s0+$0x1A020]  }
0x165: {  	[tilespmem:s0+$0xE010] =	vst v3;
	v3 =	vadd.f32 v5, v1;
	v5 =	vld [tilespmem:s0+$0x8020]  }
0x166: {  	v7 =	vadd.f32 v8, v1;
	v8 =	vld [tilespmem:s0+$0xA020]  }
0x167: {  	[tilespmem:s0+$0x8090] =	vst v3;
	v3 =	vadd.f32 v6, v1;
	v6 =	vld [tilespmem:s0+$0xC020]  }
0x168: {  	[tilespmem:s0+$0xA090] =	vst v7;
	v1 =	vadd.f32 v4, v1;
	v4 =	vld [tilespmem:s0+$0xE020]  }
0x169: {  	[tilespmem:s0+$0xC090] =	vst v3;
	v3 =	vld [tilespmem:s0+$0x1A0A0]  }
0x16a: {  	[tilespmem:s0+$0xE090] =	vst v1;
	v1 =	vadd.f32 v5, v2;
	v5 =	vld [tilespmem:s0+$0x80A0]  }
0x16b: {  	v7 =	vadd.f32 v8, v2;
	v8 =	vld [tilespmem:s0+$0xA0A0]  }
0x16c: {  	[tilespmem:s0+$0x8020] =	vst v1;
	v1 =	vadd.f32 v6, v2;
	v6 =	vld [tilespmem:s0+$0xC0A0]  }
0x16d: {  	[tilespmem:s0+$0xA020] =	vst v7;
	v2 =	vadd.f32 v4, v2;
	v4 =	vld [tilespmem:s0+$0xE0A0]  }
0x16e: {  	[tilespmem:s0+$0xC020] =	vst v1;
	v1 =	vld [tilespmem:s0+$0x1A030]  }
0x16f: {  	[tilespmem:s0+$0xE020] =	vst v2;
	v2 =	vadd.f32 v5, v3;
	v5 =	vld [tilespmem:s0+$0x8030]  }
0x170: {  	v7 =	vadd.f32 v8, v3;
	v8 =	vld [tilespmem:s0+$0xA030]  }
0x171: {  	[tilespmem:s0+$0x80A0] =	vst v2;
	v2 =	vadd.f32 v6, v3;
	v6 =	vld [tilespmem:s0+$0xC030]  }
0x172: {  	[tilespmem:s0+$0xA0A0] =	vst v7;
	v3 =	vadd.f32 v4, v3;
	v4 =	vld [tilespmem:s0+$0xE030]  }
0x173: {  	[tilespmem:s0+$0xC0A0] =	vst v2;
	v2 =	vld [tilespmem:s0+$0x1A0B0]  }
0x174: {  	[tilespmem:s0+$0xE0A0] =	vst v3;
	v3 =	vadd.f32 v5, v1;
	v5 =	vld [tilespmem:s0+$0x80B0]  }
0x175: {  	v7 =	vadd.f32 v8, v1;
	v8 =	vld [tilespmem:s0+$0xA0B0]  }
0x176: {  	[tilespmem:s0+$0x8030] =	vst v3;
	v3 =	vadd.f32 v6, v1;
	v6 =	vld [tilespmem:s0+$0xC0B0]  }
0x177: {  	[tilespmem:s0+$0xA030] =	vst v7;
	v1 =	vadd.f32 v4, v1;
	v4 =	vld [tilespmem:s0+$0xE0B0]  }
0x178: {  	[tilespmem:s0+$0xC030] =	vst v3;
	v3 =	vld [tilespmem:s0+$0x1A040]  }
0x179: {  	[tilespmem:s0+$0xE030] =	vst v1;
	v1 =	vadd.f32 v5, v2;
	v5 =	vld [tilespmem:s0+$0x8040]  }
0x17a: {  	v7 =	vadd.f32 v8, v2;
	v8 =	vld [tilespmem:s0+$0xA040]  }
0x17b: {  	[tilespmem:s0+$0x80B0] =	vst v1;
	v1 =	vadd.f32 v6, v2;
	v6 =	vld [tilespmem:s0+$0xC040]  }
0x17c: {  	[tilespmem:s0+$0xA0B0] =	vst v7;
	v2 =	vadd.f32 v4, v2;
	v4 =	vld [tilespmem:s0+$0xE040]  }
0x17d: {  	[tilespmem:s0+$0xC0B0] =	vst v1;
	v1 =	vld [tilespmem:s0+$0x1A0C0]  }
0x17e: {  	[tilespmem:s0+$0xE0B0] =	vst v2;
	v2 =	vadd.f32 v5, v3;
	v5 =	vld [tilespmem:s0+$0x80C0]  }
0x17f: {  	v7 =	vadd.f32 v8, v3;
	v8 =	vld [tilespmem:s0+$0xA0C0]  }
0x180: {  	[tilespmem:s0+$0x8040] =	vst v2;
	v2 =	vadd.f32 v6, v3;
	v6 =	vld [tilespmem:s0+$0xC0C0]  }
0x181: {  	[tilespmem:s0+$0xA040] =	vst v7;
	v3 =	vadd.f32 v4, v3;
	v4 =	vld [tilespmem:s0+$0xE0C0]  }
0x182: {  	[tilespmem:s0+$0xC040] =	vst v2;
	v2 =	vld [tilespmem:s0+$0x1A050]  }
0x183: {  	[tilespmem:s0+$0xE040] =	vst v3;
	v3 =	vadd.f32 v5, v1;
	v5 =	vld [tilespmem:s0+$0x8050]  }
0x184: {  	v7 =	vadd.f32 v8, v1;
	v8 =	vld [tilespmem:s0+$0xA050]  }
0x185: {  	[tilespmem:s0+$0x80C0] =	vst v3;
	v3 =	vadd.f32 v6, v1;
	v6 =	vld [tilespmem:s0+$0xC050]  }
0x186: {  	[tilespmem:s0+$0xA0C0] =	vst v7;
	v1 =	vadd.f32 v4, v1;
	v4 =	vld [tilespmem:s0+$0xE050]  }
0x187: {  	[tilespmem:s0+$0xC0C0] =	vst v3;
	v3 =	vld [tilespmem:s0+$0x1A0D0]  }
0x188: {  	[tilespmem:s0+$0xE0C0] =	vst v1;
	v1 =	vadd.f32 v5, v2;
	v5 =	vld [tilespmem:s0+$0x80D0]  }
0x189: {  	v7 =	vadd.f32 v8, v2;
	v8 =	vld [tilespmem:s0+$0xA0D0]  }
0x18a: {  	[tilespmem:s0+$0x8050] =	vst v1;
	v1 =	vadd.f32 v6, v2;
	v6 =	vld [tilespmem:s0+$0xC0D0]  }
0x18b: {  	[tilespmem:s0+$0xA050] =	vst v7;
	v2 =	vadd.f32 v4, v2;
	v4 =	vld [tilespmem:s0+$0xE0D0]  }
0x18c: {  	[tilespmem:s0+$0xC050] =	vst v1;
	v1 =	vld [tilespmem:s0+$0x1A060]  }
0x18d: {  	[tilespmem:s0+$0xE050] =	vst v2;
	v2 =	vadd.f32 v5, v3;
	v5 =	vld [tilespmem:s0+$0x8060]  }
0x18e: {  	v7 =	vadd.f32 v8, v3;
	v8 =	vld [tilespmem:s0+$0xA060]  }
0x18f: {  	[tilespmem:s0+$0x80D0] =	vst v2;
	v2 =	vadd.f32 v6, v3;
	v6 =	vld [tilespmem:s0+$0xC060]  }
0x190: {  	[tilespmem:s0+$0xA0D0] =	vst v7;
	v3 =	vadd.f32 v4, v3;
	v4 =	vld [tilespmem:s0+$0xE060]  }
0x191: {  	[tilespmem:s0+$0xC0D0] =	vst v2;
	v2 =	vld [tilespmem:s0+$0x1A0E0]  }
0x192: {  	[tilespmem:s0+$0xE0D0] =	vst v3;
	v3 =	vadd.f32 v5, v1;
	v5 =	vld [tilespmem:s0+$0x80E0]  }
0x193: {  	v7 =	vadd.f32 v8, v1;
	v8 =	vld [tilespmem:s0+$0xA0E0]  }
0x194: {  	[tilespmem:s0+$0x8060] =	vst v3;
	v3 =	vadd.f32 v6, v1;
	v9 =	vld [tilespmem:s0+$0xC0E0]  }
0x195: {  	[tilespmem:s0+$0xA060] =	vst v7;
	v4 =	vadd.f32 v4, v1;
	v7 =	vld [tilespmem:s0+$0xE0E0]  }
0x196: {  	[tilespmem:s0+$0xC060] =	vst v3;
	v1 =	vld [tilespmem:s0+$0x1A070]  }
0x197: {  	[tilespmem:s0+$0xE060] =	vst v4;
	v3 =	vadd.f32 v5, v2;
	v5 =	vld [tilespmem:s0+$0x8070]  }
.Ltmp3:
0x198: {  	v4 =	vadd.f32 v8, v2;
	v6 =	vld [tilespmem:s0+$0xA070];
	(pc) =	sbr.rel @p0 .LBB2_4-.Ltmp3, $4  }
0x199: {  	[tilespmem:s0+$0x80E0] =	vst v3;
	v8 =	vadd.f32 v9, v2;
	v3 =	vld [tilespmem:s0+$0xC070]  }
0x19a: {  	[tilespmem:s0+$0xA0E0] =	vst v4;
	v7 =	vadd.f32 v7, v2;
	v4 =	vld [tilespmem:s0+$0xE070]  }
0x19b: {  	[tilespmem:s0+$0xC0E0] =	vst v8;
	v2 =	vld [tilespmem:s0+$0x80F0]  }
0x19c: {  	s19 =	sadd.s32 $0x400, s19;
	[tilespmem:s0+$0xE0E0] =	vst v7;
	v7 =	vadd.f32 v5, v1;
	v5 =	vld [tilespmem:s0+$0xA0F0]  }
0x19d: {  	v6 =	vadd.f32 v6, v1;
	v8 =	vld [tilespmem:s0+$0xC0F0]  }
0x19e: {  	[tilespmem:s0+$0x8070] =	vst v7;
	v3 =	vadd.f32 v3, v1  }
0x19f: {  	[tilespmem:s0+$0xA070] =	vst v6;
	v61 =	vadd.f32 v4, v1  }
0x1a0: {  	[tilespmem:s0+$0xC070] =	vst v3;
	v2 =	vadd.f32 v2, v0  }
0x1a1: {  	[tilespmem:s0+$0xE070] =	vst v61;
	v62 =	vadd.f32 v5, v0  }
0x1a2: {  	[tilespmem:s0+$0x80F0] =	vst v2;
	v63 =	vadd.f32 v8, v0  }
0x1a3: {  	[tilespmem:s0+$0xA0F0] =	vst v62  }
0x1a4: {  	[tilespmem:s0+$0xC0F0] =	vst v63  }
0x1a5: {  	s16 =	rddreg [dreg:$0xb]  }
0x1a6: {  	[hbm4b:s16+s25] =	stream.strided.scatter [tilespmem:s2], [sflag:$0x8], $0x2000, s26, s25, $0x38;
	[tilespmem:$0x1E000] =	vst v63  }
0x1a7: {  	s22 =	sadd.s32 $0x100000, s16  }
0x1a8: {  	[hbm4b:s22+s25] =	stream.strided.scatter [tilespmem:s7], [sflag:$0x8], $0x2000, s26, s25, $0x38;
	[tilespmem:$0x1E000] =	vst v63  }
0x1a9: {  	s28 =	sadd.s32 $0x200000, s16  }
0x1aa: {  	[hbm4b:s28+s25] =	stream.strided.scatter [tilespmem:s9], [sflag:$0x8], $0x2000, s26, s25, $0x38;
	[tilespmem:$0x1E000] =	vst v63  }
0x1ab: {  	s16 =	sadd.s32 $0x300000, s16  }
0x1ac: {  	[hbm4b:s16+s25] =	stream.strided.scatter [tilespmem:s12], [sflag:$0x8], $0x2000, s26, s25, $0x38;
	[tilespmem:$0x1E000] =	vst v63  }
0x1ad: {  	_ =	swait.ge [sflag:s8], $0x8000  }
0x1ae: {  	[sflag:s8] =	ssyncset.done $0x0  }
0x1af: {  	s20 =	simm.s32 $0x18000;
	s19 =	rddreg [dreg:$0xc];
	[sflag:s8] =	ssyncadd.s32 $0xFFFF8000  }
0x1b0: {  	[tilespmem:s20], [sflag:$0x4] =	stream.strided.gather [hbm4b:s19+s25], $0x2000, s26, s25, $0x38;
	[tilespmem:$0x1E000] =	vst v63  }
0x1b1: {  	s16 =	simm.s32 $0x0;
	s19 =	rddreg [dreg:$0xd]  }
0x1b2: {  	[tilespmem:s16], [sflag:$0x1] =	stream.strided.gather [hbm4b:s19+s25], $0x2000, s26, s25, $0x38;
	[tilespmem:$0x1E000] =	vst v63  }
0x1b3: {  	s21 =	sadd.s32 $0x100000, s19  }
0x1b4: {  	[tilespmem:s29], [sflag:$0x1] =	stream.strided.gather [hbm4b:s21+s25], $0x2000, s26, s25, $0x38;
	[tilespmem:$0x1E000] =	vst v63  }
0x1b5: {  	s22 =	sadd.s32 $0x200000, s19  }
0x1b6: {  	[tilespmem:s30], [sflag:$0x1] =	stream.strided.gather [hbm4b:s22+s25], $0x2000, s26, s25, $0x38;
	[tilespmem:$0x1E000] =	vst v63  }
0x1b7: {  	s28 =	sadd.s32 $0x300000, s19  }
0x1b8: {  	[tilespmem:s31], [sflag:$0x1] =	stream.strided.gather [hbm4b:s28+s25], $0x2000, s26, s25, $0x38;
	[tilespmem:$0x1E000] =	vst v63  }
.LBB2_6:
0x1b9: {  	_ =	swait.ge [sflag:s10], $0x2000  }
0x1ba: {  	[sflag:s10] =	ssyncset.done $0x0  }
0x1bb: {  	[sflag:s10] =	ssyncadd.s32 $0xFFFFE000  }
0x1bc: {  	_ =	swait.ge [sflag:s11], $0x8000  }
0x1bd: {  	[sflag:s11] =	ssyncset.done $0x0  }
0x1be: {  	s0 =	simm.s32 $0x0;
	[sflag:s11] =	ssyncadd.s32 $0xFFFF8000  }
0x1bf: {  	v0 =	vld [tilespmem:s0+$0x1C0F0]  }
0x1c0: {  	v1 =	vld [tilespmem:s0+$0x1C000]  }
0x1c1: {  	v2 =	vld [tilespmem:s0+$0x10000]  }
0x1c2: {  	v3 =	vld [tilespmem:s0+$0x12000]  }
0x1c3: {  	v4 =	vld [tilespmem:s0+$0x14000]  }
0x1c4: {  	v5 =	vld [tilespmem:s0+$0x16000]  }
0x1c5: {  	v6 =	vld [tilespmem:s0+$0x1C080]  }
0x1c6: {  	v7 =	vld [tilespmem:s0+$0x10080]  }
0x1c7: {  	v8 =	vld [tilespmem:s0+$0x12080]  }
0x1c8: {  	v9 =	vld [tilespmem:s0+$0x160F0]  }
0x1c9: {  	v10 =	vld [tilespmem:s0+$0x1C010]  }
0x1ca: {  	v11 =	vld [tilespmem:s0+$0x10010]  }
0x1cb: {  	v12 =	vld [tilespmem:s0+$0x12010]  }
0x1cc: {  	v13 =	vld [tilespmem:s0+$0x14010]  }
0x1cd: {  	v14 =	vld [tilespmem:s0+$0x16010]  }
0x1ce: {  	v15 =	vld [tilespmem:s0+$0x1C090]  }
0x1cf: {  	v16 =	vld [tilespmem:s0+$0x10090]  }
0x1d0: {  	v17 =	vld [tilespmem:s0+$0x16080]  }
0x1d1: {  	v38 =	vld [tilespmem:s0+$0x14090]  }
0x1d2: {  	v18 =	vld [tilespmem:s0+$0x1C020]  }
0x1d3: {  	v19 =	vld [tilespmem:s0+$0x10020]  }
0x1d4: {  	v20 =	vld [tilespmem:s0+$0x12020];
	v2 =	vadd.f32 v2, v1  }
0x1d5: {  	v21 =	vld [tilespmem:s0+$0x14020];
	v3 =	vadd.f32 v3, v1  }
0x1d6: {  	v22 =	vld [tilespmem:s0+$0x16020];
	v11 =	vadd.f32 v11, v10;
	[tilespmem:s0+$0x10000] =	vst v2  }
0x1d7: {  	v23 =	vld [tilespmem:s0+$0x1C0A0];
	v12 =	vadd.f32 v12, v10;
	[tilespmem:s0+$0x12000] =	vst v3  }
0x1d8: {  	v24 =	vld [tilespmem:s0+$0x100A0];
	v19 =	vadd.f32 v19, v18;
	[tilespmem:s0+$0x10010] =	vst v11  }
0x1d9: {  	v45 =	vld [tilespmem:s0+$0x1C040];
	v9 =	vadd.f32 v9, v0;
	[tilespmem:s0+$0x12010] =	vst v12  }
0x1da: {  	v46 =	vld [tilespmem:s0+$0x10040];
	v4 =	vadd.f32 v4, v1;
	[tilespmem:s0+$0x10020] =	vst v19  }
0x1db: {  	v49 =	vld [tilespmem:s0+$0x14040];
	v1 =	vadd.f32 v5, v1;
	[tilespmem:s0+$0x160F0] =	vst v9  }
0x1dc: {  	v39 =	vld [tilespmem:s0+$0x120A0];
	v43 =	vadd.f32 v16, v15;
	[tilespmem:s0+$0x14000] =	vst v4  }
0x1dd: {  	v40 =	vld [tilespmem:s0+$0x16090];
	v47 =	vadd.f32 v21, v18;
	[tilespmem:s0+$0x16000] =	vst v1  }
0x1de: {  	v41 =	vld [tilespmem:s0+$0x16030];
	v50 =	vadd.f32 v24, v23;
	[tilespmem:s0+$0x10090] =	vst v43  }
0x1df: {  	v42 =	vld [tilespmem:s0+$0x1C0B0];
	v52 =	vadd.f32 v46, v45;
	[tilespmem:s0+$0x14020] =	vst v47  }
0x1e0: {  	v58 =	vadd.f32 v49, v45;
	v2 =	vld [tilespmem:s0+$0x14080];
	[tilespmem:s0+$0x100A0] =	vst v50  }
0x1e1: {  	v44 =	vld [tilespmem:s0+$0x140B0];
	v4 =	vadd.f32 v7, v6;
	[tilespmem:s0+$0x10040] =	vst v52  }
0x1e2: {  	v54 =	vld [tilespmem:s0+$0x160B0];
	v1 =	vadd.f32 v8, v6;
	[tilespmem:s0+$0x14040] =	vst v58  }
0x1e3: {  	v7 =	vld [tilespmem:s0+$0x1C030];
	v11 =	vadd.f32 v38, v15;
	[tilespmem:s0+$0x10080] =	vst v4  }
0x1e4: {  	v8 =	vld [tilespmem:s0+$0x10030];
	v12 =	vadd.f32 v39, v23;
	[tilespmem:s0+$0x12080] =	vst v1  }
0x1e5: {  	v3 =	vld [tilespmem:s0+$0x12090];
	[tilespmem:s0+$0x14090] =	vst v11;
	v2 =	vadd.f32 v2, v6  }
0x1e6: {  	v48 =	vld [tilespmem:s0+$0x12040];
	v1 =	vadd.f32 v17, v6;
	[tilespmem:s0+$0x120A0] =	vst v12  }
0x1e7: {  	v51 =	vld [tilespmem:s0+$0x16040];
	[tilespmem:s0+$0x14080] =	vst v2;
	v2 =	vadd.f32 v13, v10  }
0x1e8: {  	v5 =	vld [tilespmem:s0+$0x140A0];
	v11 =	vadd.f32 v54, v42;
	[tilespmem:s0+$0x16080] =	vst v1  }
0x1e9: {  	v53 =	vld [tilespmem:s0+$0x100C0];
	[tilespmem:s0+$0x14010] =	vst v2;
	v2 =	vadd.f32 v8, v7  }
0x1ea: {  	[tilespmem:s0+$0x160B0] =	vst v11;
	v6 =	vld [tilespmem:s0+$0x14030];
	v3 =	vadd.f32 v3, v15  }
0x1eb: {  	v1 =	vadd.f32 v20, v18;
	[tilespmem:s0+$0x10030] =	vst v2;
	v2 =	vld [tilespmem:s0+$0x160A0]  }
0x1ec: {  	v4 =	vld [tilespmem:s0+$0x12030];
	[tilespmem:s0+$0x12090] =	vst v3;
	v3 =	vadd.f32 v40, v15  }
0x1ed: {  	v5 =	vadd.f32 v5, v23;
	[tilespmem:s0+$0x12020] =	vst v1;
	v1 =	vld [tilespmem:s0+$0x120B0]  }
0x1ee: {  	v8 =	vld [tilespmem:s0+$0x100B0];
	[tilespmem:s0+$0x16090] =	vst v3;
	v3 =	vadd.f32 v22, v18  }
0x1ef: {  	v55 =	vld [tilespmem:s0+$0x140C0];
	[tilespmem:s0+$0x140A0] =	vst v5;
	v5 =	vadd.f32 v6, v7  }
0x1f0: {  	v56 =	vld [tilespmem:s0+$0x16050];
	[tilespmem:s0+$0x16020] =	vst v3;
	v2 =	vadd.f32 v2, v23  }
0x1f1: {  	v6 =	vld [tilespmem:s0+$0x1C050];
	v3 =	vadd.f32 v4, v7;
	[tilespmem:s0+$0x14030] =	vst v5  }
0x1f2: {  	v1 =	vadd.f32 v1, v42;
	[tilespmem:s0+$0x160A0] =	vst v2;
	v2 =	vadd.f32 v41, v7;
	v7 =	vld [tilespmem:s0+$0x10050]  }
0x1f3: {  	v57 =	vld [tilespmem:s0+$0x1C0D0];
	[tilespmem:s0+$0x12030] =	vst v3;
	v5 =	vadd.f32 v8, v42  }
0x1f4: {  	v4 =	vld [tilespmem:s0+$0x1C0C0];
	[tilespmem:s0+$0x120B0] =	vst v1;
	v1 =	vadd.f32 v48, v45  }
0x1f5: {  	v3 =	vld [tilespmem:s0+$0x120C0];
	[tilespmem:s0+$0x100B0] =	vst v5;
	v5 =	vadd.f32 v44, v42  }
0x1f6: {  	v10 =	vadd.f32 v14, v10;
	v8 =	vld [tilespmem:s0+$0x12050];
	[tilespmem:s0+$0x12040] =	vst v1  }
0x1f7: {  	v1 =	vld [tilespmem:s0+$0x120D0];
	[tilespmem:s0+$0x140B0] =	vst v5;
	v5 =	vadd.f32 v7, v6  }
0x1f8: {  	v59 =	vld [tilespmem:s0+$0x140D0];
	v14 =	vadd.f32 v51, v45;
	[tilespmem:s0+$0x16010] =	vst v10  }
0x1f9: {  	[tilespmem:s0+$0x10050] =	vst v5;
	v5 =	vld [tilespmem:s0+$0x160C0]  }
0x1fa: {  	v60 =	vld [tilespmem:s0+$0x160D0];
	[tilespmem:s0+$0x16040] =	vst v14;
	v3 =	vadd.f32 v3, v4  }
0x1fb: {  	v61 =	vld [tilespmem:s0+$0x1C060];
	v8 =	vadd.f32 v8, v6;
	[tilespmem:s0+$0x16030] =	vst v2  }
0x1fc: {  	v2 =	vld [tilespmem:s0+$0x14050];
	[tilespmem:s0+$0x120C0] =	vst v3;
	v1 =	vadd.f32 v1, v57  }
0x1fd: {  	v62 =	vld [tilespmem:s0+$0x10060];
	[tilespmem:s0+$0x12050] =	vst v8;
	v8 =	vadd.f32 v53, v4  }
0x1fe: {  	[tilespmem:s0+$0x120D0] =	vst v1;
	v7 =	vld [tilespmem:s0+$0x100D0];
	v3 =	vadd.f32 v5, v4  }
0x1ff: {  	[tilespmem:s0+$0x100C0] =	vst v8;
	v8 =	vadd.f32 v55, v4;
	v4 =	vld [tilespmem:s0+$0x12060]  }
0x200: {  	v63 =	vld [tilespmem:s0+$0x140E0];
	[tilespmem:s0+$0x160C0] =	vst v3;
	v3 =	vadd.f32 v56, v6  }
0x201: {  	[tilespmem:s0+$0x140C0] =	vst v8;
	v2 =	vadd.f32 v2, v6;
	v8 =	vld [tilespmem:s0+$0x100E0]  }
0x202: {  	v5 =	vld [tilespmem:s0+$0x14060];
	[tilespmem:s0+$0x16050] =	vst v3;
	v3 =	vadd.f32 v62, v61  }
0x203: {  	[tilespmem:s0+$0x14050] =	vst v2;
	v2 =	vadd.f32 v7, v57;
	v7 =	vld [tilespmem:s0+$0x1C0E0]  }
0x204: {  	v6 =	vld [tilespmem:s0+$0x16060];
	[tilespmem:s0+$0x10060] =	vst v3;
	v3 =	vadd.f32 v4, v61  }
0x205: {  	[tilespmem:s0+$0x100D0] =	vst v2;
	v4 =	vadd.f32 v59, v57  }
0x206: {  	v1 =	vadd.f32 v60, v57;
	v2 =	vld [tilespmem:s0+$0x120E0];
	[tilespmem:s0+$0x12060] =	vst v3  }
0x207: {  	[tilespmem:s0+$0x140D0] =	vst v4;
	v3 =	vadd.f32 v5, v61;
	v4 =	vld [tilespmem:s0+$0x160E0]  }
0x208: {  	[tilespmem:s0+$0x160D0] =	vst v1;
	v1 =	vld [tilespmem:s0+$0x1C070];
	v9 =	vadd.f32 v63, v7  }
0x209: {  	v5 =	vadd.f32 v6, v61;
	[tilespmem:s0+$0x14060] =	vst v3;
	v3 =	vadd.f32 v8, v7;
	v8 =	vld [tilespmem:s0+$0x10070]  }
0x20a: {  	[tilespmem:s0+$0x140E0] =	vst v9;
	v6 =	vld [tilespmem:s0+$0x12070]  }
0x20b: {  	v2 =	vadd.f32 v2, v7;
	[tilespmem:s0+$0x16060] =	vst v5;
	v5 =	vld [tilespmem:s0+$0x14070]  }
0x20c: {  	[tilespmem:s0+$0x100E0] =	vst v3;
	v3 =	vld [tilespmem:s0+$0x16070];
	v4 =	vadd.f32 v4, v7  }
0x20d: {  	[tilespmem:s0+$0x120E0] =	vst v2;
	v2 =	vld [tilespmem:s0+$0x100F0]  }
0x20e: {  	s28 =	simm.s32 $0x0;
	s19 =	simm.s32 $0x400;
	[tilespmem:s0+$0x160E0] =	vst v4;
	v7 =	vadd.f32 v8, v1;
	v4 =	vld [tilespmem:s0+$0x120F0]  }
.LBB2_7:
0x20f: {  	s20 =	sshra.s32 s19, $0x2;
	v6 =	vadd.f32 v6, v1;
	v8 =	vld [tilespmem:s0+$0x140F0]  }
0x210: {  	s28 =	sadd.s32 $0x8, s28;
	v9 =	vld [tilespmem:s20+$0x1C0F0];
	[tilespmem:s0+$0x10070] =	vst v7;
	v5 =	vadd.f32 v5, v1  }
0x211: {  	p0 =	slt.u32 s28, $0xF8;
	v7 =	vld [tilespmem:s20+$0x160F0];
	[tilespmem:s0+$0x12070] =	vst v6;
	v1 =	vadd.f32 v3, v1  }
0x212: {  	v3 =	vld [tilespmem:s20+$0x1C000];
	[tilespmem:s0+$0x14070] =	vst v5;
	v2 =	vadd.f32 v2, v0  }
0x213: {  	v5 =	vld [tilespmem:s20+$0x10000];
	[tilespmem:s0+$0x16070] =	vst v1;
	v1 =	vadd.f32 v4, v0  }
0x214: {  	v4 =	vld [tilespmem:s20+$0x12000];
	[tilespmem:s0+$0x100F0] =	vst v2;
	v2 =	vadd.f32 v8, v0  }
0x215: {  	v6 =	vld [tilespmem:s20+$0x14000];
	[tilespmem:s0+$0x120F0] =	vst v1;
	v0 =	vmov v9  }
0x216: {  	v1 =	vld [tilespmem:s20+$0x16000];
	v7 =	vadd.f32 v7, v0;
	[tilespmem:s0+$0x140F0] =	vst v2;
	s0 =	smov.u32 s20  }
0x217: {  	v2 =	vld [tilespmem:s0+$0x1C080]  }
0x218: {  	v5 =	vadd.f32 v5, v3;
	v8 =	vld [tilespmem:s0+$0x10080];
	[tilespmem:s0+$0x160F0] =	vst v7  }
0x219: {  	v4 =	vadd.f32 v4, v3;
	v7 =	vld [tilespmem:s0+$0x12080]  }
0x21a: {  	[tilespmem:s0+$0x10000] =	vst v5;
	v5 =	vadd.f32 v6, v3;
	v6 =	vld [tilespmem:s0+$0x14080]  }
0x21b: {  	[tilespmem:s0+$0x12000] =	vst v4;
	v1 =	vadd.f32 v1, v3;
	v3 =	vld [tilespmem:s0+$0x16080]  }
0x21c: {  	[tilespmem:s0+$0x14000] =	vst v5;
	v4 =	vld [tilespmem:s0+$0x1C010]  }
0x21d: {  	[tilespmem:s0+$0x16000] =	vst v1;
	v1 =	vadd.f32 v8, v2;
	v5 =	vld [tilespmem:s0+$0x10010]  }
0x21e: {  	v7 =	vadd.f32 v7, v2;
	v8 =	vld [tilespmem:s0+$0x12010]  }
0x21f: {  	[tilespmem:s0+$0x10080] =	vst v1;
	v1 =	vadd.f32 v6, v2;
	v6 =	vld [tilespmem:s0+$0x14010]  }
0x220: {  	[tilespmem:s0+$0x12080] =	vst v7;
	v2 =	vadd.f32 v3, v2;
	v3 =	vld [tilespmem:s0+$0x16010]  }
0x221: {  	[tilespmem:s0+$0x14080] =	vst v1;
	v1 =	vld [tilespmem:s0+$0x1C090]  }
0x222: {  	[tilespmem:s0+$0x16080] =	vst v2;
	v2 =	vadd.f32 v5, v4;
	v5 =	vld [tilespmem:s0+$0x10090]  }
0x223: {  	v7 =	vadd.f32 v8, v4;
	v8 =	vld [tilespmem:s0+$0x12090]  }
0x224: {  	[tilespmem:s0+$0x10010] =	vst v2;
	v2 =	vadd.f32 v6, v4;
	v6 =	vld [tilespmem:s0+$0x14090]  }
0x225: {  	[tilespmem:s0+$0x12010] =	vst v7;
	v3 =	vadd.f32 v3, v4;
	v4 =	vld [tilespmem:s0+$0x16090]  }
0x226: {  	[tilespmem:s0+$0x14010] =	vst v2;
	v2 =	vld [tilespmem:s0+$0x1C020]  }
0x227: {  	[tilespmem:s0+$0x16010] =	vst v3;
	v3 =	vadd.f32 v5, v1;
	v5 =	vld [tilespmem:s0+$0x10020]  }
0x228: {  	v7 =	vadd.f32 v8, v1;
	v8 =	vld [tilespmem:s0+$0x12020]  }
0x229: {  	[tilespmem:s0+$0x10090] =	vst v3;
	v3 =	vadd.f32 v6, v1;
	v6 =	vld [tilespmem:s0+$0x14020]  }
0x22a: {  	[tilespmem:s0+$0x12090] =	vst v7;
	v1 =	vadd.f32 v4, v1;
	v4 =	vld [tilespmem:s0+$0x16020]  }
0x22b: {  	[tilespmem:s0+$0x14090] =	vst v3;
	v3 =	vld [tilespmem:s0+$0x1C0A0]  }
0x22c: {  	[tilespmem:s0+$0x16090] =	vst v1;
	v1 =	vadd.f32 v5, v2;
	v5 =	vld [tilespmem:s0+$0x100A0]  }
0x22d: {  	v7 =	vadd.f32 v8, v2;
	v8 =	vld [tilespmem:s0+$0x120A0]  }
0x22e: {  	[tilespmem:s0+$0x10020] =	vst v1;
	v1 =	vadd.f32 v6, v2;
	v6 =	vld [tilespmem:s0+$0x140A0]  }
0x22f: {  	[tilespmem:s0+$0x12020] =	vst v7;
	v2 =	vadd.f32 v4, v2;
	v4 =	vld [tilespmem:s0+$0x160A0]  }
0x230: {  	[tilespmem:s0+$0x14020] =	vst v1;
	v1 =	vld [tilespmem:s0+$0x1C030]  }
0x231: {  	[tilespmem:s0+$0x16020] =	vst v2;
	v2 =	vadd.f32 v5, v3;
	v5 =	vld [tilespmem:s0+$0x10030]  }
0x232: {  	v7 =	vadd.f32 v8, v3;
	v8 =	vld [tilespmem:s0+$0x12030]  }
0x233: {  	[tilespmem:s0+$0x100A0] =	vst v2;
	v2 =	vadd.f32 v6, v3;
	v6 =	vld [tilespmem:s0+$0x14030]  }
0x234: {  	[tilespmem:s0+$0x120A0] =	vst v7;
	v3 =	vadd.f32 v4, v3;
	v4 =	vld [tilespmem:s0+$0x16030]  }
0x235: {  	[tilespmem:s0+$0x140A0] =	vst v2;
	v2 =	vld [tilespmem:s0+$0x1C0B0]  }
0x236: {  	[tilespmem:s0+$0x160A0] =	vst v3;
	v3 =	vadd.f32 v5, v1;
	v5 =	vld [tilespmem:s0+$0x100B0]  }
0x237: {  	v7 =	vadd.f32 v8, v1;
	v8 =	vld [tilespmem:s0+$0x120B0]  }
0x238: {  	[tilespmem:s0+$0x10030] =	vst v3;
	v3 =	vadd.f32 v6, v1;
	v6 =	vld [tilespmem:s0+$0x140B0]  }
0x239: {  	[tilespmem:s0+$0x12030] =	vst v7;
	v1 =	vadd.f32 v4, v1;
	v4 =	vld [tilespmem:s0+$0x160B0]  }
0x23a: {  	[tilespmem:s0+$0x14030] =	vst v3;
	v3 =	vld [tilespmem:s0+$0x1C040]  }
0x23b: {  	[tilespmem:s0+$0x16030] =	vst v1;
	v1 =	vadd.f32 v5, v2;
	v5 =	vld [tilespmem:s0+$0x10040]  }
0x23c: {  	v7 =	vadd.f32 v8, v2;
	v8 =	vld [tilespmem:s0+$0x12040]  }
0x23d: {  	[tilespmem:s0+$0x100B0] =	vst v1;
	v1 =	vadd.f32 v6, v2;
	v6 =	vld [tilespmem:s0+$0x14040]  }
0x23e: {  	[tilespmem:s0+$0x120B0] =	vst v7;
	v2 =	vadd.f32 v4, v2;
	v4 =	vld [tilespmem:s0+$0x16040]  }
0x23f: {  	[tilespmem:s0+$0x140B0] =	vst v1;
	v1 =	vld [tilespmem:s0+$0x1C0C0]  }
0x240: {  	[tilespmem:s0+$0x160B0] =	vst v2;
	v2 =	vadd.f32 v5, v3;
	v5 =	vld [tilespmem:s0+$0x100C0]  }
0x241: {  	v7 =	vadd.f32 v8, v3;
	v8 =	vld [tilespmem:s0+$0x120C0]  }
0x242: {  	[tilespmem:s0+$0x10040] =	vst v2;
	v2 =	vadd.f32 v6, v3;
	v6 =	vld [tilespmem:s0+$0x140C0]  }
0x243: {  	[tilespmem:s0+$0x12040] =	vst v7;
	v3 =	vadd.f32 v4, v3;
	v4 =	vld [tilespmem:s0+$0x160C0]  }
0x244: {  	[tilespmem:s0+$0x14040] =	vst v2;
	v2 =	vld [tilespmem:s0+$0x1C050]  }
0x245: {  	[tilespmem:s0+$0x16040] =	vst v3;
	v3 =	vadd.f32 v5, v1;
	v5 =	vld [tilespmem:s0+$0x10050]  }
0x246: {  	v7 =	vadd.f32 v8, v1;
	v8 =	vld [tilespmem:s0+$0x12050]  }
0x247: {  	[tilespmem:s0+$0x100C0] =	vst v3;
	v3 =	vadd.f32 v6, v1;
	v6 =	vld [tilespmem:s0+$0x14050]  }
0x248: {  	[tilespmem:s0+$0x120C0] =	vst v7;
	v1 =	vadd.f32 v4, v1;
	v4 =	vld [tilespmem:s0+$0x16050]  }
0x249: {  	[tilespmem:s0+$0x140C0] =	vst v3;
	v3 =	vld [tilespmem:s0+$0x1C0D0]  }
0x24a: {  	[tilespmem:s0+$0x160C0] =	vst v1;
	v1 =	vadd.f32 v5, v2;
	v5 =	vld [tilespmem:s0+$0x100D0]  }
0x24b: {  	v7 =	vadd.f32 v8, v2;
	v8 =	vld [tilespmem:s0+$0x120D0]  }
0x24c: {  	[tilespmem:s0+$0x10050] =	vst v1;
	v1 =	vadd.f32 v6, v2;
	v6 =	vld [tilespmem:s0+$0x140D0]  }
0x24d: {  	[tilespmem:s0+$0x12050] =	vst v7;
	v2 =	vadd.f32 v4, v2;
	v4 =	vld [tilespmem:s0+$0x160D0]  }
0x24e: {  	[tilespmem:s0+$0x14050] =	vst v1;
	v1 =	vld [tilespmem:s0+$0x1C060]  }
0x24f: {  	[tilespmem:s0+$0x16050] =	vst v2;
	v2 =	vadd.f32 v5, v3;
	v5 =	vld [tilespmem:s0+$0x10060]  }
0x250: {  	v7 =	vadd.f32 v8, v3;
	v8 =	vld [tilespmem:s0+$0x12060]  }
0x251: {  	[tilespmem:s0+$0x100D0] =	vst v2;
	v2 =	vadd.f32 v6, v3;
	v6 =	vld [tilespmem:s0+$0x14060]  }
0x252: {  	[tilespmem:s0+$0x120D0] =	vst v7;
	v3 =	vadd.f32 v4, v3;
	v4 =	vld [tilespmem:s0+$0x16060]  }
0x253: {  	[tilespmem:s0+$0x140D0] =	vst v2;
	v2 =	vld [tilespmem:s0+$0x1C0E0]  }
0x254: {  	[tilespmem:s0+$0x160D0] =	vst v3;
	v3 =	vadd.f32 v5, v1;
	v5 =	vld [tilespmem:s0+$0x100E0]  }
0x255: {  	v7 =	vadd.f32 v8, v1;
	v8 =	vld [tilespmem:s0+$0x120E0]  }
0x256: {  	[tilespmem:s0+$0x10060] =	vst v3;
	v3 =	vadd.f32 v6, v1;
	v9 =	vld [tilespmem:s0+$0x140E0]  }
0x257: {  	[tilespmem:s0+$0x12060] =	vst v7;
	v4 =	vadd.f32 v4, v1;
	v7 =	vld [tilespmem:s0+$0x160E0]  }
0x258: {  	[tilespmem:s0+$0x14060] =	vst v3;
	v1 =	vld [tilespmem:s0+$0x1C070]  }
0x259: {  	[tilespmem:s0+$0x16060] =	vst v4;
	v3 =	vadd.f32 v5, v2;
	v4 =	vld [tilespmem:s0+$0x10070]  }
.Ltmp4:
0x25a: {  	v8 =	vadd.f32 v8, v2;
	v6 =	vld [tilespmem:s0+$0x12070];
	(pc) =	sbr.rel @p0 .LBB2_7-.Ltmp4, $4  }
0x25b: {  	[tilespmem:s0+$0x100E0] =	vst v3;
	v9 =	vadd.f32 v9, v2;
	v5 =	vld [tilespmem:s0+$0x14070]  }
0x25c: {  	[tilespmem:s0+$0x120E0] =	vst v8;
	v7 =	vadd.f32 v7, v2;
	v3 =	vld [tilespmem:s0+$0x16070]  }
0x25d: {  	[tilespmem:s0+$0x140E0] =	vst v9;
	v2 =	vld [tilespmem:s0+$0x100F0]  }
0x25e: {  	s19 =	sadd.s32 $0x400, s19;
	[tilespmem:s0+$0x160E0] =	vst v7;
	v7 =	vadd.f32 v4, v1;
	v4 =	vld [tilespmem:s0+$0x120F0]  }
0x25f: {  	v6 =	vadd.f32 v6, v1;
	v8 =	vld [tilespmem:s0+$0x140F0]  }
0x260: {  	s28 =	smul.u32 $0x6, s16;
	[tilespmem:s0+$0x10070] =	vst v7;
	v5 =	vadd.f32 v5, v1  }
0x261: {  	[tilespmem:s0+$0x12070] =	vst v6;
	v1 =	vadd.f32 v3, v1  }
0x262: {  	s19 =	sadd.s32 $0x4, s28;
	[tilespmem:s0+$0x14070] =	vst v5;
	v2 =	vadd.f32 v2, v0  }
0x263: {  	s20 =	sadd.s32 s6, s19;
	s19 =	sshll.u32 s19, $0x4;
	[tilespmem:s0+$0x16070] =	vst v1;
	v1 =	vadd.f32 v4, v0  }
0x264: {  	s21 =	sshll.u32 s20, $0x9;
	s19 =	sand.u32 $0x60, s19;
	[tilespmem:s0+$0x100F0] =	vst v2;
	v0 =	vadd.f32 v8, v0  }
0x265: {  	s21 =	sand.u32 $0x1FF000, s21;
	s19 =	sadd.s32 s4, s19;
	[tilespmem:s0+$0x120F0] =	vst v1  }
0x266: {  	s22 =	simm.s32 $0x10000;
	[tilespmem:s0+$0x140F0] =	vst v0;
	s0 =	sadd.s32 s21, s19  }
0x267: {  	[hbm4b:s0+s25] =	stream.strided.scatter [tilespmem:s22], [sflag:$0x9], $0x2000, s26, s25, $0x38;
	[tilespmem:$0x1E000] =	vst v63  }
0x268: {  	s21 =	sadd.s32 $0x100000, s0;
	s22 =	simm.s32 $0x12000  }
0x269: {  	[hbm4b:s21+s25] =	stream.strided.scatter [tilespmem:s22], [sflag:$0x9], $0x2000, s26, s25, $0x38;
	[tilespmem:$0x1E000] =	vst v63  }
0x26a: {  	s21 =	sadd.s32 $0x200000, s0;
	s22 =	simm.s32 $0x14000  }
0x26b: {  	[hbm4b:s21+s25] =	stream.strided.scatter [tilespmem:s22], [sflag:$0x9], $0x2000, s26, s25, $0x38;
	[tilespmem:$0x1E000] =	vst v63  }
0x26c: {  	s20 =	sadd.s32 $0x4, s20;
	s0 =	sadd.s32 $0x300000, s0;
	s22 =	simm.s32 $0x16000  }
0x26d: {  	[hbm4b:s0+s25] =	stream.strided.scatter [tilespmem:s22], [sflag:$0x9], $0x2000, s26, s25, $0x38;
	[tilespmem:$0x1E000] =	vst v63  }
0x26e: {  	s21 =	sshll.u32 s20, $0x9;
	s0 =	sshll.u32 s20, $0x4  }
0x26f: {  	s19 =	sand.u32 $0xFFFF000, s21;
	_ =	swait.ge [sflag:s13], $0x8000;
	s0 =	sand.u32 $0x60, s0  }
0x270: {  	[sflag:s13] =	ssyncset.done $0x0;
	s0 =	sor.u32 s0, s19  }
0x271: {  	s22 =	simm.s32 $0x1A000;
	[sflag:s13] =	ssyncadd.s32 $0xFFFF8000;
	s19 =	sadd.s32 s3, s0  }
0x272: {  	[tilespmem:s22], [sflag:$0x5] =	stream.strided.gather [hbm4b:s19+s25], $0x2000, s26, s25, $0x38;
	[tilespmem:$0x1E000] =	vst v63  }
0x273: {  	s0 =	sadd.s32 s1, s0  }
0x274: {  	[tilespmem:s2], [sflag:$0x2] =	stream.strided.gather [hbm4b:s0+s25], $0x2000, s26, s25, $0x38;
	[tilespmem:$0x1E000] =	vst v63  }
0x275: {  	s21 =	sadd.s32 $0x100000, s0  }
0x276: {  	[tilespmem:s7], [sflag:$0x2] =	stream.strided.gather [hbm4b:s21+s25], $0x2000, s26, s25, $0x38;
	[tilespmem:$0x1E000] =	vst v63  }
0x277: {  	s22 =	sadd.s32 $0x200000, s0  }
0x278: {  	[tilespmem:s9], [sflag:$0x2] =	stream.strided.gather [hbm4b:s22+s25], $0x2000, s26, s25, $0x38;
	[tilespmem:$0x1E000] =	vst v63  }
0x279: {  	s0 =	sadd.s32 $0x300000, s0  }
0x27a: {  	[tilespmem:s12], [sflag:$0x2] =	stream.strided.gather [hbm4b:s0+s25], $0x2000, s26, s25, $0x38;
	[tilespmem:$0x1E000] =	vst v63  }
0x27b: {  	_ =	swait.ge [sflag:s15], $0x2000  }
0x27c: {  	[sflag:s15] =	ssyncset.done $0x0  }
0x27d: {  	[sflag:s15] =	ssyncadd.s32 $0xFFFFE000  }
0x27e: {  	_ =	swait.ge [sflag:s18], $0x8000  }
0x27f: {  	[sflag:s18] =	ssyncset.done $0x0  }
0x280: {  	s0 =	simm.s32 $0x0;
	[sflag:s18] =	ssyncadd.s32 $0xFFFF8000  }
0x281: {  	v0 =	vld [tilespmem:s0+$0x180F0]  }
0x282: {  	v1 =	vld [tilespmem:s0+$0x18000]  }
0x283: {  	v2 =	vld [tilespmem:s0+$0x0]  }
0x284: {  	v3 =	vld [tilespmem:s0+$0x2000]  }
0x285: {  	v4 =	vld [tilespmem:s0+$0x4000]  }
0x286: {  	v5 =	vld [tilespmem:s0+$0x6000]  }
0x287: {  	v6 =	vld [tilespmem:s0+$0x18080]  }
0x288: {  	v7 =	vld [tilespmem:s0+$0x80]  }
0x289: {  	v8 =	vld [tilespmem:s0+$0x2080]  }
0x28a: {  	v9 =	vld [tilespmem:s0+$0x60F0]  }
0x28b: {  	v10 =	vld [tilespmem:s0+$0x18010]  }
0x28c: {  	v11 =	vld [tilespmem:s0+$0x10]  }
0x28d: {  	v12 =	vld [tilespmem:s0+$0x2010]  }
0x28e: {  	v13 =	vld [tilespmem:s0+$0x4010]  }
0x28f: {  	v14 =	vld [tilespmem:s0+$0x6010]  }
0x290: {  	v15 =	vld [tilespmem:s0+$0x18090]  }
0x291: {  	v16 =	vld [tilespmem:s0+$0x90]  }
0x292: {  	v17 =	vld [tilespmem:s0+$0x6080]  }
0x293: {  	v18 =	vld [tilespmem:s0+$0x18020]  }
0x294: {  	v19 =	vld [tilespmem:s0+$0x20]  }
0x295: {  	v38 =	vld [tilespmem:s0+$0x4090];
	v2 =	vadd.f32 v2, v1  }
0x296: {  	v20 =	vld [tilespmem:s0+$0x2020];
	v3 =	vadd.f32 v3, v1  }
0x297: {  	v21 =	vld [tilespmem:s0+$0x4020];
	v11 =	vadd.f32 v11, v10;
	[tilespmem:s0+$0x0] =	vst v2  }
0x298: {  	v23 =	vld [tilespmem:s0+$0x180A0];
	v12 =	vadd.f32 v12, v10;
	[tilespmem:s0+$0x2000] =	vst v3  }
0x299: {  	v24 =	vld [tilespmem:s0+$0xA0];
	v19 =	vadd.f32 v19, v18;
	[tilespmem:s0+$0x10] =	vst v11  }
0x29a: {  	v45 =	vld [tilespmem:s0+$0x18040];
	v9 =	vadd.f32 v9, v0;
	[tilespmem:s0+$0x2010] =	vst v12  }
0x29b: {  	v46 =	vld [tilespmem:s0+$0x40];
	v4 =	vadd.f32 v4, v1;
	[tilespmem:s0+$0x20] =	vst v19  }
0x29c: {  	v49 =	vld [tilespmem:s0+$0x4040];
	v1 =	vadd.f32 v5, v1;
	[tilespmem:s0+$0x60F0] =	vst v9  }
0x29d: {  	v22 =	vld [tilespmem:s0+$0x6020];
	v43 =	vadd.f32 v16, v15;
	[tilespmem:s0+$0x4000] =	vst v4  }
0x29e: {  	v39 =	vld [tilespmem:s0+$0x20A0];
	v47 =	vadd.f32 v21, v18;
	[tilespmem:s0+$0x6000] =	vst v1  }
0x29f: {  	v40 =	vld [tilespmem:s0+$0x6090];
	v50 =	vadd.f32 v24, v23;
	[tilespmem:s0+$0x90] =	vst v43  }
0x2a0: {  	v41 =	vld [tilespmem:s0+$0x6030];
	v52 =	vadd.f32 v46, v45;
	[tilespmem:s0+$0x4020] =	vst v47  }
0x2a1: {  	v58 =	vadd.f32 v49, v45;
	v2 =	vld [tilespmem:s0+$0x4080];
	[tilespmem:s0+$0xA0] =	vst v50  }
0x2a2: {  	v42 =	vld [tilespmem:s0+$0x180B0];
	v4 =	vadd.f32 v7, v6;
	[tilespmem:s0+$0x40] =	vst v52  }
0x2a3: {  	v54 =	vld [tilespmem:s0+$0x60B0];
	v1 =	vadd.f32 v8, v6;
	[tilespmem:s0+$0x4040] =	vst v58  }
0x2a4: {  	v7 =	vld [tilespmem:s0+$0x18030];
	v11 =	vadd.f32 v38, v15;
	[tilespmem:s0+$0x80] =	vst v4  }
0x2a5: {  	v8 =	vld [tilespmem:s0+$0x30];
	v12 =	vadd.f32 v39, v23;
	[tilespmem:s0+$0x2080] =	vst v1  }
0x2a6: {  	v3 =	vld [tilespmem:s0+$0x2090];
	[tilespmem:s0+$0x4090] =	vst v11;
	v2 =	vadd.f32 v2, v6  }
0x2a7: {  	v44 =	vld [tilespmem:s0+$0x40B0];
	v1 =	vadd.f32 v17, v6;
	[tilespmem:s0+$0x20A0] =	vst v12  }
0x2a8: {  	v48 =	vld [tilespmem:s0+$0x2040];
	[tilespmem:s0+$0x4080] =	vst v2;
	v2 =	vadd.f32 v13, v10  }
0x2a9: {  	v5 =	vld [tilespmem:s0+$0x40A0];
	v11 =	vadd.f32 v54, v42;
	[tilespmem:s0+$0x6080] =	vst v1  }
0x2aa: {  	v51 =	vld [tilespmem:s0+$0x6040];
	[tilespmem:s0+$0x4010] =	vst v2;
	v2 =	vadd.f32 v8, v7  }
0x2ab: {  	[tilespmem:s0+$0x60B0] =	vst v11;
	v6 =	vld [tilespmem:s0+$0x4030];
	v3 =	vadd.f32 v3, v15  }
0x2ac: {  	v1 =	vadd.f32 v20, v18;
	[tilespmem:s0+$0x30] =	vst v2;
	v2 =	vld [tilespmem:s0+$0x60A0]  }
0x2ad: {  	v4 =	vld [tilespmem:s0+$0x2030];
	[tilespmem:s0+$0x2090] =	vst v3;
	v3 =	vadd.f32 v40, v15  }
0x2ae: {  	v5 =	vadd.f32 v5, v23;
	[tilespmem:s0+$0x2020] =	vst v1;
	v1 =	vld [tilespmem:s0+$0x20B0]  }
0x2af: {  	v8 =	vld [tilespmem:s0+$0xB0];
	[tilespmem:s0+$0x6090] =	vst v3;
	v3 =	vadd.f32 v22, v18  }
0x2b0: {  	v53 =	vld [tilespmem:s0+$0xC0];
	[tilespmem:s0+$0x40A0] =	vst v5;
	v5 =	vadd.f32 v6, v7  }
0x2b1: {  	v55 =	vld [tilespmem:s0+$0x40C0];
	[tilespmem:s0+$0x6020] =	vst v3;
	v2 =	vadd.f32 v2, v23  }
0x2b2: {  	v6 =	vld [tilespmem:s0+$0x18050];
	v3 =	vadd.f32 v4, v7;
	[tilespmem:s0+$0x4030] =	vst v5  }
0x2b3: {  	v1 =	vadd.f32 v1, v42;
	[tilespmem:s0+$0x60A0] =	vst v2;
	v2 =	vadd.f32 v41, v7;
	v7 =	vld [tilespmem:s0+$0x50]  }
0x2b4: {  	v57 =	vld [tilespmem:s0+$0x180D0];
	[tilespmem:s0+$0x2030] =	vst v3;
	v5 =	vadd.f32 v8, v42  }
0x2b5: {  	v4 =	vld [tilespmem:s0+$0x180C0];
	[tilespmem:s0+$0x20B0] =	vst v1;
	v1 =	vadd.f32 v48, v45  }
0x2b6: {  	v3 =	vld [tilespmem:s0+$0x20C0];
	[tilespmem:s0+$0xB0] =	vst v5;
	v5 =	vadd.f32 v44, v42  }
0x2b7: {  	v10 =	vadd.f32 v14, v10;
	v8 =	vld [tilespmem:s0+$0x2050];
	[tilespmem:s0+$0x2040] =	vst v1  }
0x2b8: {  	v1 =	vld [tilespmem:s0+$0x20D0];
	[tilespmem:s0+$0x40B0] =	vst v5;
	v5 =	vadd.f32 v7, v6  }
0x2b9: {  	v56 =	vld [tilespmem:s0+$0x6050];
	v14 =	vadd.f32 v51, v45;
	[tilespmem:s0+$0x6010] =	vst v10  }
0x2ba: {  	[tilespmem:s0+$0x50] =	vst v5;
	v5 =	vld [tilespmem:s0+$0x60C0]  }
0x2bb: {  	v59 =	vld [tilespmem:s0+$0x40D0];
	[tilespmem:s0+$0x6040] =	vst v14;
	v3 =	vadd.f32 v3, v4  }
0x2bc: {  	v61 =	vld [tilespmem:s0+$0x18060];
	v8 =	vadd.f32 v8, v6;
	[tilespmem:s0+$0x6030] =	vst v2  }
0x2bd: {  	v2 =	vld [tilespmem:s0+$0x4050];
	[tilespmem:s0+$0x20C0] =	vst v3;
	v1 =	vadd.f32 v1, v57  }
0x2be: {  	v62 =	vld [tilespmem:s0+$0x60];
	[tilespmem:s0+$0x2050] =	vst v8;
	v8 =	vadd.f32 v53, v4  }
0x2bf: {  	[tilespmem:s0+$0x20D0] =	vst v1;
	v7 =	vld [tilespmem:s0+$0xD0];
	v3 =	vadd.f32 v5, v4  }
0x2c0: {  	[tilespmem:s0+$0xC0] =	vst v8;
	v8 =	vadd.f32 v55, v4;
	v4 =	vld [tilespmem:s0+$0x2060]  }
0x2c1: {  	v60 =	vld [tilespmem:s0+$0x60D0];
	[tilespmem:s0+$0x60C0] =	vst v3;
	v3 =	vadd.f32 v56, v6  }
0x2c2: {  	[tilespmem:s0+$0x40C0] =	vst v8;
	v2 =	vadd.f32 v2, v6;
	v8 =	vld [tilespmem:s0+$0xE0]  }
0x2c3: {  	v5 =	vld [tilespmem:s0+$0x4060];
	[tilespmem:s0+$0x6050] =	vst v3;
	v3 =	vadd.f32 v62, v61  }
0x2c4: {  	[tilespmem:s0+$0x4050] =	vst v2;
	v2 =	vadd.f32 v7, v57;
	v6 =	vld [tilespmem:s0+$0x6060]  }
0x2c5: {  	v7 =	vld [tilespmem:s0+$0x180E0];
	[tilespmem:s0+$0x60] =	vst v3;
	v3 =	vadd.f32 v4, v61  }
0x2c6: {  	[tilespmem:s0+$0xD0] =	vst v2;
	v2 =	vld [tilespmem:s0+$0x20E0];
	v4 =	vadd.f32 v59, v57  }
0x2c7: {  	v63 =	vld [tilespmem:s0+$0x40E0];
	v1 =	vadd.f32 v60, v57;
	[tilespmem:s0+$0x2060] =	vst v3  }
0x2c8: {  	[tilespmem:s0+$0x40D0] =	vst v4;
	v3 =	vadd.f32 v5, v61;
	v4 =	vld [tilespmem:s0+$0x60E0]  }
0x2c9: {  	[tilespmem:s0+$0x60D0] =	vst v1;
	v1 =	vld [tilespmem:s0+$0x18070];
	v5 =	vadd.f32 v6, v61  }
0x2ca: {  	[tilespmem:s0+$0x4060] =	vst v3;
	v3 =	vadd.f32 v8, v7;
	v8 =	vld [tilespmem:s0+$0x70]  }
0x2cb: {  	v2 =	vadd.f32 v2, v7;
	v6 =	vld [tilespmem:s0+$0x2070];
	[tilespmem:s0+$0x6060] =	vst v5  }
0x2cc: {  	v5 =	vadd.f32 v63, v7;
	[tilespmem:s0+$0xE0] =	vst v3;
	v3 =	vld [tilespmem:s0+$0x4070]  }
0x2cd: {  	[tilespmem:s0+$0x20E0] =	vst v2;
	v7 =	vadd.f32 v4, v7;
	v4 =	vld [tilespmem:s0+$0x6070]  }
0x2ce: {  	v2 =	vld [tilespmem:s0+$0xF0];
	[tilespmem:s0+$0x40E0] =	vst v5  }
0x2cf: {  	s20 =	simm.s32 $0x400;
	s19 =	simm.s32 $0x0;
	v5 =	vld [tilespmem:s0+$0x20F0];
	[tilespmem:s0+$0x60E0] =	vst v7;
	v7 =	vadd.f32 v8, v1  }
.LBB2_9:
0x2d0: {  	s21 =	sshra.s32 s20, $0x2;
	v6 =	vadd.f32 v6, v1;
	v8 =	vld [tilespmem:s0+$0x40F0]  }
0x2d1: {  	s19 =	sadd.s32 $0x8, s19;
	v9 =	vld [tilespmem:s21+$0x180F0];
	[tilespmem:s0+$0x70] =	vst v7;
	v3 =	vadd.f32 v3, v1  }
0x2d2: {  	p0 =	slt.u32 s19, $0xF8;
	v7 =	vld [tilespmem:s21+$0x60F0];
	[tilespmem:s0+$0x2070] =	vst v6;
	v1 =	vadd.f32 v4, v1  }
0x2d3: {  	v4 =	vld [tilespmem:s21+$0x18000];
	[tilespmem:s0+$0x4070] =	vst v3;
	v2 =	vadd.f32 v2, v0  }
0x2d4: {  	v3 =	vld [tilespmem:s21+$0x0];
	[tilespmem:s0+$0x6070] =	vst v1;
	v1 =	vadd.f32 v5, v0  }
0x2d5: {  	v5 =	vld [tilespmem:s21+$0x2000];
	[tilespmem:s0+$0xF0] =	vst v2;
	v2 =	vadd.f32 v8, v0  }
0x2d6: {  	v6 =	vld [tilespmem:s21+$0x4000];
	[tilespmem:s0+$0x20F0] =	vst v1;
	v0 =	vmov v9  }
0x2d7: {  	v1 =	vld [tilespmem:s21+$0x6000];
	v7 =	vadd.f32 v7, v0;
	[tilespmem:s0+$0x40F0] =	vst v2;
	s0 =	smov.u32 s21  }
0x2d8: {  	v2 =	vld [tilespmem:s0+$0x18080]  }
0x2d9: {  	v3 =	vadd.f32 v3, v4;
	v8 =	vld [tilespmem:s0+$0x80];
	[tilespmem:s0+$0x60F0] =	vst v7  }
0x2da: {  	v5 =	vadd.f32 v5, v4;
	v7 =	vld [tilespmem:s0+$0x2080]  }
0x2db: {  	[tilespmem:s0+$0x0] =	vst v3;
	v3 =	vadd.f32 v6, v4;
	v6 =	vld [tilespmem:s0+$0x4080]  }
0x2dc: {  	[tilespmem:s0+$0x2000] =	vst v5;
	v1 =	vadd.f32 v1, v4;
	v4 =	vld [tilespmem:s0+$0x6080]  }
0x2dd: {  	[tilespmem:s0+$0x4000] =	vst v3;
	v3 =	vld [tilespmem:s0+$0x18010]  }
0x2de: {  	[tilespmem:s0+$0x6000] =	vst v1;
	v1 =	vadd.f32 v8, v2;
	v5 =	vld [tilespmem:s0+$0x10]  }
0x2df: {  	v7 =	vadd.f32 v7, v2;
	v8 =	vld [tilespmem:s0+$0x2010]  }
0x2e0: {  	[tilespmem:s0+$0x80] =	vst v1;
	v1 =	vadd.f32 v6, v2;
	v6 =	vld [tilespmem:s0+$0x4010]  }
0x2e1: {  	[tilespmem:s0+$0x2080] =	vst v7;
	v2 =	vadd.f32 v4, v2;
	v4 =	vld [tilespmem:s0+$0x6010]  }
0x2e2: {  	[tilespmem:s0+$0x4080] =	vst v1;
	v1 =	vld [tilespmem:s0+$0x18090]  }
0x2e3: {  	[tilespmem:s0+$0x6080] =	vst v2;
	v2 =	vadd.f32 v5, v3;
	v5 =	vld [tilespmem:s0+$0x90]  }
0x2e4: {  	v7 =	vadd.f32 v8, v3;
	v8 =	vld [tilespmem:s0+$0x2090]  }
0x2e5: {  	[tilespmem:s0+$0x10] =	vst v2;
	v2 =	vadd.f32 v6, v3;
	v6 =	vld [tilespmem:s0+$0x4090]  }
0x2e6: {  	[tilespmem:s0+$0x2010] =	vst v7;
	v3 =	vadd.f32 v4, v3;
	v4 =	vld [tilespmem:s0+$0x6090]  }
0x2e7: {  	[tilespmem:s0+$0x4010] =	vst v2;
	v2 =	vld [tilespmem:s0+$0x18020]  }
0x2e8: {  	[tilespmem:s0+$0x6010] =	vst v3;
	v3 =	vadd.f32 v5, v1;
	v5 =	vld [tilespmem:s0+$0x20]  }
0x2e9: {  	v7 =	vadd.f32 v8, v1;
	v8 =	vld [tilespmem:s0+$0x2020]  }
0x2ea: {  	[tilespmem:s0+$0x90] =	vst v3;
	v3 =	vadd.f32 v6, v1;
	v6 =	vld [tilespmem:s0+$0x4020]  }
0x2eb: {  	[tilespmem:s0+$0x2090] =	vst v7;
	v1 =	vadd.f32 v4, v1;
	v4 =	vld [tilespmem:s0+$0x6020]  }
0x2ec: {  	[tilespmem:s0+$0x4090] =	vst v3;
	v3 =	vld [tilespmem:s0+$0x180A0]  }
0x2ed: {  	[tilespmem:s0+$0x6090] =	vst v1;
	v1 =	vadd.f32 v5, v2;
	v5 =	vld [tilespmem:s0+$0xA0]  }
0x2ee: {  	v7 =	vadd.f32 v8, v2;
	v8 =	vld [tilespmem:s0+$0x20A0]  }
0x2ef: {  	[tilespmem:s0+$0x20] =	vst v1;
	v1 =	vadd.f32 v6, v2;
	v6 =	vld [tilespmem:s0+$0x40A0]  }
0x2f0: {  	[tilespmem:s0+$0x2020] =	vst v7;
	v2 =	vadd.f32 v4, v2;
	v4 =	vld [tilespmem:s0+$0x60A0]  }
0x2f1: {  	[tilespmem:s0+$0x4020] =	vst v1;
	v1 =	vld [tilespmem:s0+$0x18030]  }
0x2f2: {  	[tilespmem:s0+$0x6020] =	vst v2;
	v2 =	vadd.f32 v5, v3;
	v5 =	vld [tilespmem:s0+$0x30]  }
0x2f3: {  	v7 =	vadd.f32 v8, v3;
	v8 =	vld [tilespmem:s0+$0x2030]  }
0x2f4: {  	[tilespmem:s0+$0xA0] =	vst v2;
	v2 =	vadd.f32 v6, v3;
	v6 =	vld [tilespmem:s0+$0x4030]  }
0x2f5: {  	[tilespmem:s0+$0x20A0] =	vst v7;
	v3 =	vadd.f32 v4, v3;
	v4 =	vld [tilespmem:s0+$0x6030]  }
0x2f6: {  	[tilespmem:s0+$0x40A0] =	vst v2;
	v2 =	vld [tilespmem:s0+$0x180B0]  }
0x2f7: {  	[tilespmem:s0+$0x60A0] =	vst v3;
	v3 =	vadd.f32 v5, v1;
	v5 =	vld [tilespmem:s0+$0xB0]  }
0x2f8: {  	v7 =	vadd.f32 v8, v1;
	v8 =	vld [tilespmem:s0+$0x20B0]  }
0x2f9: {  	[tilespmem:s0+$0x30] =	vst v3;
	v3 =	vadd.f32 v6, v1;
	v6 =	vld [tilespmem:s0+$0x40B0]  }
0x2fa: {  	[tilespmem:s0+$0x2030] =	vst v7;
	v1 =	vadd.f32 v4, v1;
	v4 =	vld [tilespmem:s0+$0x60B0]  }
0x2fb: {  	[tilespmem:s0+$0x4030] =	vst v3;
	v3 =	vld [tilespmem:s0+$0x18040]  }
0x2fc: {  	[tilespmem:s0+$0x6030] =	vst v1;
	v1 =	vadd.f32 v5, v2;
	v5 =	vld [tilespmem:s0+$0x40]  }
0x2fd: {  	v7 =	vadd.f32 v8, v2;
	v8 =	vld [tilespmem:s0+$0x2040]  }
0x2fe: {  	[tilespmem:s0+$0xB0] =	vst v1;
	v1 =	vadd.f32 v6, v2;
	v6 =	vld [tilespmem:s0+$0x4040]  }
0x2ff: {  	[tilespmem:s0+$0x20B0] =	vst v7;
	v2 =	vadd.f32 v4, v2;
	v4 =	vld [tilespmem:s0+$0x6040]  }
0x300: {  	[tilespmem:s0+$0x40B0] =	vst v1;
	v1 =	vld [tilespmem:s0+$0x180C0]  }
0x301: {  	[tilespmem:s0+$0x60B0] =	vst v2;
	v2 =	vadd.f32 v5, v3;
	v5 =	vld [tilespmem:s0+$0xC0]  }
0x302: {  	v7 =	vadd.f32 v8, v3;
	v8 =	vld [tilespmem:s0+$0x20C0]  }
0x303: {  	[tilespmem:s0+$0x40] =	vst v2;
	v2 =	vadd.f32 v6, v3;
	v6 =	vld [tilespmem:s0+$0x40C0]  }
0x304: {  	[tilespmem:s0+$0x2040] =	vst v7;
	v3 =	vadd.f32 v4, v3;
	v4 =	vld [tilespmem:s0+$0x60C0]  }
0x305: {  	[tilespmem:s0+$0x4040] =	vst v2;
	v2 =	vld [tilespmem:s0+$0x18050]  }
0x306: {  	[tilespmem:s0+$0x6040] =	vst v3;
	v3 =	vadd.f32 v5, v1;
	v5 =	vld [tilespmem:s0+$0x50]  }
0x307: {  	v7 =	vadd.f32 v8, v1;
	v8 =	vld [tilespmem:s0+$0x2050]  }
0x308: {  	[tilespmem:s0+$0xC0] =	vst v3;
	v3 =	vadd.f32 v6, v1;
	v6 =	vld [tilespmem:s0+$0x4050]  }
0x309: {  	[tilespmem:s0+$0x20C0] =	vst v7;
	v1 =	vadd.f32 v4, v1;
	v4 =	vld [tilespmem:s0+$0x6050]  }
0x30a: {  	[tilespmem:s0+$0x40C0] =	vst v3;
	v3 =	vld [tilespmem:s0+$0x180D0]  }
0x30b: {  	[tilespmem:s0+$0x60C0] =	vst v1;
	v1 =	vadd.f32 v5, v2;
	v5 =	vld [tilespmem:s0+$0xD0]  }
0x30c: {  	v7 =	vadd.f32 v8, v2;
	v8 =	vld [tilespmem:s0+$0x20D0]  }
0x30d: {  	[tilespmem:s0+$0x50] =	vst v1;
	v1 =	vadd.f32 v6, v2;
	v6 =	vld [tilespmem:s0+$0x40D0]  }
0x30e: {  	[tilespmem:s0+$0x2050] =	vst v7;
	v2 =	vadd.f32 v4, v2;
	v4 =	vld [tilespmem:s0+$0x60D0]  }
0x30f: {  	[tilespmem:s0+$0x4050] =	vst v1;
	v1 =	vld [tilespmem:s0+$0x18060]  }
0x310: {  	[tilespmem:s0+$0x6050] =	vst v2;
	v2 =	vadd.f32 v5, v3;
	v5 =	vld [tilespmem:s0+$0x60]  }
0x311: {  	v7 =	vadd.f32 v8, v3;
	v8 =	vld [tilespmem:s0+$0x2060]  }
0x312: {  	[tilespmem:s0+$0xD0] =	vst v2;
	v2 =	vadd.f32 v6, v3;
	v6 =	vld [tilespmem:s0+$0x4060]  }
0x313: {  	[tilespmem:s0+$0x20D0] =	vst v7;
	v3 =	vadd.f32 v4, v3;
	v4 =	vld [tilespmem:s0+$0x6060]  }
0x314: {  	[tilespmem:s0+$0x40D0] =	vst v2;
	v2 =	vld [tilespmem:s0+$0x180E0]  }
0x315: {  	[tilespmem:s0+$0x60D0] =	vst v3;
	v3 =	vadd.f32 v5, v1;
	v5 =	vld [tilespmem:s0+$0xE0]  }
0x316: {  	v7 =	vadd.f32 v8, v1;
	v8 =	vld [tilespmem:s0+$0x20E0]  }
0x317: {  	[tilespmem:s0+$0x60] =	vst v3;
	v3 =	vadd.f32 v6, v1;
	v9 =	vld [tilespmem:s0+$0x40E0]  }
0x318: {  	[tilespmem:s0+$0x2060] =	vst v7;
	v4 =	vadd.f32 v4, v1;
	v7 =	vld [tilespmem:s0+$0x60E0]  }
0x319: {  	[tilespmem:s0+$0x4060] =	vst v3;
	v1 =	vld [tilespmem:s0+$0x18070]  }
0x31a: {  	[tilespmem:s0+$0x6060] =	vst v4;
	v3 =	vadd.f32 v5, v2;
	v5 =	vld [tilespmem:s0+$0x70]  }
.Ltmp5:
0x31b: {  	v4 =	vadd.f32 v8, v2;
	v6 =	vld [tilespmem:s0+$0x2070];
	(pc) =	sbr.rel @p0 .LBB2_9-.Ltmp5, $4  }
0x31c: {  	[tilespmem:s0+$0xE0] =	vst v3;
	v8 =	vadd.f32 v9, v2;
	v3 =	vld [tilespmem:s0+$0x4070]  }
0x31d: {  	[tilespmem:s0+$0x20E0] =	vst v4;
	v7 =	vadd.f32 v7, v2;
	v4 =	vld [tilespmem:s0+$0x6070]  }
0x31e: {  	[tilespmem:s0+$0x40E0] =	vst v8;
	v2 =	vld [tilespmem:s0+$0xF0]  }
0x31f: {  	s20 =	sadd.s32 $0x400, s20;
	[tilespmem:s0+$0x60E0] =	vst v7;
	v7 =	vadd.f32 v5, v1;
	v5 =	vld [tilespmem:s0+$0x20F0]  }
0x320: {  	v6 =	vadd.f32 v6, v1;
	v8 =	vld [tilespmem:s0+$0x40F0]  }
0x321: {  	[tilespmem:s0+$0x70] =	vst v7;
	v3 =	vadd.f32 v3, v1  }
0x322: {  	[tilespmem:s0+$0x2070] =	vst v6;
	v1 =	vadd.f32 v4, v1  }
0x323: {  	s19 =	sadd.s32 $0x6, s28;
	[tilespmem:s0+$0x4070] =	vst v3;
	v2 =	vadd.f32 v2, v0  }
0x324: {  	s20 =	sadd.s32 s6, s19;
	s19 =	sshll.u32 s19, $0x4;
	[tilespmem:s0+$0x6070] =	vst v1;
	v1 =	vadd.f32 v5, v0  }
0x325: {  	s21 =	sshll.u32 s20, $0x9;
	s19 =	sand.u32 $0x60, s19;
	[tilespmem:s0+$0xF0] =	vst v2;
	v0 =	vadd.f32 v8, v0  }
0x326: {  	s21 =	sand.u32 $0x1FF000, s21;
	s19 =	sadd.s32 s4, s19;
	[tilespmem:s0+$0x20F0] =	vst v1  }
0x327: {  	s21 =	sadd.s32 s21, s19;
	[tilespmem:s0+$0x40F0] =	vst v0  }
0x328: {  	[hbm4b:s21+s25] =	stream.strided.scatter [tilespmem:s5], [sflag:$0x7], $0x2000, s26, s25, $0x38;
	[tilespmem:$0x1E000] =	vst v63  }
0x329: {  	s19 =	sadd.s32 $0x100000, s21  }
0x32a: {  	[hbm4b:s19+s25] =	stream.strided.scatter [tilespmem:s29], [sflag:$0x7], $0x2000, s26, s25, $0x38;
	[tilespmem:$0x1E000] =	vst v63  }
0x32b: {  	s22 =	sadd.s32 $0x200000, s21  }
0x32c: {  	[hbm4b:s22+s25] =	stream.strided.scatter [tilespmem:s30], [sflag:$0x7], $0x2000, s26, s25, $0x38;
	[tilespmem:$0x1E000] =	vst v63  }
0x32d: {  	p0 =	seq.s32 s16, $0x9;
	s0 =	sadd.s32 $0x300000, s21  }
0x32e: {  	[hbm4b:s0+s25] =	stream.strided.scatter [tilespmem:s31], [sflag:$0x7], $0x2000, s26, s25, $0x38;
	[tilespmem:$0x1E000] =	vst v63  }
0x32f: {  	s0 =	sadd.s32 @!p0 $0x4, s20  }
0x330: {  	s21 =	simm.s32 @!p0 $0x400;
	s19 =	sshll.u32 @!p0 s0, $0x9;
	s0 =	sshll.u32 @!p0 s0, $0x4  }
0x331: {  	_ =	swait.ge [sflag:s14], $0x8000;
	s19 =	sand.u32 @!p0 $0xFFFF000, s19;
	s0 =	sand.u32 @!p0 $0x60, s0  }
0x332: {  	s22 =	simm.s32 @!p0 $0x1C000;
	[sflag:s14] =	ssyncset.done $0x0;
	s0 =	sor.u32 @!p0 s0, s19  }
0x333: {  	s20 =	simm.s32 @!p0 $0x100;
	[sflag:s14] =	ssyncadd.s32 $0xFFFF8000;
	s19 =	sadd.s32 @!p0 s3, s0  }
0x334: {  	[tilespmem:s22], [sflag:$0x6] =	stream.strided.gather @!p0 [hbm4b:s19+s20], $0x2000, s21, s20, $0x38;
	[tilespmem:$0x1E000] =	vst v63  }
0x335: {  	s0 =	sadd.s32 @!p0 s1, s0;
	s19 =	simm.s32 @!p0 $0x10000  }
0x336: {  	[tilespmem:s19], [sflag:$0x3] =	stream.strided.gather @!p0 [hbm4b:s0+s20], $0x2000, s21, s20, $0x38;
	[tilespmem:$0x1E000] =	vst v63  }
0x337: {  	s22 =	simm.s32 @!p0 $0x12000;
	s19 =	sadd.s32 @!p0 $0x100000, s0  }
0x338: {  	[tilespmem:s22], [sflag:$0x3] =	stream.strided.gather @!p0 [hbm4b:s19+s20], $0x2000, s21, s20, $0x38;
	[tilespmem:$0x1E000] =	vst v63  }
0x339: {  	s19 =	sadd.s32 @!p0 $0x200000, s0;
	s22 =	simm.s32 @!p0 $0x14000  }
0x33a: {  	[tilespmem:s22], [sflag:$0x3] =	stream.strided.gather @!p0 [hbm4b:s19+s20], $0x2000, s21, s20, $0x38;
	[tilespmem:$0x1E000] =	vst v63  }
0x33b: {  	s0 =	sadd.s32 @!p0 $0x300000, s0;
	s19 =	simm.s32 @!p0 $0x16000  }
0x33c: {  	[tilespmem:s19], [sflag:$0x3] =	stream.strided.gather @!p0 [hbm4b:s0+s20], $0x2000, s21, s20, $0x38;
	[tilespmem:$0x1E000] =	vst v63  }
0x33d: {  	_ =	swait.ge [sflag:s23], $0x2000  }
0x33e: {  	[sflag:s23] =	ssyncset.done $0x0  }
0x33f: {  	[sflag:s23] =	ssyncadd.s32 $0xFFFFE000  }
0x340: {  	_ =	swait.ge [sflag:s24], $0x8000  }
0x341: {  	[sflag:s24] =	ssyncset.done $0x0  }
0x342: {  	s0 =	simm.s32 $0x0;
	[sflag:s24] =	ssyncadd.s32 $0xFFFF8000  }
0x343: {  	v0 =	vld [tilespmem:s0+$0x1A0F0]  }
0x344: {  	v1 =	vld [tilespmem:s0+$0x1A000]  }
0x345: {  	v2 =	vld [tilespmem:s0+$0x8000]  }
0x346: {  	v3 =	vld [tilespmem:s0+$0xA000]  }
0x347: {  	v4 =	vld [tilespmem:s0+$0xC000]  }
0x348: {  	v5 =	vld [tilespmem:s0+$0xE000]  }
0x349: {  	v6 =	vld [tilespmem:s0+$0x1A080]  }
0x34a: {  	v7 =	vld [tilespmem:s0+$0x8080]  }
0x34b: {  	v8 =	vld [tilespmem:s0+$0xA080]  }
0x34c: {  	v9 =	vld [tilespmem:s0+$0xE0F0]  }
0x34d: {  	v10 =	vld [tilespmem:s0+$0x1A010]  }
0x34e: {  	v11 =	vld [tilespmem:s0+$0x8010]  }
0x34f: {  	v12 =	vld [tilespmem:s0+$0xA010]  }
0x350: {  	v13 =	vld [tilespmem:s0+$0xC010]  }
0x351: {  	v14 =	vld [tilespmem:s0+$0xE010]  }
0x352: {  	v15 =	vld [tilespmem:s0+$0x1A090]  }
0x353: {  	v16 =	vld [tilespmem:s0+$0x8090]  }
0x354: {  	v17 =	vld [tilespmem:s0+$0xE080]  }
0x355: {  	v18 =	vld [tilespmem:s0+$0x1A020]  }
0x356: {  	v19 =	vld [tilespmem:s0+$0x8020]  }
0x357: {  	v38 =	vld [tilespmem:s0+$0xC090];
	v2 =	vadd.f32 v2, v1  }
0x358: {  	v20 =	vld [tilespmem:s0+$0xA020];
	v3 =	vadd.f32 v3, v1  }
0x359: {  	v21 =	vld [tilespmem:s0+$0xC020];
	v11 =	vadd.f32 v11, v10;
	[tilespmem:s0+$0x8000] =	vst v2  }
0x35a: {  	v23 =	vld [tilespmem:s0+$0x1A0A0];
	v12 =	vadd.f32 v12, v10;
	[tilespmem:s0+$0xA000] =	vst v3  }
0x35b: {  	v24 =	vld [tilespmem:s0+$0x80A0];
	v19 =	vadd.f32 v19, v18;
	[tilespmem:s0+$0x8010] =	vst v11  }
0x35c: {  	v45 =	vld [tilespmem:s0+$0x1A040];
	v9 =	vadd.f32 v9, v0;
	[tilespmem:s0+$0xA010] =	vst v12  }
0x35d: {  	v46 =	vld [tilespmem:s0+$0x8040];
	v4 =	vadd.f32 v4, v1;
	[tilespmem:s0+$0x8020] =	vst v19  }
0x35e: {  	v49 =	vld [tilespmem:s0+$0xC040];
	v1 =	vadd.f32 v5, v1;
	[tilespmem:s0+$0xE0F0] =	vst v9  }
0x35f: {  	v22 =	vld [tilespmem:s0+$0xE020];
	v43 =	vadd.f32 v16, v15;
	[tilespmem:s0+$0xC000] =	vst v4  }
0x360: {  	v39 =	vld [tilespmem:s0+$0xA0A0];
	v47 =	vadd.f32 v21, v18;
	[tilespmem:s0+$0xE000] =	vst v1  }
0x361: {  	v40 =	vld [tilespmem:s0+$0xE090];
	v50 =	vadd.f32 v24, v23;
	[tilespmem:s0+$0x8090] =	vst v43  }
0x362: {  	v41 =	vld [tilespmem:s0+$0xE030];
	v52 =	vadd.f32 v46, v45;
	[tilespmem:s0+$0xC020] =	vst v47  }
0x363: {  	v42 =	vld [tilespmem:s0+$0x1A0B0];
	v58 =	vadd.f32 v49, v45;
	[tilespmem:s0+$0x80A0] =	vst v50  }
0x364: {  	v2 =	vld [tilespmem:s0+$0xC080];
	v4 =	vadd.f32 v7, v6;
	[tilespmem:s0+$0x8040] =	vst v52  }
0x365: {  	v54 =	vld [tilespmem:s0+$0xE0B0];
	v1 =	vadd.f32 v8, v6;
	[tilespmem:s0+$0xC040] =	vst v58  }
0x366: {  	v5 =	vld [tilespmem:s0+$0xC0A0];
	v11 =	vadd.f32 v38, v15;
	[tilespmem:s0+$0x8080] =	vst v4  }
0x367: {  	v7 =	vld [tilespmem:s0+$0x1A030];
	v12 =	vadd.f32 v39, v23;
	[tilespmem:s0+$0xA080] =	vst v1  }
0x368: {  	v8 =	vld [tilespmem:s0+$0x8030];
	v1 =	vadd.f32 v17, v6;
	[tilespmem:s0+$0xC090] =	vst v11  }
0x369: {  	v3 =	vld [tilespmem:s0+$0xA090];
	[tilespmem:s0+$0xA0A0] =	vst v12;
	v2 =	vadd.f32 v2, v6  }
0x36a: {  	v44 =	vld [tilespmem:s0+$0xC0B0];
	v11 =	vadd.f32 v54, v42;
	[tilespmem:s0+$0xE080] =	vst v1  }
0x36b: {  	v48 =	vld [tilespmem:s0+$0xA040];
	[tilespmem:s0+$0xC080] =	vst v2;
	v2 =	vadd.f32 v13, v10  }
0x36c: {  	v51 =	vld [tilespmem:s0+$0xE040];
	v5 =	vadd.f32 v5, v23;
	[tilespmem:s0+$0xE0B0] =	vst v11  }
0x36d: {  	v53 =	vld [tilespmem:s0+$0x80C0];
	[tilespmem:s0+$0xC010] =	vst v2;
	v2 =	vadd.f32 v8, v7  }
0x36e: {  	v6 =	vld [tilespmem:s0+$0xC030];
	v3 =	vadd.f32 v3, v15;
	[tilespmem:s0+$0xC0A0] =	vst v5  }
0x36f: {  	v1 =	vadd.f32 v20, v18;
	[tilespmem:s0+$0x8030] =	vst v2;
	v2 =	vld [tilespmem:s0+$0xE0A0]  }
0x370: {  	v4 =	vld [tilespmem:s0+$0xA030];
	[tilespmem:s0+$0xA090] =	vst v3;
	v3 =	vadd.f32 v40, v15  }
0x371: {  	[tilespmem:s0+$0xA020] =	vst v1;
	v1 =	vld [tilespmem:s0+$0xA0B0];
	v10 =	vadd.f32 v14, v10  }
0x372: {  	v8 =	vld [tilespmem:s0+$0x80B0];
	[tilespmem:s0+$0xE090] =	vst v3;
	v3 =	vadd.f32 v22, v18  }
0x373: {  	v55 =	vld [tilespmem:s0+$0xC0C0];
	[tilespmem:s0+$0xE010] =	vst v10;
	v5 =	vadd.f32 v6, v7  }
0x374: {  	v56 =	vld [tilespmem:s0+$0xE050];
	[tilespmem:s0+$0xE020] =	vst v3;
	v2 =	vadd.f32 v2, v23  }
0x375: {  	v6 =	vld [tilespmem:s0+$0x1A050];
	v3 =	vadd.f32 v4, v7;
	[tilespmem:s0+$0xC030] =	vst v5  }
0x376: {  	v1 =	vadd.f32 v1, v42;
	[tilespmem:s0+$0xE0A0] =	vst v2;
	v2 =	vadd.f32 v41, v7;
	v7 =	vld [tilespmem:s0+$0x8050]  }
0x377: {  	v4 =	vld [tilespmem:s0+$0x1A0C0];
	[tilespmem:s0+$0xA030] =	vst v3;
	v5 =	vadd.f32 v8, v42  }
0x378: {  	[tilespmem:s0+$0xA0B0] =	vst v1;
	v1 =	vadd.f32 v48, v45;
	v8 =	vld [tilespmem:s0+$0xA050]  }
0x379: {  	v3 =	vld [tilespmem:s0+$0xA0C0];
	[tilespmem:s0+$0x80B0] =	vst v5;
	v5 =	vadd.f32 v44, v42  }
0x37a: {  	v57 =	vld [tilespmem:s0+$0x1A0D0];
	v14 =	vadd.f32 v51, v45;
	[tilespmem:s0+$0xA040] =	vst v1  }
0x37b: {  	v1 =	vld [tilespmem:s0+$0xA0D0];
	[tilespmem:s0+$0xC0B0] =	vst v5;
	v5 =	vadd.f32 v7, v6  }
0x37c: {  	v59 =	vld [tilespmem:s0+$0xC0D0];
	[tilespmem:s0+$0xE040] =	vst v14  }
0x37d: {  	v8 =	vadd.f32 v8, v6;
	[tilespmem:s0+$0x8050] =	vst v5;
	v5 =	vld [tilespmem:s0+$0xE0C0]  }
0x37e: {  	v3 =	vadd.f32 v3, v4;
	[tilespmem:s0+$0xE030] =	vst v2;
	v2 =	vld [tilespmem:s0+$0xC050]  }
0x37f: {  	v61 =	vld [tilespmem:s0+$0x1A060];
	[tilespmem:s0+$0xA050] =	vst v8;
	v8 =	vadd.f32 v53, v4  }
0x380: {  	[tilespmem:s0+$0xA0C0] =	vst v3;
	v1 =	vadd.f32 v1, v57;
	v7 =	vld [tilespmem:s0+$0x80D0]  }
0x381: {  	v62 =	vld [tilespmem:s0+$0x8060];
	[tilespmem:s0+$0x80C0] =	vst v8;
	v8 =	vadd.f32 v55, v4  }
0x382: {  	v60 =	vld [tilespmem:s0+$0xE0D0];
	[tilespmem:s0+$0xA0D0] =	vst v1;
	v3 =	vadd.f32 v5, v4  }
0x383: {  	[tilespmem:s0+$0xC0C0] =	vst v8;
	v2 =	vadd.f32 v2, v6;
	v4 =	vld [tilespmem:s0+$0xA060]  }
0x384: {  	v8 =	vld [tilespmem:s0+$0x80E0];
	[tilespmem:s0+$0xE0C0] =	vst v3;
	v3 =	vadd.f32 v56, v6  }
0x385: {  	[tilespmem:s0+$0xC050] =	vst v2;
	v2 =	vadd.f32 v7, v57;
	v5 =	vld [tilespmem:s0+$0xC060]  }
0x386: {  	v6 =	vld [tilespmem:s0+$0xE060];
	[tilespmem:s0+$0xE050] =	vst v3;
	v3 =	vadd.f32 v62, v61  }
0x387: {  	v1 =	vadd.f32 v60, v57;
	v7 =	vld [tilespmem:s0+$0x1A0E0];
	[tilespmem:s0+$0x80D0] =	vst v2  }
0x388: {  	v2 =	vld [tilespmem:s0+$0xA0E0];
	[tilespmem:s0+$0x8060] =	vst v3;
	v3 =	vadd.f32 v4, v61  }
0x389: {  	v63 =	vld [tilespmem:s0+$0xC0E0];
	[tilespmem:s0+$0xE0D0] =	vst v1;
	v4 =	vadd.f32 v59, v57  }
0x38a: {  	[tilespmem:s0+$0xA060] =	vst v3;
	v3 =	vadd.f32 v5, v61;
	v5 =	vld [tilespmem:s0+$0xE0E0]  }
0x38b: {  	v1 =	vld [tilespmem:s0+$0x1A070];
	[tilespmem:s0+$0xC0D0] =	vst v4;
	v4 =	vadd.f32 v6, v61  }
0x38c: {  	[tilespmem:s0+$0xC060] =	vst v3;
	v3 =	vadd.f32 v8, v7;
	v8 =	vld [tilespmem:s0+$0x8070]  }
0x38d: {  	v2 =	vadd.f32 v2, v7;
	v6 =	vld [tilespmem:s0+$0xA070];
	[tilespmem:s0+$0xE060] =	vst v4  }
0x38e: {  	v4 =	vld [tilespmem:s0+$0xC070];
	[tilespmem:s0+$0x80E0] =	vst v3;
	v3 =	vadd.f32 v63, v7  }
0x38f: {  	[tilespmem:s0+$0xA0E0] =	vst v2;
	v7 =	vadd.f32 v5, v7;
	v5 =	vld [tilespmem:s0+$0xE070]  }
0x390: {  	v2 =	vld [tilespmem:s0+$0x80F0];
	[tilespmem:s0+$0xC0E0] =	vst v3  }
0x391: {  	s19 =	simm.s32 $0x0;
	s20 =	simm.s32 $0x400;
	v3 =	vld [tilespmem:s0+$0xA0F0];
	[tilespmem:s0+$0xE0E0] =	vst v7;
	v7 =	vadd.f32 v8, v1  }
.LBB2_11:
0x392: {  	s21 =	sshra.s32 s20, $0x2;
	v6 =	vadd.f32 v6, v1;
	v8 =	vld [tilespmem:s0+$0xC0F0]  }
0x393: {  	s19 =	sadd.s32 $0x8, s19;
	v9 =	vld [tilespmem:s21+$0x1A0F0];
	[tilespmem:s0+$0x8070] =	vst v7;
	v4 =	vadd.f32 v4, v1  }
0x394: {  	p1 =	slt.u32 s19, $0xF8;
	v7 =	vld [tilespmem:s21+$0xE0F0];
	[tilespmem:s0+$0xA070] =	vst v6;
	v1 =	vadd.f32 v5, v1  }
0x395: {  	v5 =	vld [tilespmem:s21+$0x1A000];
	[tilespmem:s0+$0xC070] =	vst v4;
	v2 =	vadd.f32 v2, v0  }
0x396: {  	v4 =	vld [tilespmem:s21+$0x8000];
	[tilespmem:s0+$0xE070] =	vst v1;
	v1 =	vadd.f32 v3, v0  }
0x397: {  	v3 =	vld [tilespmem:s21+$0xA000];
	[tilespmem:s0+$0x80F0] =	vst v2;
	v2 =	vadd.f32 v8, v0  }
0x398: {  	v6 =	vld [tilespmem:s21+$0xC000];
	[tilespmem:s0+$0xA0F0] =	vst v1;
	v0 =	vmov v9  }
0x399: {  	v1 =	vld [tilespmem:s21+$0xE000];
	v7 =	vadd.f32 v7, v0;
	[tilespmem:s0+$0xC0F0] =	vst v2;
	s0 =	smov.u32 s21  }
0x39a: {  	v2 =	vld [tilespmem:s0+$0x1A080]  }
0x39b: {  	v4 =	vadd.f32 v4, v5;
	v8 =	vld [tilespmem:s0+$0x8080];
	[tilespmem:s0+$0xE0F0] =	vst v7  }
0x39c: {  	v3 =	vadd.f32 v3, v5;
	v7 =	vld [tilespmem:s0+$0xA080]  }
0x39d: {  	[tilespmem:s0+$0x8000] =	vst v4;
	v4 =	vadd.f32 v6, v5;
	v6 =	vld [tilespmem:s0+$0xC080]  }
0x39e: {  	[tilespmem:s0+$0xA000] =	vst v3;
	v1 =	vadd.f32 v1, v5;
	v3 =	vld [tilespmem:s0+$0xE080]  }
0x39f: {  	[tilespmem:s0+$0xC000] =	vst v4;
	v4 =	vld [tilespmem:s0+$0x1A010]  }
0x3a0: {  	[tilespmem:s0+$0xE000] =	vst v1;
	v1 =	vadd.f32 v8, v2;
	v5 =	vld [tilespmem:s0+$0x8010]  }
0x3a1: {  	v7 =	vadd.f32 v7, v2;
	v8 =	vld [tilespmem:s0+$0xA010]  }
0x3a2: {  	[tilespmem:s0+$0x8080] =	vst v1;
	v1 =	vadd.f32 v6, v2;
	v6 =	vld [tilespmem:s0+$0xC010]  }
0x3a3: {  	[tilespmem:s0+$0xA080] =	vst v7;
	v2 =	vadd.f32 v3, v2;
	v3 =	vld [tilespmem:s0+$0xE010]  }
0x3a4: {  	[tilespmem:s0+$0xC080] =	vst v1;
	v1 =	vld [tilespmem:s0+$0x1A090]  }
0x3a5: {  	[tilespmem:s0+$0xE080] =	vst v2;
	v2 =	vadd.f32 v5, v4;
	v5 =	vld [tilespmem:s0+$0x8090]  }
0x3a6: {  	v7 =	vadd.f32 v8, v4;
	v8 =	vld [tilespmem:s0+$0xA090]  }
0x3a7: {  	[tilespmem:s0+$0x8010] =	vst v2;
	v2 =	vadd.f32 v6, v4;
	v6 =	vld [tilespmem:s0+$0xC090]  }
0x3a8: {  	[tilespmem:s0+$0xA010] =	vst v7;
	v3 =	vadd.f32 v3, v4;
	v4 =	vld [tilespmem:s0+$0xE090]  }
0x3a9: {  	[tilespmem:s0+$0xC010] =	vst v2;
	v2 =	vld [tilespmem:s0+$0x1A020]  }
0x3aa: {  	[tilespmem:s0+$0xE010] =	vst v3;
	v3 =	vadd.f32 v5, v1;
	v5 =	vld [tilespmem:s0+$0x8020]  }
0x3ab: {  	v7 =	vadd.f32 v8, v1;
	v8 =	vld [tilespmem:s0+$0xA020]  }
0x3ac: {  	[tilespmem:s0+$0x8090] =	vst v3;
	v3 =	vadd.f32 v6, v1;
	v6 =	vld [tilespmem:s0+$0xC020]  }
0x3ad: {  	[tilespmem:s0+$0xA090] =	vst v7;
	v1 =	vadd.f32 v4, v1;
	v4 =	vld [tilespmem:s0+$0xE020]  }
0x3ae: {  	[tilespmem:s0+$0xC090] =	vst v3;
	v3 =	vld [tilespmem:s0+$0x1A0A0]  }
0x3af: {  	[tilespmem:s0+$0xE090] =	vst v1;
	v1 =	vadd.f32 v5, v2;
	v5 =	vld [tilespmem:s0+$0x80A0]  }
0x3b0: {  	v7 =	vadd.f32 v8, v2;
	v8 =	vld [tilespmem:s0+$0xA0A0]  }
0x3b1: {  	[tilespmem:s0+$0x8020] =	vst v1;
	v1 =	vadd.f32 v6, v2;
	v6 =	vld [tilespmem:s0+$0xC0A0]  }
0x3b2: {  	[tilespmem:s0+$0xA020] =	vst v7;
	v2 =	vadd.f32 v4, v2;
	v4 =	vld [tilespmem:s0+$0xE0A0]  }
0x3b3: {  	[tilespmem:s0+$0xC020] =	vst v1;
	v1 =	vld [tilespmem:s0+$0x1A030]  }
0x3b4: {  	[tilespmem:s0+$0xE020] =	vst v2;
	v2 =	vadd.f32 v5, v3;
	v5 =	vld [tilespmem:s0+$0x8030]  }
0x3b5: {  	v7 =	vadd.f32 v8, v3;
	v8 =	vld [tilespmem:s0+$0xA030]  }
0x3b6: {  	[tilespmem:s0+$0x80A0] =	vst v2;
	v2 =	vadd.f32 v6, v3;
	v6 =	vld [tilespmem:s0+$0xC030]  }
0x3b7: {  	[tilespmem:s0+$0xA0A0] =	vst v7;
	v3 =	vadd.f32 v4, v3;
	v4 =	vld [tilespmem:s0+$0xE030]  }
0x3b8: {  	[tilespmem:s0+$0xC0A0] =	vst v2;
	v2 =	vld [tilespmem:s0+$0x1A0B0]  }
0x3b9: {  	[tilespmem:s0+$0xE0A0] =	vst v3;
	v3 =	vadd.f32 v5, v1;
	v5 =	vld [tilespmem:s0+$0x80B0]  }
0x3ba: {  	v7 =	vadd.f32 v8, v1;
	v8 =	vld [tilespmem:s0+$0xA0B0]  }
0x3bb: {  	[tilespmem:s0+$0x8030] =	vst v3;
	v3 =	vadd.f32 v6, v1;
	v6 =	vld [tilespmem:s0+$0xC0B0]  }
0x3bc: {  	[tilespmem:s0+$0xA030] =	vst v7;
	v1 =	vadd.f32 v4, v1;
	v4 =	vld [tilespmem:s0+$0xE0B0]  }
0x3bd: {  	[tilespmem:s0+$0xC030] =	vst v3;
	v3 =	vld [tilespmem:s0+$0x1A040]  }
0x3be: {  	[tilespmem:s0+$0xE030] =	vst v1;
	v1 =	vadd.f32 v5, v2;
	v5 =	vld [tilespmem:s0+$0x8040]  }
0x3bf: {  	v7 =	vadd.f32 v8, v2;
	v8 =	vld [tilespmem:s0+$0xA040]  }
0x3c0: {  	[tilespmem:s0+$0x80B0] =	vst v1;
	v1 =	vadd.f32 v6, v2;
	v6 =	vld [tilespmem:s0+$0xC040]  }
0x3c1: {  	[tilespmem:s0+$0xA0B0] =	vst v7;
	v2 =	vadd.f32 v4, v2;
	v4 =	vld [tilespmem:s0+$0xE040]  }
0x3c2: {  	[tilespmem:s0+$0xC0B0] =	vst v1;
	v1 =	vld [tilespmem:s0+$0x1A0C0]  }
0x3c3: {  	[tilespmem:s0+$0xE0B0] =	vst v2;
	v2 =	vadd.f32 v5, v3;
	v5 =	vld [tilespmem:s0+$0x80C0]  }
0x3c4: {  	v7 =	vadd.f32 v8, v3;
	v8 =	vld [tilespmem:s0+$0xA0C0]  }
0x3c5: {  	[tilespmem:s0+$0x8040] =	vst v2;
	v2 =	vadd.f32 v6, v3;
	v6 =	vld [tilespmem:s0+$0xC0C0]  }
0x3c6: {  	[tilespmem:s0+$0xA040] =	vst v7;
	v3 =	vadd.f32 v4, v3;
	v4 =	vld [tilespmem:s0+$0xE0C0]  }
0x3c7: {  	[tilespmem:s0+$0xC040] =	vst v2;
	v2 =	vld [tilespmem:s0+$0x1A050]  }
0x3c8: {  	[tilespmem:s0+$0xE040] =	vst v3;
	v3 =	vadd.f32 v5, v1;
	v5 =	vld [tilespmem:s0+$0x8050]  }
0x3c9: {  	v7 =	vadd.f32 v8, v1;
	v8 =	vld [tilespmem:s0+$0xA050]  }
0x3ca: {  	[tilespmem:s0+$0x80C0] =	vst v3;
	v3 =	vadd.f32 v6, v1;
	v6 =	vld [tilespmem:s0+$0xC050]  }
0x3cb: {  	[tilespmem:s0+$0xA0C0] =	vst v7;
	v1 =	vadd.f32 v4, v1;
	v4 =	vld [tilespmem:s0+$0xE050]  }
0x3cc: {  	[tilespmem:s0+$0xC0C0] =	vst v3;
	v3 =	vld [tilespmem:s0+$0x1A0D0]  }
0x3cd: {  	[tilespmem:s0+$0xE0C0] =	vst v1;
	v1 =	vadd.f32 v5, v2;
	v5 =	vld [tilespmem:s0+$0x80D0]  }
0x3ce: {  	v7 =	vadd.f32 v8, v2;
	v8 =	vld [tilespmem:s0+$0xA0D0]  }
0x3cf: {  	[tilespmem:s0+$0x8050] =	vst v1;
	v1 =	vadd.f32 v6, v2;
	v6 =	vld [tilespmem:s0+$0xC0D0]  }
0x3d0: {  	[tilespmem:s0+$0xA050] =	vst v7;
	v2 =	vadd.f32 v4, v2;
	v4 =	vld [tilespmem:s0+$0xE0D0]  }
0x3d1: {  	[tilespmem:s0+$0xC050] =	vst v1;
	v1 =	vld [tilespmem:s0+$0x1A060]  }
0x3d2: {  	[tilespmem:s0+$0xE050] =	vst v2;
	v2 =	vadd.f32 v5, v3;
	v5 =	vld [tilespmem:s0+$0x8060]  }
0x3d3: {  	v7 =	vadd.f32 v8, v3;
	v8 =	vld [tilespmem:s0+$0xA060]  }
0x3d4: {  	[tilespmem:s0+$0x80D0] =	vst v2;
	v2 =	vadd.f32 v6, v3;
	v6 =	vld [tilespmem:s0+$0xC060]  }
0x3d5: {  	[tilespmem:s0+$0xA0D0] =	vst v7;
	v3 =	vadd.f32 v4, v3;
	v4 =	vld [tilespmem:s0+$0xE060]  }
0x3d6: {  	[tilespmem:s0+$0xC0D0] =	vst v2;
	v2 =	vld [tilespmem:s0+$0x1A0E0]  }
0x3d7: {  	[tilespmem:s0+$0xE0D0] =	vst v3;
	v3 =	vadd.f32 v5, v1;
	v5 =	vld [tilespmem:s0+$0x80E0]  }
0x3d8: {  	v7 =	vadd.f32 v8, v1;
	v8 =	vld [tilespmem:s0+$0xA0E0]  }
0x3d9: {  	[tilespmem:s0+$0x8060] =	vst v3;
	v3 =	vadd.f32 v6, v1;
	v9 =	vld [tilespmem:s0+$0xC0E0]  }
0x3da: {  	[tilespmem:s0+$0xA060] =	vst v7;
	v4 =	vadd.f32 v4, v1;
	v7 =	vld [tilespmem:s0+$0xE0E0]  }
0x3db: {  	[tilespmem:s0+$0xC060] =	vst v3;
	v1 =	vld [tilespmem:s0+$0x1A070]  }
0x3dc: {  	[tilespmem:s0+$0xE060] =	vst v4;
	v3 =	vadd.f32 v5, v2;
	v10 =	vld [tilespmem:s0+$0x8070]  }
.Ltmp6:
0x3dd: {  	v5 =	vadd.f32 v8, v2;
	v6 =	vld [tilespmem:s0+$0xA070];
	(pc) =	sbr.rel @p1 .LBB2_11-.Ltmp6, $4  }
0x3de: {  	[tilespmem:s0+$0x80E0] =	vst v3;
	v3 =	vadd.f32 v9, v2;
	v4 =	vld [tilespmem:s0+$0xC070]  }
0x3df: {  	[tilespmem:s0+$0xA0E0] =	vst v5;
	v7 =	vadd.f32 v7, v2;
	v5 =	vld [tilespmem:s0+$0xE070]  }
0x3e0: {  	[tilespmem:s0+$0xC0E0] =	vst v3;
	v2 =	vld [tilespmem:s0+$0x80F0]  }
0x3e1: {  	s20 =	sadd.s32 $0x400, s20;
	[tilespmem:s0+$0xE0E0] =	vst v7;
	v7 =	vadd.f32 v10, v1;
	v3 =	vld [tilespmem:s0+$0xA0F0]  }
0x3e2: {  	v6 =	vadd.f32 v6, v1;
	v8 =	vld [tilespmem:s0+$0xC0F0]  }
0x3e3: {  	[tilespmem:s0+$0x8070] =	vst v7;
	v4 =	vadd.f32 v4, v1  }
0x3e4: {  	s19 =	sadd.s32 s28, s17;
	s20 =	smul.u32 $0x300, s16;
	[tilespmem:s0+$0xA070] =	vst v6;
	v61 =	vadd.f32 v5, v1  }
0x3e5: {  	s21 =	sshll.u32 s19, $0xC;
	[tilespmem:s0+$0xC070] =	vst v4;
	v2 =	vadd.f32 v2, v0  }
0x3e6: {  	s21 =	sand.u32 $0xFF8000, s21;
	s20 =	sand.u32 $0x300, s20;
	[tilespmem:s0+$0xE070] =	vst v61;
	v62 =	vadd.f32 v3, v0  }
0x3e7: {  	s20 =	sor.u32 s20, s21;
	[tilespmem:s0+$0x80F0] =	vst v2;
	v63 =	vadd.f32 v8, v0  }
0x3e8: {  	s20 =	sshrl.u32 s20, $0x3;
	[tilespmem:s0+$0xA0F0] =	vst v62  }
0x3e9: {  	s22 =	sadd.s32 s4, s20;
	[tilespmem:s0+$0xC0F0] =	vst v63  }
0x3ea: {  	[hbm4b:s22+s25] =	stream.strided.scatter [tilespmem:s2], [sflag:$0x8], $0x2000, s26, s25, $0x38;
	[tilespmem:$0x1E000] =	vst v63  }
0x3eb: {  	s20 =	sadd.s32 $0x100000, s22  }
0x3ec: {  	[hbm4b:s20+s25] =	stream.strided.scatter [tilespmem:s7], [sflag:$0x8], $0x2000, s26, s25, $0x38;
	[tilespmem:$0x1E000] =	vst v63  }
0x3ed: {  	s28 =	sadd.s32 $0x200000, s22  }
0x3ee: {  	[hbm4b:s28+s25] =	stream.strided.scatter [tilespmem:s9], [sflag:$0x8], $0x2000, s26, s25, $0x38;
	[tilespmem:$0x1E000] =	vst v63  }
.Ltmp7:
0x3ef: {  	s0 =	sadd.s32 $0x300000, s22;
	(pc) =	sbr.rel @p0 .LBB2_14-.Ltmp7, $4  }
0x3f0: {  	[hbm4b:s0+s25] =	stream.strided.scatter [tilespmem:s12], [sflag:$0x8], $0x2000, s26, s25, $0x38;
	[tilespmem:$0x1E000] =	vst v63  }
0x3f1: {  	_ =	swait.ge [sflag:s8], $0x8000  }
0x3f2: {  	[sflag:s8] =	ssyncset.done $0x0  }
0x3f3: {  	[sflag:s8] =	ssyncadd.s32 $0xFFFF8000  }
0x3f4: {  	s0 =	sadd.s32 $0x4, s19  }
0x3f5: {  	s19 =	sshll.u32 s0, $0x9;
	s0 =	sshll.u32 s0, $0x4  }
0x3f6: {  	s19 =	sand.u32 $0xFFFF000, s19;
	s0 =	sand.u32 $0x60, s0  }
0x3f7: {  	s0 =	sor.u32 s0, s19  }
0x3f8: {  	s20 =	simm.s32 $0x18000;
	s19 =	sadd.s32 s3, s0  }
0x3f9: {  	[tilespmem:s20], [sflag:$0x4] =	stream.strided.gather [hbm4b:s19+s25], $0x2000, s26, s25, $0x38;
	[tilespmem:$0x1E000] =	vst v63  }
0x3fa: {  	s0 =	sadd.s32 s1, s0  }
0x3fb: {  	[tilespmem:s5], [sflag:$0x1] =	stream.strided.gather [hbm4b:s0+s25], $0x2000, s26, s25, $0x38;
	[tilespmem:$0x1E000] =	vst v63  }
0x3fc: {  	s22 =	sadd.s32 $0x100000, s0  }
0x3fd: {  	[tilespmem:s29], [sflag:$0x1] =	stream.strided.gather [hbm4b:s22+s25], $0x2000, s26, s25, $0x38;
	[tilespmem:$0x1E000] =	vst v63  }
.Ltmp8:
0x3fe: {  	_ = 	snop;
	(pc) =	sbr.rel .LBB2_6-.Ltmp8, $4  }
0x3ff: {  	s28 =	sadd.s32 $0x200000, s0  }
0x400: {  	[tilespmem:s30], [sflag:$0x1] =	stream.strided.gather [hbm4b:s28+s25], $0x2000, s26, s25, $0x38;
	[tilespmem:$0x1E000] =	vst v63  }
0x401: {  	s16 =	sadd.s32 $0x1, s16;
	s0 =	sadd.s32 $0x300000, s0  }
0x402: {  	[tilespmem:s31], [sflag:$0x1] =	stream.strided.gather [hbm4b:s0+s25], $0x2000, s26, s25, $0x38;
	[tilespmem:$0x1E000] =	vst v63  }
.LBB2_15:
0x403: {  	_ =	sfence.sel $0x180000  }
0x404: {  	[bflag:$0x0] =	sbarrier.arrive $0xFFFF  }
0x405: {  	_ =	strace $0x90000047  }
0x406: {  	s0 =	stileid.u32;
	[bflag:$0x2] =	sbarrier.arrive $0xFFFF  }
0x407: {  	p0 =	sne.s32 s0, $0x0;
	s0 =	rddreg [dreg:$0x3]  }
0x408: {  	s0 =	sadd.s32 @!p0 $0x100000, s0  }
0x409: {  	[sflag:s0] =	ssyncadd.tile.s32 @!p0 $0x1;
	_ =	shalt  }
.Lfunc_end2:
_tile_overlayer_lowered:
.L_overlay_start_2:
0x40a: {  	(tag) =	ssettag $0x2  }
0x40b: {  	s0 =	rddreg [dreg:$0x0];
	s2 =	stileid.u32  }
0x40c: {  	s1 =	rddreg [dreg:$0x1];
	p0 =	sne.s32 s2, $0x0  }
0x40d: {  	s3 =	rddreg [dreg:$0x2];
	[bflag:$0x3] =	sbarrier.arrive $0xFFFF;
	s2 =	simm.s32 @!p0 $0x1C0A  }
0x40e: {  	[timem:s3], [sflag:s2] =	dma.local @!p0 [hbm:s0], s1  }
0x40f: {  	s0 =	simm.s32 @!p0 $0xA  }
0x410: {  	_ =	swait.ge @!p0 [sflag:s0], s1  }
0x411: {  	s1 =	ssub.s32 @!p0 $0x0, s1;
	[sflag:s0] =	ssyncset.done @!p0 $0x0  }
0x412: {  	[sflag:s0] =	ssyncadd.s32 @!p0 s1  }
0x413: {  	[bflag:$0x3] =	sbarrier.arrive $0xFFFF  }
0x414: {  	_ =	shalt  }

</sc_bundles>
